<compile_context>
chip_gen: v7x
topology: tpu7x:2x2x1
jax: 0.10.2.dev20260603
libtpu: 0.0.44.dev20260713+nightly
codegen_flags: <defaults>
</compile_context>

<pallas_src>
import jax
import jax.numpy as jnp
from jax import lax
from jax.experimental import pallas as pl
from jax.experimental.pallas import tpu as pltpu
from jax.experimental.pallas import tpu_sc as plsc

N = 10000
NPAD = 10240
E = 320000
EPAD = 327680
D = 128
H2 = 256
EPS = 1e-5

NC, NS, L = 2, 16, 16
SUB = 128
NSUB = 1
CHUNK = SUB * NSUB
ROWS_PER_TILE = NPAD // NS
ZROWS = 64

B = 1280
G = NPAD // B




def _make_sc_agg(feat_split: bool, with_deg: bool):
  mesh = plsc.VectorSubcoreMesh(core_axis_name="c", subcore_axis_name="s",
                                num_cores=NC, num_subcores=NS)
  out_type = [jax.ShapeDtypeStruct((2, NPAD, D), jnp.float32)]
  scratch = [
      pltpu.VMEM_SHARED((NPAD, D), jnp.float32),
      pltpu.VMEM((CHUNK, D), jnp.float32),
      pltpu.VMEM((CHUNK, D), jnp.float32),
      pltpu.VMEM((CHUNK,), jnp.int32),
      pltpu.VMEM((CHUNK,), jnp.int32),
      pltpu.VMEM((CHUNK,), jnp.int32),
      pltpu.VMEM((CHUNK,), jnp.int32),
      pltpu.SemaphoreType.DMA,
      pltpu.SemaphoreType.DMA,
      pltpu.SemaphoreType.DMA,
      pltpu.SemaphoreType.DMA,
  ]

  def body(tab, src1d, dst1d, agg_out, agg_sh,
           rows, rowsb, srcb, srcbb, dstb, dstbb, sema, semb, semc, semd):
    cid = lax.axis_index("c")
    sid = lax.axis_index("s")

    def zrow(i, _):
      for k in range(D // L):
        rows[i, pl.ds(k * L, L)] = jnp.zeros((L,), jnp.float32)
      return 0
    lax.fori_loop(0, CHUNK, zrow, 0)

    base_r = sid * ROWS_PER_TILE
    def zcp(i, _):
      pltpu.sync_copy(rows.at[pl.ds(0, ZROWS)],
                      agg_sh.at[pl.ds(base_r + i * ZROWS, ZROWS)])
      return 0
    lax.fori_loop(0, ROWS_PER_TILE // ZROWS, zcp, 0)
    plsc.subcore_barrier()

    if feat_split or with_deg:
      ebase = sid * (EPAD // NS)
      nchunks = EPAD // NS // CHUNK
    else:
      wid = cid * NS + sid
      ebase = wid * (EPAD // (NC * NS))
      nchunks = EPAD // (NC * NS) // CHUNK

    def start_gather(e0, sb, rb, sm):
      pltpu.sync_copy(src1d.at[pl.ds(e0, CHUNK)], sb)
      if feat_split:
        off = cid * NPAD
        for k in range(CHUNK // L):
          v = sb[pl.ds(k * L, L)]
          sb[pl.ds(k * L, L)] = v + off
      return pltpu.async_copy(tab.at[sb], rb, sm)

    npairs = nchunks // 2

    def pair(p_, _):
      eA = ebase + (2 * p_) * CHUNK
      eB = eA + CHUNK
      pltpu.sync_copy(dst1d.at[pl.ds(eA, CHUNK)], dstb)
      pltpu.sync_copy(dst1d.at[pl.ds(eB, CHUNK)], dstbb)
      pltpu.make_async_copy(tab.at[srcb], rows, sema).wait()
      sA = pltpu.async_copy(rows, agg_sh.at[dstb], semc, add=True)
      pltpu.make_async_copy(tab.at[srcbb], rowsb, semb).wait()
      sB = pltpu.async_copy(rowsb, agg_sh.at[dstbb], semd, add=True)
      sA.wait()
      sB.wait()
      @pl.when(p_ + 1 < npairs)
      def _():
        start_gather(eA + 2 * CHUNK, srcb, rows, sema)
        start_gather(eB + 2 * CHUNK, srcbb, rowsb, semb)
      return 0

    def pair_deg(p_, _):
      eA = ebase + (2 * p_) * CHUNK
      eB = eA + CHUNK
      pltpu.sync_copy(dst1d.at[pl.ds(eA, CHUNK)], dstb)
      pltpu.sync_copy(dst1d.at[pl.ds(eB, CHUNK)], dstbb)
      sA = pltpu.async_copy(rows, agg_sh.at[dstb], semc, add=True)
      sB = pltpu.async_copy(rowsb, agg_sh.at[dstbb], semd, add=True)
      sA.wait()
      sB.wait()
      return 0

    if with_deg:
      @pl.when(cid == 0)
      def _():
        start_gather(ebase, srcb, rows, sema)
        start_gather(ebase + CHUNK, srcbb, rowsb, semb)
        lax.fori_loop(0, npairs, pair, 0)
      @pl.when(cid == 1)
      def _():
        def orow(i, _):
          for k in range(D // L):
            rows[i, pl.ds(k * L, L)] = jnp.full((L,), 1.0, jnp.float32)
            rowsb[i, pl.ds(k * L, L)] = jnp.full((L,), 1.0, jnp.float32)
          return 0
        lax.fori_loop(0, CHUNK, orow, 0)
        lax.fori_loop(0, npairs, pair_deg, 0)
    else:
      start_gather(ebase, srcb, rows, sema)
      start_gather(ebase + CHUNK, srcbb, rowsb, semb)
      lax.fori_loop(0, npairs, pair, 0)
    plsc.subcore_barrier()

    def cpo(i, _):
      rr = base_r + i * ZROWS
      pltpu.sync_copy(agg_sh.at[pl.ds(rr, ZROWS)], agg_out.at[cid, pl.ds(rr, ZROWS)])
      return 0
    lax.fori_loop(0, ROWS_PER_TILE // ZROWS, cpo, 0)

  return pl.kernel(body, out_type=out_type, mesh=mesh, scratch_types=scratch)


def _dot(a, b):
  return jnp.dot(a, b, preferred_element_type=jnp.float32)


def _t0_body(aggp_ref, x_ref, wl_ref, wr_ref, bl_ref,
             y_ref, rdeg_ref, s_ref, ss_ref):
  rdeg = 1.0 / jnp.maximum(aggp_ref[1], 1.0)
  rdeg_ref[...] = rdeg
  mean = aggp_ref[0] * rdeg
  y = _dot(mean, wl_ref[...]) + _dot(x_ref[...], wr_ref[...]) + bl_ref[...]
  y_ref[...] = y
  i = pl.program_id(0)
  rows = lax.broadcasted_iota(jnp.int32, (B, 1), 0) + i * B
  ym = jnp.where(rows < N, y, 0.0)
  s = jnp.sum(ym, axis=0, keepdims=True)
  ss = jnp.sum(ym * ym, axis=0, keepdims=True)
  @pl.when(i == 0)
  def _():
    s_ref[...] = s
    ss_ref[...] = ss
  @pl.when(i != 0)
  def _():
    s_ref[...] += s
    ss_ref[...] += ss


def _bn_coeffs(s_ref, ss_ref, g_ref, b_ref):
  m = s_ref[...] / N
  v = ss_ref[...] / N - m * m
  scale = g_ref[...] * lax.rsqrt(v + EPS)
  shift = b_ref[...] - m * scale
  return scale, shift


def _t0b_body(y_ref, s_ref, ss_ref, g_ref, b_ref, h2_ref):
  scale, shift = _bn_coeffs(s_ref, ss_ref, g_ref, b_ref)
  h = jnp.maximum(y_ref[...] * scale + shift, 0.0)
  h2_ref[0] = h[:, :D]
  h2_ref[1] = h[:, D:]


def _t1_body(agg_ref, h2_ref, rdeg_ref, wl_ref, wr_ref, bl_ref,
             y_ref, s_ref, ss_ref):
  rdeg = rdeg_ref[...]
  y = (_dot(agg_ref[0] * rdeg, wl_ref[0:D]) +
       _dot(agg_ref[1] * rdeg, wl_ref[D:]) +
       _dot(h2_ref[0], wr_ref[0:D]) +
       _dot(h2_ref[1], wr_ref[D:]) + bl_ref[...])
  y_ref[...] = y
  i = pl.program_id(0)
  rows = lax.broadcasted_iota(jnp.int32, (B, 1), 0) + i * B
  ym = jnp.where(rows < N, y, 0.0)
  s = jnp.sum(ym, axis=0, keepdims=True)
  ss = jnp.sum(ym * ym, axis=0, keepdims=True)
  @pl.when(i == 0)
  def _():
    s_ref[...] = s
    ss_ref[...] = ss
  @pl.when(i != 0)
  def _():
    s_ref[...] += s
    ss_ref[...] += ss


def _t1b_body(y_ref, s_ref, ss_ref, g_ref, b_ref, wl2_ref, h_ref, p_ref):
  scale, shift = _bn_coeffs(s_ref, ss_ref, g_ref, b_ref)
  h = jnp.maximum(y_ref[...] * scale + shift, 0.0)
  h_ref[...] = h
  p_ref[...] = _dot(h, wl2_ref[...])


def _t2_body(aggp_ref, rdeg_ref, h_ref, wr2_ref, bl2_ref, o_ref):
  mean_wl = (aggp_ref[0] + aggp_ref[1]) * rdeg_ref[...]
  o_ref[...] = mean_wl + _dot(h_ref[...], wr2_ref[...]) + bl2_ref[...]


def _row_spec(w):
  return pl.BlockSpec((B, w), lambda i: (i, 0))


def _full_spec(shape):
  return pl.BlockSpec(shape, lambda i: tuple(0 for _ in shape))


def _stacked_spec(w):
  return pl.BlockSpec((2, B, w), lambda i: (0, i, 0))


_t0_call = pl.pallas_call(
    _t0_body, grid=(G,),
    in_specs=[_stacked_spec(D), _row_spec(D),
              _full_spec((D, H2)), _full_spec((D, H2)), _full_spec((1, H2))],
    out_specs=[_row_spec(H2), _row_spec(D), _full_spec((1, H2)),
               _full_spec((1, H2))],
    out_shape=[jax.ShapeDtypeStruct((NPAD, H2), jnp.float32),
               jax.ShapeDtypeStruct((NPAD, D), jnp.float32),
               jax.ShapeDtypeStruct((1, H2), jnp.float32),
               jax.ShapeDtypeStruct((1, H2), jnp.float32)],
)

_t0b_call = pl.pallas_call(
    _t0b_body, grid=(G,),
    in_specs=[_row_spec(H2), _full_spec((1, H2)), _full_spec((1, H2)),
              _full_spec((1, H2)), _full_spec((1, H2))],
    out_specs=[_stacked_spec(D)],
    out_shape=[jax.ShapeDtypeStruct((2, NPAD, D), jnp.float32)],
)

_t1_call = pl.pallas_call(
    _t1_body, grid=(G,),
    in_specs=[_stacked_spec(D), _stacked_spec(D), _row_spec(D),
              _full_spec((H2, H2)), _full_spec((H2, H2)), _full_spec((1, H2))],
    out_specs=[_row_spec(H2), _full_spec((1, H2)), _full_spec((1, H2))],
    out_shape=[jax.ShapeDtypeStruct((NPAD, H2), jnp.float32),
               jax.ShapeDtypeStruct((1, H2), jnp.float32),
               jax.ShapeDtypeStruct((1, H2), jnp.float32)],
)

_t1b_call = pl.pallas_call(
    _t1b_body, grid=(G,),
    in_specs=[_row_spec(H2), _full_spec((1, H2)), _full_spec((1, H2)),
              _full_spec((1, H2)), _full_spec((1, H2)), _full_spec((H2, D))],
    out_specs=[_row_spec(H2), _row_spec(D)],
    out_shape=[jax.ShapeDtypeStruct((NPAD, H2), jnp.float32),
               jax.ShapeDtypeStruct((NPAD, D), jnp.float32)],
)

_t2_call = pl.pallas_call(
    _t2_body, grid=(G,),
    in_specs=[_stacked_spec(D), _row_spec(D), _row_spec(H2),
              _full_spec((H2, D)), _full_spec((1, D))],
    out_specs=[_row_spec(D)],
    out_shape=[jax.ShapeDtypeStruct((NPAD, D), jnp.float32)],
)

_sc_cache = {}


def _sc_agg(feat_split, with_deg):
  key = (feat_split, with_deg)
  if key not in _sc_cache:
    _sc_cache[key] = _make_sc_agg(feat_split, with_deg)
  return _sc_cache[key]


def kernel(x, edge_index, Wl0, bl0, Wr0, g0, b0,
           Wl1, bl1, Wr1, g1, b1, Wl2, bl2, Wr2):
  x_pad = jnp.zeros((NPAD, D), jnp.float32).at[:N].set(x)
  npe = EPAD - E
  pad_idx = N + (jnp.arange(npe, dtype=jnp.int32) % (NPAD - N))
  src1d = jnp.concatenate([edge_index[0], pad_idx])
  dst1d = jnp.concatenate([edge_index[1], pad_idx])

  (agg0,) = _sc_agg(False, True)(x_pad, src1d, dst1d)


  y0, rdeg, s0, ss0 = _t0_call(agg0, x_pad, Wl0, Wr0, bl0.reshape(1, H2))
  (h0st,) = _t0b_call(y0, s0, ss0, g0.reshape(1, H2), b0.reshape(1, H2))
  (agg1,) = _sc_agg(True, False)(h0st.reshape(2 * NPAD, D), src1d, dst1d)
  y1, s1, ss1 = _t1_call(agg1, h0st, rdeg, Wl1, Wr1, bl1.reshape(1, H2))
  h1, p = _t1b_call(y1, s1, ss1, g1.reshape(1, H2), b1.reshape(1, H2), Wl2)
  (agg2,) = _sc_agg(False, False)(p, src1d, dst1d)
  (out,) = _t2_call(agg2, rdeg, h1, Wr2, bl2.reshape(1, D))
  return out[:N]

# --- scband reference (transcript-rebuilt; emitter-appended) ---
"""Pipeline reference for scband-sage-81063212744824 (READ-ONLY COPY).

The authoritative reference and input builder live on the scoring server;
editing this copy changes nothing except your own understanding.
"""

import jax, jax.numpy as jnp
import numpy as np

N = 10000
E = 320000
D_IN = 128
H = 128
H2 = 256  # 2 * hidden_channels
EPS = 1e-5


def _glorot(key, shape):
    fan_in = shape[0]
    return (jax.random.normal(key, shape, dtype=jnp.float32) / np.sqrt(fan_in)).astype(jnp.float32)


def setup_inputs(seed: int = 0) -> dict:
    key = jax.random.key(seed)
    ks = jax.random.split(key, 20)
    x = jax.random.normal(ks[0], (N, D_IN), dtype=jnp.float32)
    edge_index = jax.random.randint(ks[1], (2, E), 0, N, dtype=jnp.int32)
    # SAGEConv layer 0: in=D_IN, out=H2
    Wl0 = _glorot(ks[2], (D_IN, H2)); bl0 = jnp.zeros((H2,), jnp.float32); Wr0 = _glorot(ks[3], (D_IN, H2))
    g0 = jnp.ones((H2,), jnp.float32); b0 = jnp.zeros((H2,), jnp.float32)
    # SAGEConv layer 1: in=H2, out=H2
    Wl1 = _glorot(ks[4], (H2, H2)); bl1 = jnp.zeros((H2,), jnp.float32); Wr1 = _glorot(ks[5], (H2, H2))
    g1 = jnp.ones((H2,), jnp.float32); b1 = jnp.zeros((H2,), jnp.float32)
    # SAGEConv layer 2: in=H2, out=H
    Wl2 = _glorot(ks[6], (H2, H)); bl2 = jnp.zeros((H,), jnp.float32); Wr2 = _glorot(ks[7], (H2, H))
    return {"x": x, "edge_index": edge_index,
            "Wl0": Wl0, "bl0": bl0, "Wr0": Wr0, "g0": g0, "b0": b0,
            "Wl1": Wl1, "bl1": bl1, "Wr1": Wr1, "g1": g1, "b1": b1,
            "Wl2": Wl2, "bl2": bl2, "Wr2": Wr2}


def _sage_conv(x, edge_index, Wl, bl, Wr):
    # PyG SAGEConv with mean aggregation + root weight
    src = edge_index[0]
    dst = edge_index[1]
    msgs = jnp.take(x, src, axis=0)                      # gather
    agg = jax.ops.segment_sum(msgs, dst, num_segments=N)  # scatter-add
    deg = jax.ops.segment_sum(jnp.ones((msgs.shape[0],), jnp.float32), dst, num_segments=N)
    mean = agg / jnp.clip(deg, 1.0, None)[:, None]
    return mean @ Wl + bl + x @ Wr


def _bn(x, g, b):
    m = jnp.mean(x, axis=0)
    v = jnp.var(x, axis=0)
    return (x - m) / jnp.sqrt(v + EPS) * g + b


def reference(x, edge_index, Wl0, bl0, Wr0, g0, b0, Wl1, bl1, Wr1, g1, b1, Wl2, bl2, Wr2):
    # layer 0
    h = _sage_conv(x, edge_index, Wl0, bl0, Wr0)
    h = _bn(h, g0, b0)
    h = jax.nn.relu(h)
    # dropout is identity in eval mode
    # layer 1
    h = _sage_conv(h, edge_index, Wl1, bl1, Wr1)
    h = _bn(h, g1, b1)
    h = jax.nn.relu(h)
    # layer 2 (no bn/relu)
    out = _sage_conv(h, edge_index, Wl2, bl2, Wr2)
    return out

if __name__ == "__main__":
    import jax
    _d = setup_inputs()
    print(jax.jit(kernel)(*tuple(_d.values())))

</pallas_src>

<mosaic_0001>
#map = affine_map<(d0, d1) -> (0, 0)>
#map1 = affine_map<(d0, d1) -> (0)>
#map2 = affine_map<(d0, d1) -> (0, 0, 0)>
module attributes {stable_mosaic.version = 14 : i64} {
  func.func @body(%arg0: i32, %arg1: i32, %arg2: memref<10240x128xf32, #tpu.memory_space<hbm>>, %arg3: memref<327680xi32, #tpu.memory_space<hbm>>, %arg4: memref<327680xi32, #tpu.memory_space<hbm>>, %arg5: memref<2x10240x128xf32, #tpu.memory_space<hbm>>, %arg6: memref<10240x128xf32, #tpu.memory_space<vmem_shared>>, %arg7: memref<128x128xf32, #tpu.memory_space<vmem>>, %arg8: memref<128x128xf32, #tpu.memory_space<vmem>>, %arg9: memref<128xi32, #tpu.memory_space<vmem>>, %arg10: memref<128xi32, #tpu.memory_space<vmem>>, %arg11: memref<128xi32, #tpu.memory_space<vmem>>, %arg12: memref<128xi32, #tpu.memory_space<vmem>>, %arg13: memref<!tpu.dma_semaphore, #tpu.memory_space<semaphore_mem>>, %arg14: memref<!tpu.dma_semaphore, #tpu.memory_space<semaphore_mem>>, %arg15: memref<!tpu.dma_semaphore, #tpu.memory_space<semaphore_mem>>, %arg16: memref<!tpu.dma_semaphore, #tpu.memory_space<semaphore_mem>>) attributes {dimension_semantics = [#tpu.dimension_semantics<core_parallel>, #tpu.dimension_semantics<subcore_parallel>], iteration_bounds = array<i64: 2, 16>, scalar_prefetch = 0 : i64, scratch_operands = 11 : i64, tpu.core_type = #tpu.core_type<sc_vector_subcore>, window_params = [{transform_indices = #map}, {transform_indices = #map1}, {transform_indices = #map1}, {transform_indices = #map2}]} {
    %scan3A = arith.constant 0 : i32
    %scan3A_0 = arith.constant 0 : i32
    %scan3A_1 = arith.constant 128 : i32
    %scan3A_2 = arith.addi %scan3A_0, %scan3A_1 : i32
    %scan3A_3 = arith.constant 1 : i32
    %scan3A_4 = scf.for %scan3A_40 = %scan3A_0 to %scan3A_2 step %scan3A_3 iter_args(%scan3A_41 = %scan3A) -> (i32)  : i32 {
      %broadcast_in_dim3A = arith.constant 0.000000e+00 : f32
      %broadcast_in_dim3A_42 = vector.broadcast %broadcast_in_dim3A : f32 to vector<16xf32>
      %swap3A = arith.index_cast %scan3A_40 : i32 to index
      %swap3A_43 = arith.constant 0 : index
      %swap3A_44 = tpu.vector_load %arg7[%swap3A, %swap3A_43] {strides = array<i32>} : memref<128x128xf32, #tpu.memory_space<vmem>>, vector<1x16xf32>,
      %swap3A_45 = vector.shape_cast %swap3A_44 : vector<1x16xf32> to vector<16xf32>
      %swap3A_46 = vector.shape_cast %broadcast_in_dim3A_42 : vector<16xf32> to vector<1x16xf32>
      tpu.vector_store %arg7[%swap3A, %swap3A_43], %swap3A_46 {strides = array<i32>} : memref<128x128xf32, #tpu.memory_space<vmem>>, vector<1x16xf32>,
      %broadcast_in_dim3A_47 = arith.constant 0.000000e+00 : f32
      %broadcast_in_dim3A_48 = vector.broadcast %broadcast_in_dim3A_47 : f32 to vector<16xf32>
      %swap3A_49 = arith.index_cast %scan3A_40 : i32 to index
      %swap3A_50 = arith.constant 16 : index
      %swap3A_51 = tpu.vector_load %arg7[%swap3A_49, %swap3A_50] {strides = array<i32>} : memref<128x128xf32, #tpu.memory_space<vmem>>, vector<1x16xf32>,
      %swap3A_52 = vector.shape_cast %swap3A_51 : vector<1x16xf32> to vector<16xf32>
      %swap3A_53 = vector.shape_cast %broadcast_in_dim3A_48 : vector<16xf32> to vector<1x16xf32>
      tpu.vector_store %arg7[%swap3A_49, %swap3A_50], %swap3A_53 {strides = array<i32>} : memref<128x128xf32, #tpu.memory_space<vmem>>, vector<1x16xf32>,
      %broadcast_in_dim3A_54 = arith.constant 0.000000e+00 : f32
      %broadcast_in_dim3A_55 = vector.broadcast %broadcast_in_dim3A_54 : f32 to vector<16xf32>
      %swap3A_56 = arith.index_cast %scan3A_40 : i32 to index
      %swap3A_57 = arith.constant 32 : index
      %swap3A_58 = tpu.vector_load %arg7[%swap3A_56, %swap3A_57] {strides = array<i32>} : memref<128x128xf32, #tpu.memory_space<vmem>>, vector<1x16xf32>,
      %swap3A_59 = vector.shape_cast %swap3A_58 : vector<1x16xf32> to vector<16xf32>
      %swap3A_60 = vector.shape_cast %broadcast_in_dim3A_55 : vector<16xf32> to vector<1x16xf32>
      tpu.vector_store %arg7[%swap3A_56, %swap3A_57], %swap3A_60 {strides = array<i32>} : memref<128x128xf32, #tpu.memory_space<vmem>>, vector<1x16xf32>,
      %broadcast_in_dim3A_61 = arith.constant 0.000000e+00 : f32
      %broadcast_in_dim3A_62 = vector.broadcast %broadcast_in_dim3A_61 : f32 to vector<16xf32>
      %swap3A_63 = arith.index_cast %scan3A_40 : i32 to index
      %swap3A_64 = arith.constant 48 : index
      %swap3A_65 = tpu.vector_load %arg7[%swap3A_63, %swap3A_64] {strides = array<i32>} : memref<128x128xf32, #tpu.memory_space<vmem>>, vector<1x16xf32>,
      %swap3A_66 = vector.shape_cast %swap3A_65 : vector<1x16xf32> to vector<16xf32>
      %swap3A_67 = vector.shape_cast %broadcast_in_dim3A_62 : vector<16xf32> to vector<1x16xf32>
      tpu.vector_store %arg7[%swap3A_63, %swap3A_64], %swap3A_67 {strides = array<i32>} : memref<128x128xf32, #tpu.memory_space<vmem>>, vector<1x16xf32>,
      %broadcast_in_dim3A_68 = arith.constant 0.000000e+00 : f32
      %broadcast_in_dim3A_69 = vector.broadcast %broadcast_in_dim3A_68 : f32 to vector<16xf32>
      %swap3A_70 = arith.index_cast %scan3A_40 : i32 to index
      %swap3A_71 = arith.constant 64 : index
      %swap3A_72 = tpu.vector_load %arg7[%swap3A_70, %swap3A_71] {strides = array<i32>} : memref<128x128xf32, #tpu.memory_space<vmem>>, vector<1x16xf32>,
      %swap3A_73 = vector.shape_cast %swap3A_72 : vector<1x16xf32> to vector<16xf32>
      %swap3A_74 = vector.shape_cast %broadcast_in_dim3A_69 : vector<16xf32> to vector<1x16xf32>
      tpu.vector_store %arg7[%swap3A_70, %swap3A_71], %swap3A_74 {strides = array<i32>} : memref<128x128xf32, #tpu.memory_space<vmem>>, vector<1x16xf32>,
      %broadcast_in_dim3A_75 = arith.constant 0.000000e+00 : f32
      %broadcast_in_dim3A_76 = vector.broadcast %broadcast_in_dim3A_75 : f32 to vector<16xf32>
      %swap3A_77 = arith.index_cast %scan3A_40 : i32 to index
      %swap3A_78 = arith.constant 80 : index
      %swap3A_79 = tpu.vector_load %arg7[%swap3A_77, %swap3A_78] {strides = array<i32>} : memref<128x128xf32, #tpu.memory_space<vmem>>, vector<1x16xf32>,
      %swap3A_80 = vector.shape_cast %swap3A_79 : vector<1x16xf32> to vector<16xf32>
      %swap3A_81 = vector.shape_cast %broadcast_in_dim3A_76 : vector<16xf32> to vector<1x16xf32>
      tpu.vector_store %arg7[%swap3A_77, %swap3A_78], %swap3A_81 {strides = array<i32>} : memref<128x128xf32, #tpu.memory_space<vmem>>, vector<1x16xf32>,
      %broadcast_in_dim3A_82 = arith.constant 0.000000e+00 : f32
      %broadcast_in_dim3A_83 = vector.broadcast %broadcast_in_dim3A_82 : f32 to vector<16xf32>
      %swap3A_84 = arith.index_cast %scan3A_40 : i32 to index
      %swap3A_85 = arith.constant 96 : index
      %swap3A_86 = tpu.vector_load %arg7[%swap3A_84, %swap3A_85] {strides = array<i32>} : memref<128x128xf32, #tpu.memory_space<vmem>>, vector<1x16xf32>,
      %swap3A_87 = vector.shape_cast %swap3A_86 : vector<1x16xf32> to vector<16xf32>
      %swap3A_88 = vector.shape_cast %broadcast_in_dim3A_83 : vector<16xf32> to vector<1x16xf32>
      tpu.vector_store %arg7[%swap3A_84, %swap3A_85], %swap3A_88 {strides = array<i32>} : memref<128x128xf32, #tpu.memory_space<vmem>>, vector<1x16xf32>,
      %broadcast_in_dim3A_89 = arith.constant 0.000000e+00 : f32
      %broadcast_in_dim3A_90 = vector.broadcast %broadcast_in_dim3A_89 : f32 to vector<16xf32>
      %swap3A_91 = arith.index_cast %scan3A_40 : i32 to index
      %swap3A_92 = arith.constant 112 : index
      %swap3A_93 = tpu.vector_load %arg7[%swap3A_91, %swap3A_92] {strides = array<i32>} : memref<128x128xf32, #tpu.memory_space<vmem>>, vector<1x16xf32>,
      %swap3A_94 = vector.shape_cast %swap3A_93 : vector<1x16xf32> to vector<16xf32>
      %swap3A_95 = vector.shape_cast %broadcast_in_dim3A_90 : vector<16xf32> to vector<1x16xf32>
      tpu.vector_store %arg7[%swap3A_91, %swap3A_92], %swap3A_95 {strides = array<i32>} : memref<128x128xf32, #tpu.memory_space<vmem>>, vector<1x16xf32>,
      %scan3A_96 = arith.constant 0 : i32
      scf.yield %scan3A_96 : i32
    }
    %scan3A_5 = arith.constant 128 : i32
    %mul3A = arith.constant 640 : i32
    %mul3A_6 = arith.muli %arg1, %mul3A : i32
    %scan3A_7 = arith.constant 0 : i32
    %scan3A_8 = arith.constant 0 : i32
    %scan3A_9 = arith.constant 10 : i32
    %scan3A_10 = arith.addi %scan3A_8, %scan3A_9 : i32
    %scan3A_11 = arith.constant 1 : i32
    %scan3A_12 = scf.for %scan3A_40 = %scan3A_8 to %scan3A_10 step %scan3A_11 iter_args(%scan3A_41 = %scan3A_7) -> (i32)  : i32 {
      %mul3A_42 = arith.constant 64 : i32
      %mul3A_43 = arith.muli %scan3A_40, %mul3A_42 : i32
      %add3A_44 = arith.addi %mul3A_6, %mul3A_43 : i32
      "tpu.region"() ({
        %run_scoped3A = tpu.sem_alloc : memref<!tpu.dma_semaphore, #tpu.memory_space<semaphore_mem>>
        %dma_start3A_46 = arith.constant 0 : i32
        %dma_start3A_47 = arith.constant 0 : i32
        %dma_start3A_48 = tpu.memref_slice %arg7[%dma_start3A_46, %dma_start3A_47] : memref<128x128xf32, #tpu.memory_space<vmem>> -> memref<64x128xf32, #tpu.memory_space<vmem>>
        %dma_start3A_49 = arith.constant 0 : i32
        %dma_start3A_50 = tpu.memref_slice %arg6[%add3A_44, %dma_start3A_49] : memref<10240x128xf32, #tpu.memory_space<vmem_shared>> -> memref<64x128xf32, #tpu.memory_space<vmem_shared>>
        %dma_start3A_51 = arith.constant 0 : i32
        %dma_start3A_52 = tpu.memref_slice %arg6[%add3A_44, %dma_start3A_51] : memref<10240x128xf32, #tpu.memory_space<vmem_shared>> -> memref<64x128xf32, #tpu.memory_space<vmem_shared>>
        %dma_start3A_53 = arith.constant 0 : i32
        %dma_start3A_54 = arith.constant 0 : i32
        %dma_start3A_55 = tpu.memref_slice %arg7[%dma_start3A_53, %dma_start3A_54] : memref<128x128xf32, #tpu.memory_space<vmem>> -> memref<64x128xf32, #tpu.memory_space<vmem>>
        tpu.enqueue_dma source(%dma_start3A_55 : memref<64x128xf32, #tpu.memory_space<vmem>>) target(%dma_start3A_52 : memref<64x128xf32, #tpu.memory_space<vmem_shared>>) target_semaphore(%run_scoped3A : memref<!tpu.dma_semaphore, #tpu.memory_space<semaphore_mem>>)
        %dma_wait3A = arith.constant 0 : i32
        %dma_wait3A_56 = arith.constant 0 : i32
        %dma_wait3A_57 = tpu.memref_slice %arg7[%dma_wait3A, %dma_wait3A_56] : memref<128x128xf32, #tpu.memory_space<vmem>> -> memref<64x128xf32, #tpu.memory_space<vmem>>
        %dma_wait3A_58 = arith.constant 0 : i32
        %dma_wait3A_59 = tpu.memref_slice %arg6[%add3A_44, %dma_wait3A_58] : memref<10240x128xf32, #tpu.memory_space<vmem_shared>> -> memref<64x128xf32, #tpu.memory_space<vmem_shared>>
        %dma_wait3A_60 = arith.constant 0 : i32
        %dma_wait3A_61 = tpu.memref_slice %arg6[%add3A_44, %dma_wait3A_60] : memref<10240x128xf32, #tpu.memory_space<vmem_shared>> -> memref<64x128xf32, #tpu.memory_space<vmem_shared>>
        %dma_wait3A_62 = arith.constant 0 : i32
        %dma_wait3A_63 = arith.constant 0 : i32
        %dma_wait3A_64 = tpu.memref_slice %arg7[%dma_wait3A_62, %dma_wait3A_63] : memref<128x128xf32, #tpu.memory_space<vmem>> -> memref<64x128xf32, #tpu.memory_space<vmem>>
        tpu.wait_dma2 semaphore(%run_scoped3A : memref<!tpu.dma_semaphore, #tpu.memory_space<semaphore_mem>>) src(%dma_wait3A_64 : memref<64x128xf32, #tpu.memory_space<vmem>>) dst(%dma_wait3A_61 : memref<64x128xf32, #tpu.memory_space<vmem_shared>>)
        tpu.yield
      }) : () -> ()
      %scan3A_45 = arith.constant 0 : i32
      scf.yield %scan3A_45 : i32
    }
    %scan3A_13 = arith.constant 10 : i32
    %barrier3A = arith.constant 0 : index
    tpu.barrier barrier_id(%barrier3A)
    %mul3A_14 = arith.constant 16 : i32
    %mul3A_15 = arith.muli %arg0, %mul3A_14 : i32
    %add3A = arith.addi %mul3A_15, %arg1 : i32
    %mul3A_16 = arith.constant 10240 : i32
    %mul3A_17 = arith.muli %add3A, %mul3A_16 : i32
    "tpu.region"() ({
      %run_scoped3A = tpu.sem_alloc : memref<!tpu.dma_semaphore, #tpu.memory_space<semaphore_mem>>
      %dma_start3A_40 = tpu.memref_slice %arg3[%mul3A_17] : memref<327680xi32, #tpu.memory_space<hbm>> -> memref<128xi32, #tpu.memory_space<hbm>>
      %dma_start3A_41 = tpu.memref_slice %arg3[%mul3A_17] : memref<327680xi32, #tpu.memory_space<hbm>> -> memref<128xi32, #tpu.memory_space<hbm>>
      tpu.enqueue_dma source(%dma_start3A_41 : memref<128xi32, #tpu.memory_space<hbm>>) target(%arg9 : memref<128xi32, #tpu.memory_space<vmem>>) target_semaphore(%run_scoped3A : memref<!tpu.dma_semaphore, #tpu.memory_space<semaphore_mem>>)
      %dma_wait3A = tpu.memref_slice %arg3[%mul3A_17] : memref<327680xi32, #tpu.memory_space<hbm>> -> memref<128xi32, #tpu.memory_space<hbm>>
      %dma_wait3A_42 = tpu.memref_slice %arg3[%mul3A_17] : memref<327680xi32, #tpu.memory_space<hbm>> -> memref<128xi32, #tpu.memory_space<hbm>>
      tpu.wait_dma2 semaphore(%run_scoped3A : memref<!tpu.dma_semaphore, #tpu.memory_space<semaphore_mem>>) src(%dma_wait3A_42 : memref<128xi32, #tpu.memory_space<hbm>>) dst(%arg9 : memref<128xi32, #tpu.memory_space<vmem>>)
      tpu.yield
    }) : () -> ()
    %dma_start3A = arith.constant 0 : i32
    %dma_start3A_18 = arith.constant 0 : i32
    %dma_start3A_19 = tpu.memref_slice %arg2[%dma_start3A, %dma_start3A_18] : memref<10240x128xf32, #tpu.memory_space<hbm>> -> memref<10240x128xf32, #tpu.memory_space<hbm>>
    tpu.enqueue_indirect_dma source(%dma_start3A_19 : memref<10240x128xf32, #tpu.memory_space<hbm>>) target(%arg7 : memref<128x128xf32, #tpu.memory_space<vmem>>) offsets(%arg9 : memref<128xi32, #tpu.memory_space<vmem>>) semaphore(%arg13 : memref<!tpu.dma_semaphore, #tpu.memory_space<semaphore_mem>>)
    %add3A_20 = arith.constant 128 : i32
    %add3A_21 = arith.addi %mul3A_17, %add3A_20 : i32
    "tpu.region"() ({
      %run_scoped3A = tpu.sem_alloc : memref<!tpu.dma_semaphore, #tpu.memory_space<semaphore_mem>>
      %dma_start3A_40 = tpu.memref_slice %arg3[%add3A_21] : memref<327680xi32, #tpu.memory_space<hbm>> -> memref<128xi32, #tpu.memory_space<hbm>>
      %dma_start3A_41 = tpu.memref_slice %arg3[%add3A_21] : memref<327680xi32, #tpu.memory_space<hbm>> -> memref<128xi32, #tpu.memory_space<hbm>>
      tpu.enqueue_dma source(%dma_start3A_41 : memref<128xi32, #tpu.memory_space<hbm>>) target(%arg10 : memref<128xi32, #tpu.memory_space<vmem>>) target_semaphore(%run_scoped3A : memref<!tpu.dma_semaphore, #tpu.memory_space<semaphore_mem>>)
      %dma_wait3A = tpu.memref_slice %arg3[%add3A_21] : memref<327680xi32, #tpu.memory_space<hbm>> -> memref<128xi32, #tpu.memory_space<hbm>>
      %dma_wait3A_42 = tpu.memref_slice %arg3[%add3A_21] : memref<327680xi32, #tpu.memory_space<hbm>> -> memref<128xi32, #tpu.memory_space<hbm>>
      tpu.wait_dma2 semaphore(%run_scoped3A : memref<!tpu.dma_semaphore, #tpu.memory_space<semaphore_mem>>) src(%dma_wait3A_42 : memref<128xi32, #tpu.memory_space<hbm>>) dst(%arg10 : memref<128xi32, #tpu.memory_space<vmem>>)
      tpu.yield
    }) : () -> ()
    %dma_start3A_22 = arith.constant 0 : i32
    %dma_start3A_23 = arith.constant 0 : i32
    %dma_start3A_24 = tpu.memref_slice %arg2[%dma_start3A_22, %dma_start3A_23] : memref<10240x128xf32, #tpu.memory_space<hbm>> -> memref<10240x128xf32, #tpu.memory_space<hbm>>
    tpu.enqueue_indirect_dma source(%dma_start3A_24 : memref<10240x128xf32, #tpu.memory_space<hbm>>) target(%arg8 : memref<128x128xf32, #tpu.memory_space<vmem>>) offsets(%arg10 : memref<128xi32, #tpu.memory_space<vmem>>) semaphore(%arg14 : memref<!tpu.dma_semaphore, #tpu.memory_space<semaphore_mem>>)
    %scan3A_25 = arith.constant 0 : i32
    %scan3A_26 = arith.constant 0 : i32
    %scan3A_27 = arith.constant 40 : i32
    %scan3A_28 = arith.addi %scan3A_26, %scan3A_27 : i32
    %scan3A_29 = arith.constant 1 : i32
    %scan3A_30 = scf.for %scan3A_40 = %scan3A_26 to %scan3A_28 step %scan3A_29 iter_args(%scan3A_41 = %scan3A_25) -> (i32)  : i32 {
      %mul3A_42 = arith.constant 2 : i32
      %mul3A_43 = arith.muli %mul3A_42, %scan3A_40 : i32
      %mul3A_44 = arith.constant 128 : i32
      %mul3A_45 = arith.muli %mul3A_43, %mul3A_44 : i32
      %add3A_46 = arith.addi %mul3A_17, %mul3A_45 : i32
      %add3A_47 = arith.constant 128 : i32
      %add3A_48 = arith.addi %add3A_46, %add3A_47 : i32
      "tpu.region"() ({
        %run_scoped3A = tpu.sem_alloc : memref<!tpu.dma_semaphore, #tpu.memory_space<semaphore_mem>>
        %dma_start3A_71 = tpu.memref_slice %arg4[%add3A_46] : memref<327680xi32, #tpu.memory_space<hbm>> -> memref<128xi32, #tpu.memory_space<hbm>>
        %dma_start3A_72 = tpu.memref_slice %arg4[%add3A_46] : memref<327680xi32, #tpu.memory_space<hbm>> -> memref<128xi32, #tpu.memory_space<hbm>>
        tpu.enqueue_dma source(%dma_start3A_72 : memref<128xi32, #tpu.memory_space<hbm>>) target(%arg11 : memref<128xi32, #tpu.memory_space<vmem>>) target_semaphore(%run_scoped3A : memref<!tpu.dma_semaphore, #tpu.memory_space<semaphore_mem>>)
        %dma_wait3A_73 = tpu.memref_slice %arg4[%add3A_46] : memref<327680xi32, #tpu.memory_space<hbm>> -> memref<128xi32, #tpu.memory_space<hbm>>
        %dma_wait3A_74 = tpu.memref_slice %arg4[%add3A_46] : memref<327680xi32, #tpu.memory_space<hbm>> -> memref<128xi32, #tpu.memory_space<hbm>>
        tpu.wait_dma2 semaphore(%run_scoped3A : memref<!tpu.dma_semaphore, #tpu.memory_space<semaphore_mem>>) src(%dma_wait3A_74 : memref<128xi32, #tpu.memory_space<hbm>>) dst(%arg11 : memref<128xi32, #tpu.memory_space<vmem>>)
        tpu.yield
      }) : () -> ()
      "tpu.region"() ({
        %run_scoped3A = tpu.sem_alloc : memref<!tpu.dma_semaphore, #tpu.memory_space<semaphore_mem>>
        %dma_start3A_71 = tpu.memref_slice %arg4[%add3A_48] : memref<327680xi32, #tpu.memory_space<hbm>> -> memref<128xi32, #tpu.memory_space<hbm>>
        %dma_start3A_72 = tpu.memref_slice %arg4[%add3A_48] : memref<327680xi32, #tpu.memory_space<hbm>> -> memref<128xi32, #tpu.memory_space<hbm>>
        tpu.enqueue_dma source(%dma_start3A_72 : memref<128xi32, #tpu.memory_space<hbm>>) target(%arg12 : memref<128xi32, #tpu.memory_space<vmem>>) target_semaphore(%run_scoped3A : memref<!tpu.dma_semaphore, #tpu.memory_space<semaphore_mem>>)
        %dma_wait3A_73 = tpu.memref_slice %arg4[%add3A_48] : memref<327680xi32, #tpu.memory_space<hbm>> -> memref<128xi32, #tpu.memory_space<hbm>>
        %dma_wait3A_74 = tpu.memref_slice %arg4[%add3A_48] : memref<327680xi32, #tpu.memory_space<hbm>> -> memref<128xi32, #tpu.memory_space<hbm>>
        tpu.wait_dma2 semaphore(%run_scoped3A : memref<!tpu.dma_semaphore, #tpu.memory_space<semaphore_mem>>) src(%dma_wait3A_74 : memref<128xi32, #tpu.memory_space<hbm>>) dst(%arg12 : memref<128xi32, #tpu.memory_space<vmem>>)
        tpu.yield
      }) : () -> ()
      %dma_wait3A = arith.constant 0 : i32
      %dma_wait3A_49 = arith.constant 0 : i32
      %dma_wait3A_50 = tpu.memref_slice %arg2[%dma_wait3A, %dma_wait3A_49] : memref<10240x128xf32, #tpu.memory_space<hbm>> -> memref<10240x128xf32, #tpu.memory_space<hbm>>
      tpu.wait_indirect_dma semaphore(%arg13 : memref<!tpu.dma_semaphore, #tpu.memory_space<semaphore_mem>>) src(%dma_wait3A_50 : memref<10240x128xf32, #tpu.memory_space<hbm>>) dst(%arg7 : memref<128x128xf32, #tpu.memory_space<vmem>>)
      %dma_start3A_51 = arith.constant 0 : i32
      %dma_start3A_52 = arith.constant 0 : i32
      %dma_start3A_53 = tpu.memref_slice %arg6[%dma_start3A_51, %dma_start3A_52] : memref<10240x128xf32, #tpu.memory_space<vmem_shared>> -> memref<10240x128xf32, #tpu.memory_space<vmem_shared>>
      tpu.enqueue_indirect_dma source(%arg7 : memref<128x128xf32, #tpu.memory_space<vmem>>) target(%dma_start3A_53 : memref<10240x128xf32, #tpu.memory_space<vmem_shared>>) offsets(%arg11 : memref<128xi32, #tpu.memory_space<vmem>>) semaphore(%arg15 : memref<!tpu.dma_semaphore, #tpu.memory_space<semaphore_mem>>) {add = true}
      %dma_wait3A_54 = arith.constant 0 : i32
      %dma_wait3A_55 = arith.constant 0 : i32
      %dma_wait3A_56 = tpu.memref_slice %arg2[%dma_wait3A_54, %dma_wait3A_55] : memref<10240x128xf32, #tpu.memory_space<hbm>> -> memref<10240x128xf32, #tpu.memory_space<hbm>>
      tpu.wait_indirect_dma semaphore(%arg14 : memref<!tpu.dma_semaphore, #tpu.memory_space<semaphore_mem>>) src(%dma_wait3A_56 : memref<10240x128xf32, #tpu.memory_space<hbm>>) dst(%arg8 : memref<128x128xf32, #tpu.memory_space<vmem>>)
      %dma_start3A_57 = arith.constant 0 : i32
      %dma_start3A_58 = arith.constant 0 : i32
      %dma_start3A_59 = tpu.memref_slice %arg6[%dma_start3A_57, %dma_start3A_58] : memref<10240x128xf32, #tpu.memory_space<vmem_shared>> -> memref<10240x128xf32, #tpu.memory_space<vmem_shared>>
      tpu.enqueue_indirect_dma source(%arg8 : memref<128x128xf32, #tpu.memory_space<vmem>>) target(%dma_start3A_59 : memref<10240x128xf32, #tpu.memory_space<vmem_shared>>) offsets(%arg12 : memref<128xi32, #tpu.memory_space<vmem>>) semaphore(%arg16 : memref<!tpu.dma_semaphore, #tpu.memory_space<semaphore_mem>>) {add = true}
      %dma_wait3A_60 = arith.constant 0 : i32
      %dma_wait3A_61 = arith.constant 0 : i32
      %dma_wait3A_62 = tpu.memref_slice %arg6[%dma_wait3A_60, %dma_wait3A_61] : memref<10240x128xf32, #tpu.memory_space<vmem_shared>> -> memref<10240x128xf32, #tpu.memory_space<vmem_shared>>
      tpu.wait_indirect_dma semaphore(%arg15 : memref<!tpu.dma_semaphore, #tpu.memory_space<semaphore_mem>>) src(%arg7 : memref<128x128xf32, #tpu.memory_space<vmem>>) dst(%dma_wait3A_62 : memref<10240x128xf32, #tpu.memory_space<vmem_shared>>)
      %dma_wait3A_63 = arith.constant 0 : i32
      %dma_wait3A_64 = arith.constant 0 : i32
      %dma_wait3A_65 = tpu.memref_slice %arg6[%dma_wait3A_63, %dma_wait3A_64] : memref<10240x128xf32, #tpu.memory_space<vmem_shared>> -> memref<10240x128xf32, #tpu.memory_space<vmem_shared>>
      tpu.wait_indirect_dma semaphore(%arg16 : memref<!tpu.dma_semaphore, #tpu.memory_space<semaphore_mem>>) src(%arg8 : memref<128x128xf32, #tpu.memory_space<vmem>>) dst(%dma_wait3A_65 : memref<10240x128xf32, #tpu.memory_space<vmem_shared>>)
      %add3A_66 = arith.constant 1 : i32
      %add3A_67 = arith.addi %scan3A_40, %add3A_66 : i32
      %lt3A = arith.constant 40 : i32
      %lt3A_68 = arith.cmpi slt, %add3A_67, %lt3A : i32
      %convert_element_type3A = arith.extui %lt3A_68 : i1 to i32
      %cond3A = arith.constant 0 : i32
      %cond3A_69 = arith.cmpi ne, %convert_element_type3A, %cond3A : i32
      scf.if %cond3A_69 {
        %add3A_71 = arith.constant 256 : i32
        %add3A_72 = arith.addi %add3A_46, %add3A_71 : i32
        "tpu.region"() ({
          %run_scoped3A = tpu.sem_alloc : memref<!tpu.dma_semaphore, #tpu.memory_space<semaphore_mem>>
          %dma_start3A_81 = tpu.memref_slice %arg3[%add3A_72] : memref<327680xi32, #tpu.memory_space<hbm>> -> memref<128xi32, #tpu.memory_space<hbm>>
          %dma_start3A_82 = tpu.memref_slice %arg3[%add3A_72] : memref<327680xi32, #tpu.memory_space<hbm>> -> memref<128xi32, #tpu.memory_space<hbm>>
          tpu.enqueue_dma source(%dma_start3A_82 : memref<128xi32, #tpu.memory_space<hbm>>) target(%arg9 : memref<128xi32, #tpu.memory_space<vmem>>) target_semaphore(%run_scoped3A : memref<!tpu.dma_semaphore, #tpu.memory_space<semaphore_mem>>)
          %dma_wait3A_83 = tpu.memref_slice %arg3[%add3A_72] : memref<327680xi32, #tpu.memory_space<hbm>> -> memref<128xi32, #tpu.memory_space<hbm>>
          %dma_wait3A_84 = tpu.memref_slice %arg3[%add3A_72] : memref<327680xi32, #tpu.memory_space<hbm>> -> memref<128xi32, #tpu.memory_space<hbm>>
          tpu.wait_dma2 semaphore(%run_scoped3A : memref<!tpu.dma_semaphore, #tpu.memory_space<semaphore_mem>>) src(%dma_wait3A_84 : memref<128xi32, #tpu.memory_space<hbm>>) dst(%arg9 : memref<128xi32, #tpu.memory_space<vmem>>)
          tpu.yield
        }) : () -> ()
        %dma_start3A_73 = arith.constant 0 : i32
        %dma_start3A_74 = arith.constant 0 : i32
        %dma_start3A_75 = tpu.memref_slice %arg2[%dma_start3A_73, %dma_start3A_74] : memref<10240x128xf32, #tpu.memory_space<hbm>> -> memref<10240x128xf32, #tpu.memory_space<hbm>>
        tpu.enqueue_indirect_dma source(%dma_start3A_75 : memref<10240x128xf32, #tpu.memory_space<hbm>>) target(%arg7 : memref<128x128xf32, #tpu.memory_space<vmem>>) offsets(%arg9 : memref<128xi32, #tpu.memory_space<vmem>>) semaphore(%arg13 : memref<!tpu.dma_semaphore, #tpu.memory_space<semaphore_mem>>)
        %add3A_76 = arith.constant 256 : i32
        %add3A_77 = arith.addi %add3A_48, %add3A_76 : i32
        "tpu.region"() ({
          %run_scoped3A = tpu.sem_alloc : memref<!tpu.dma_semaphore, #tpu.memory_space<semaphore_mem>>
          %dma_start3A_81 = tpu.memref_slice %arg3[%add3A_77] : memref<327680xi32, #tpu.memory_space<hbm>> -> memref<128xi32, #tpu.memory_space<hbm>>
          %dma_start3A_82 = tpu.memref_slice %arg3[%add3A_77] : memref<327680xi32, #tpu.memory_space<hbm>> -> memref<128xi32, #tpu.memory_space<hbm>>
          tpu.enqueue_dma source(%dma_start3A_82 : memref<128xi32, #tpu.memory_space<hbm>>) target(%arg10 : memref<128xi32, #tpu.memory_space<vmem>>) target_semaphore(%run_scoped3A : memref<!tpu.dma_semaphore, #tpu.memory_space<semaphore_mem>>)
          %dma_wait3A_83 = tpu.memref_slice %arg3[%add3A_77] : memref<327680xi32, #tpu.memory_space<hbm>> -> memref<128xi32, #tpu.memory_space<hbm>>
          %dma_wait3A_84 = tpu.memref_slice %arg3[%add3A_77] : memref<327680xi32, #tpu.memory_space<hbm>> -> memref<128xi32, #tpu.memory_space<hbm>>
          tpu.wait_dma2 semaphore(%run_scoped3A : memref<!tpu.dma_semaphore, #tpu.memory_space<semaphore_mem>>) src(%dma_wait3A_84 : memref<128xi32, #tpu.memory_space<hbm>>) dst(%arg10 : memref<128xi32, #tpu.memory_space<vmem>>)
          tpu.yield
        }) : () -> ()
        %dma_start3A_78 = arith.constant 0 : i32
        %dma_start3A_79 = arith.constant 0 : i32
        %dma_start3A_80 = tpu.memref_slice %arg2[%dma_start3A_78, %dma_start3A_79] : memref<10240x128xf32, #tpu.memory_space<hbm>> -> memref<10240x128xf32, #tpu.memory_space<hbm>>
        tpu.enqueue_indirect_dma source(%dma_start3A_80 : memref<10240x128xf32, #tpu.memory_space<hbm>>) target(%arg8 : memref<128x128xf32, #tpu.memory_space<vmem>>) offsets(%arg10 : memref<128xi32, #tpu.memory_space<vmem>>) semaphore(%arg14 : memref<!tpu.dma_semaphore, #tpu.memory_space<semaphore_mem>>)
      } else {
      }
      %scan3A_70 = arith.constant 0 : i32
      scf.yield %scan3A_70 : i32
    }
    %scan3A_31 = arith.constant 40 : i32
    %barrier3A_32 = arith.constant 0 : index
    tpu.barrier barrier_id(%barrier3A_32)
    %scan3A_33 = arith.constant 0 : i32
    %scan3A_34 = arith.constant 0 : i32
    %scan3A_35 = arith.constant 10 : i32
    %scan3A_36 = arith.addi %scan3A_34, %scan3A_35 : i32
    %scan3A_37 = arith.constant 1 : i32
    %scan3A_38 = scf.for %scan3A_40 = %scan3A_34 to %scan3A_36 step %scan3A_37 iter_args(%scan3A_41 = %scan3A_33) -> (i32)  : i32 {
      %mul3A_42 = arith.constant 64 : i32
      %mul3A_43 = arith.muli %scan3A_40, %mul3A_42 : i32
      %add3A_44 = arith.addi %mul3A_6, %mul3A_43 : i32
      "tpu.region"() ({
        %run_scoped3A = tpu.sem_alloc : memref<!tpu.dma_semaphore, #tpu.memory_space<semaphore_mem>>
        %dma_start3A_46 = arith.constant 0 : i32
        %dma_start3A_47 = tpu.memref_slice %arg5[%arg0, %add3A_44, %dma_start3A_46] : memref<2x10240x128xf32, #tpu.memory_space<hbm>> -> memref<1x64x128xf32, #tpu.memory_space<hbm>>
        %dma_start3A_48 = tpu.memref_squeeze %dma_start3A_47 : memref<1x64x128xf32, #tpu.memory_space<hbm>> -> memref<64x128xf32, #tpu.memory_space<hbm>>
        %dma_start3A_49 = arith.constant 0 : i32
        %dma_start3A_50 = tpu.memref_slice %arg6[%add3A_44, %dma_start3A_49] : memref<10240x128xf32, #tpu.memory_space<vmem_shared>> -> memref<64x128xf32, #tpu.memory_space<vmem_shared>>
        tpu.enqueue_dma source(%dma_start3A_50 : memref<64x128xf32, #tpu.memory_space<vmem_shared>>) target(%dma_start3A_48 : memref<64x128xf32, #tpu.memory_space<hbm>>) target_semaphore(%run_scoped3A : memref<!tpu.dma_semaphore, #tpu.memory_space<semaphore_mem>>)
        %dma_wait3A = arith.constant 0 : i32
        %dma_wait3A_51 = tpu.memref_slice %arg5[%arg0, %add3A_44, %dma_wait3A] : memref<2x10240x128xf32, #tpu.memory_space<hbm>> -> memref<1x64x128xf32, #tpu.memory_space<hbm>>
        %dma_wait3A_52 = tpu.memref_squeeze %dma_wait3A_51 : memref<1x64x128xf32, #tpu.memory_space<hbm>> -> memref<64x128xf32, #tpu.memory_space<hbm>>
        %dma_wait3A_53 = arith.constant 0 : i32
        %dma_wait3A_54 = tpu.memref_slice %arg6[%add3A_44, %dma_wait3A_53] : memref<10240x128xf32, #tpu.memory_space<vmem_shared>> -> memref<64x128xf32, #tpu.memory_space<vmem_shared>>
        tpu.wait_dma2 semaphore(%run_scoped3A : memref<!tpu.dma_semaphore, #tpu.memory_space<semaphore_mem>>) src(%dma_wait3A_54 : memref<64x128xf32, #tpu.memory_space<vmem_shared>>) dst(%dma_wait3A_52 : memref<64x128xf32, #tpu.memory_space<hbm>>)
        tpu.yield
      }) : () -> ()
      %scan3A_45 = arith.constant 0 : i32
      scf.yield %scan3A_45 : i32
    }
    %scan3A_39 = arith.constant 10 : i32
    return
  }
}

#map = affine_map<(d0, d1) -> (0, 0)>
#map1 = affine_map<(d0, d1) -> (0)>
#map2 = affine_map<(d0, d1) -> (0, 0, 0)>
module attributes {stable_mosaic.version = 14 : i64} {
  func.func @body(%arg0: i32, %arg1: i32, %arg2: memref<20480x128xf32, #tpu.memory_space<hbm>>, %arg3: memref<327680xi32, #tpu.memory_space<hbm>>, %arg4: memref<327680xi32, #tpu.memory_space<hbm>>, %arg5: memref<2x10240x128xf32, #tpu.memory_space<hbm>>, %arg6: memref<10240x128xf32, #tpu.memory_space<vmem_shared>>, %arg7: memref<128x128xf32, #tpu.memory_space<vmem>>, %arg8: memref<128x128xf32, #tpu.memory_space<vmem>>, %arg9: memref<128xi32, #tpu.memory_space<vmem>>, %arg10: memref<128xi32, #tpu.memory_space<vmem>>, %arg11: memref<128xi32, #tpu.memory_space<vmem>>, %arg12: memref<128xi32, #tpu.memory_space<vmem>>, %arg13: memref<!tpu.dma_semaphore, #tpu.memory_space<semaphore_mem>>, %arg14: memref<!tpu.dma_semaphore, #tpu.memory_space<semaphore_mem>>, %arg15: memref<!tpu.dma_semaphore, #tpu.memory_space<semaphore_mem>>, %arg16: memref<!tpu.dma_semaphore, #tpu.memory_space<semaphore_mem>>) attributes {dimension_semantics = [#tpu.dimension_semantics<core_parallel>, #tpu.dimension_semantics<subcore_parallel>], iteration_bounds = array<i64: 2, 16>, scalar_prefetch = 0 : i64, scratch_operands = 11 : i64, tpu.core_type = #tpu.core_type<sc_vector_subcore>, window_params = [{transform_indices = #map}, {transform_indices = #map1}, {transform_indices = #map1}, {transform_indices = #map2}]} {
    %scan3A = arith.constant 0 : i32
    %scan3A_0 = arith.constant 0 : i32
    %scan3A_1 = arith.constant 128 : i32
    %scan3A_2 = arith.addi %scan3A_0, %scan3A_1 : i32
    %scan3A_3 = arith.constant 1 : i32
    %scan3A_4 = scf.for %scan3A_183 = %scan3A_0 to %scan3A_2 step %scan3A_3 iter_args(%scan3A_184 = %scan3A) -> (i32)  : i32 {
      %broadcast_in_dim3A = arith.constant 0.000000e+00 : f32
      %broadcast_in_dim3A_185 = vector.broadcast %broadcast_in_dim3A : f32 to vector<16xf32>
      %swap3A_186 = arith.index_cast %scan3A_183 : i32 to index
      %swap3A_187 = arith.constant 0 : index
      %swap3A_188 = tpu.vector_load %arg7[%swap3A_186, %swap3A_187] {strides = array<i32>} : memref<128x128xf32, #tpu.memory_space<vmem>>, vector<1x16xf32>,
      %swap3A_189 = vector.shape_cast %swap3A_188 : vector<1x16xf32> to vector<16xf32>
      %swap3A_190 = vector.shape_cast %broadcast_in_dim3A_185 : vector<16xf32> to vector<1x16xf32>
      tpu.vector_store %arg7[%swap3A_186, %swap3A_187], %swap3A_190 {strides = array<i32>} : memref<128x128xf32, #tpu.memory_space<vmem>>, vector<1x16xf32>,
      %broadcast_in_dim3A_191 = arith.constant 0.000000e+00 : f32
      %broadcast_in_dim3A_192 = vector.broadcast %broadcast_in_dim3A_191 : f32 to vector<16xf32>
      %swap3A_193 = arith.index_cast %scan3A_183 : i32 to index
      %swap3A_194 = arith.constant 16 : index
      %swap3A_195 = tpu.vector_load %arg7[%swap3A_193, %swap3A_194] {strides = array<i32>} : memref<128x128xf32, #tpu.memory_space<vmem>>, vector<1x16xf32>,
      %swap3A_196 = vector.shape_cast %swap3A_195 : vector<1x16xf32> to vector<16xf32>
      %swap3A_197 = vector.shape_cast %broadcast_in_dim3A_192 : vector<16xf32> to vector<1x16xf32>
      tpu.vector_store %arg7[%swap3A_193, %swap3A_194], %swap3A_197 {strides = array<i32>} : memref<128x128xf32, #tpu.memory_space<vmem>>, vector<1x16xf32>,
      %broadcast_in_dim3A_198 = arith.constant 0.000000e+00 : f32
      %broadcast_in_dim3A_199 = vector.broadcast %broadcast_in_dim3A_198 : f32 to vector<16xf32>
      %swap3A_200 = arith.index_cast %scan3A_183 : i32 to index
      %swap3A_201 = arith.constant 32 : index
      %swap3A_202 = tpu.vector_load %arg7[%swap3A_200, %swap3A_201] {strides = array<i32>} : memref<128x128xf32, #tpu.memory_space<vmem>>, vector<1x16xf32>,
      %swap3A_203 = vector.shape_cast %swap3A_202 : vector<1x16xf32> to vector<16xf32>
      %swap3A_204 = vector.shape_cast %broadcast_in_dim3A_199 : vector<16xf32> to vector<1x16xf32>
      tpu.vector_store %arg7[%swap3A_200, %swap3A_201], %swap3A_204 {strides = array<i32>} : memref<128x128xf32, #tpu.memory_space<vmem>>, vector<1x16xf32>,
      %broadcast_in_dim3A_205 = arith.constant 0.000000e+00 : f32
      %broadcast_in_dim3A_206 = vector.broadcast %broadcast_in_dim3A_205 : f32 to vector<16xf32>
      %swap3A_207 = arith.index_cast %scan3A_183 : i32 to index
      %swap3A_208 = arith.constant 48 : index
      %swap3A_209 = tpu.vector_load %arg7[%swap3A_207, %swap3A_208] {strides = array<i32>} : memref<128x128xf32, #tpu.memory_space<vmem>>, vector<1x16xf32>,
      %swap3A_210 = vector.shape_cast %swap3A_209 : vector<1x16xf32> to vector<16xf32>
      %swap3A_211 = vector.shape_cast %broadcast_in_dim3A_206 : vector<16xf32> to vector<1x16xf32>
      tpu.vector_store %arg7[%swap3A_207, %swap3A_208], %swap3A_211 {strides = array<i32>} : memref<128x128xf32, #tpu.memory_space<vmem>>, vector<1x16xf32>,
      %broadcast_in_dim3A_212 = arith.constant 0.000000e+00 : f32
      %broadcast_in_dim3A_213 = vector.broadcast %broadcast_in_dim3A_212 : f32 to vector<16xf32>
      %swap3A_214 = arith.index_cast %scan3A_183 : i32 to index
      %swap3A_215 = arith.constant 64 : index
      %swap3A_216 = tpu.vector_load %arg7[%swap3A_214, %swap3A_215] {strides = array<i32>} : memref<128x128xf32, #tpu.memory_space<vmem>>, vector<1x16xf32>,
      %swap3A_217 = vector.shape_cast %swap3A_216 : vector<1x16xf32> to vector<16xf32>
      %swap3A_218 = vector.shape_cast %broadcast_in_dim3A_213 : vector<16xf32> to vector<1x16xf32>
      tpu.vector_store %arg7[%swap3A_214, %swap3A_215], %swap3A_218 {strides = array<i32>} : memref<128x128xf32, #tpu.memory_space<vmem>>, vector<1x16xf32>,
      %broadcast_in_dim3A_219 = arith.constant 0.000000e+00 : f32
      %broadcast_in_dim3A_220 = vector.broadcast %broadcast_in_dim3A_219 : f32 to vector<16xf32>
      %swap3A_221 = arith.index_cast %scan3A_183 : i32 to index
      %swap3A_222 = arith.constant 80 : index
      %swap3A_223 = tpu.vector_load %arg7[%swap3A_221, %swap3A_222] {strides = array<i32>} : memref<128x128xf32, #tpu.memory_space<vmem>>, vector<1x16xf32>,
      %swap3A_224 = vector.shape_cast %swap3A_223 : vector<1x16xf32> to vector<16xf32>
      %swap3A_225 = vector.shape_cast %broadcast_in_dim3A_220 : vector<16xf32> to vector<1x16xf32>
      tpu.vector_store %arg7[%swap3A_221, %swap3A_222], %swap3A_225 {strides = array<i32>} : memref<128x128xf32, #tpu.memory_space<vmem>>, vector<1x16xf32>,
      %broadcast_in_dim3A_226 = arith.constant 0.000000e+00 : f32
      %broadcast_in_dim3A_227 = vector.broadcast %broadcast_in_dim3A_226 : f32 to vector<16xf32>
      %swap3A_228 = arith.index_cast %scan3A_183 : i32 to index
      %swap3A_229 = arith.constant 96 : index
      %swap3A_230 = tpu.vector_load %arg7[%swap3A_228, %swap3A_229] {strides = array<i32>} : memref<128x128xf32, #tpu.memory_space<vmem>>, vector<1x16xf32>,
      %swap3A_231 = vector.shape_cast %swap3A_230 : vector<1x16xf32> to vector<16xf32>
      %swap3A_232 = vector.shape_cast %broadcast_in_dim3A_227 : vector<16xf32> to vector<1x16xf32>
      tpu.vector_store %arg7[%swap3A_228, %swap3A_229], %swap3A_232 {strides = array<i32>} : memref<128x128xf32, #tpu.memory_space<vmem>>, vector<1x16xf32>,
      %broadcast_in_dim3A_233 = arith.constant 0.000000e+00 : f32
      %broadcast_in_dim3A_234 = vector.broadcast %broadcast_in_dim3A_233 : f32 to vector<16xf32>
      %swap3A_235 = arith.index_cast %scan3A_183 : i32 to index
      %swap3A_236 = arith.constant 112 : index
      %swap3A_237 = tpu.vector_load %arg7[%swap3A_235, %swap3A_236] {strides = array<i32>} : memref<128x128xf32, #tpu.memory_space<vmem>>, vector<1x16xf32>,
      %swap3A_238 = vector.shape_cast %swap3A_237 : vector<1x16xf32> to vector<16xf32>
      %swap3A_239 = vector.shape_cast %broadcast_in_dim3A_234 : vector<16xf32> to vector<1x16xf32>
      tpu.vector_store %arg7[%swap3A_235, %swap3A_236], %swap3A_239 {strides = array<i32>} : memref<128x128xf32, #tpu.memory_space<vmem>>, vector<1x16xf32>,
      %scan3A_240 = arith.constant 0 : i32
      scf.yield %scan3A_240 : i32
    }
    %scan3A_5 = arith.constant 128 : i32
    %mul3A = arith.constant 640 : i32
    %mul3A_6 = arith.muli %arg1, %mul3A : i32
    %scan3A_7 = arith.constant 0 : i32
    %scan3A_8 = arith.constant 0 : i32
    %scan3A_9 = arith.constant 10 : i32
    %scan3A_10 = arith.addi %scan3A_8, %scan3A_9 : i32
    %scan3A_11 = arith.constant 1 : i32
    %scan3A_12 = scf.for %scan3A_183 = %scan3A_8 to %scan3A_10 step %scan3A_11 iter_args(%scan3A_184 = %scan3A_7) -> (i32)  : i32 {
      %mul3A_185 = arith.constant 64 : i32
      %mul3A_186 = arith.muli %scan3A_183, %mul3A_185 : i32
      %add3A_187 = arith.addi %mul3A_6, %mul3A_186 : i32
      "tpu.region"() ({
        %run_scoped3A = tpu.sem_alloc : memref<!tpu.dma_semaphore, #tpu.memory_space<semaphore_mem>>
        %dma_start3A_189 = arith.constant 0 : i32
        %dma_start3A_190 = arith.constant 0 : i32
        %dma_start3A_191 = tpu.memref_slice %arg7[%dma_start3A_189, %dma_start3A_190] : memref<128x128xf32, #tpu.memory_space<vmem>> -> memref<64x128xf32, #tpu.memory_space<vmem>>
        %dma_start3A_192 = arith.constant 0 : i32
        %dma_start3A_193 = tpu.memref_slice %arg6[%add3A_187, %dma_start3A_192] : memref<10240x128xf32, #tpu.memory_space<vmem_shared>> -> memref<64x128xf32, #tpu.memory_space<vmem_shared>>
        %dma_start3A_194 = arith.constant 0 : i32
        %dma_start3A_195 = tpu.memref_slice %arg6[%add3A_187, %dma_start3A_194] : memref<10240x128xf32, #tpu.memory_space<vmem_shared>> -> memref<64x128xf32, #tpu.memory_space<vmem_shared>>
        %dma_start3A_196 = arith.constant 0 : i32
        %dma_start3A_197 = arith.constant 0 : i32
        %dma_start3A_198 = tpu.memref_slice %arg7[%dma_start3A_196, %dma_start3A_197] : memref<128x128xf32, #tpu.memory_space<vmem>> -> memref<64x128xf32, #tpu.memory_space<vmem>>
        tpu.enqueue_dma source(%dma_start3A_198 : memref<64x128xf32, #tpu.memory_space<vmem>>) target(%dma_start3A_195 : memref<64x128xf32, #tpu.memory_space<vmem_shared>>) target_semaphore(%run_scoped3A : memref<!tpu.dma_semaphore, #tpu.memory_space<semaphore_mem>>)
        %dma_wait3A = arith.constant 0 : i32
        %dma_wait3A_199 = arith.constant 0 : i32
        %dma_wait3A_200 = tpu.memref_slice %arg7[%dma_wait3A, %dma_wait3A_199] : memref<128x128xf32, #tpu.memory_space<vmem>> -> memref<64x128xf32, #tpu.memory_space<vmem>>
        %dma_wait3A_201 = arith.constant 0 : i32
        %dma_wait3A_202 = tpu.memref_slice %arg6[%add3A_187, %dma_wait3A_201] : memref<10240x128xf32, #tpu.memory_space<vmem_shared>> -> memref<64x128xf32, #tpu.memory_space<vmem_shared>>
        %dma_wait3A_203 = arith.constant 0 : i32
        %dma_wait3A_204 = tpu.memref_slice %arg6[%add3A_187, %dma_wait3A_203] : memref<10240x128xf32, #tpu.memory_space<vmem_shared>> -> memref<64x128xf32, #tpu.memory_space<vmem_shared>>
        %dma_wait3A_205 = arith.constant 0 : i32
        %dma_wait3A_206 = arith.constant 0 : i32
        %dma_wait3A_207 = tpu.memref_slice %arg7[%dma_wait3A_205, %dma_wait3A_206] : memref<128x128xf32, #tpu.memory_space<vmem>> -> memref<64x128xf32, #tpu.memory_space<vmem>>
        tpu.wait_dma2 semaphore(%run_scoped3A : memref<!tpu.dma_semaphore, #tpu.memory_space<semaphore_mem>>) src(%dma_wait3A_207 : memref<64x128xf32, #tpu.memory_space<vmem>>) dst(%dma_wait3A_204 : memref<64x128xf32, #tpu.memory_space<vmem_shared>>)
        tpu.yield
      }) : () -> ()
      %scan3A_188 = arith.constant 0 : i32
      scf.yield %scan3A_188 : i32
    }
    %scan3A_13 = arith.constant 10 : i32
    %barrier3A = arith.constant 0 : index
    tpu.barrier barrier_id(%barrier3A)
    %mul3A_14 = arith.constant 20480 : i32
    %mul3A_15 = arith.muli %arg1, %mul3A_14 : i32
    "tpu.region"() ({
      %run_scoped3A = tpu.sem_alloc : memref<!tpu.dma_semaphore, #tpu.memory_space<semaphore_mem>>
      %dma_start3A_183 = tpu.memref_slice %arg3[%mul3A_15] : memref<327680xi32, #tpu.memory_space<hbm>> -> memref<128xi32, #tpu.memory_space<hbm>>
      %dma_start3A_184 = tpu.memref_slice %arg3[%mul3A_15] : memref<327680xi32, #tpu.memory_space<hbm>> -> memref<128xi32, #tpu.memory_space<hbm>>
      tpu.enqueue_dma source(%dma_start3A_184 : memref<128xi32, #tpu.memory_space<hbm>>) target(%arg9 : memref<128xi32, #tpu.memory_space<vmem>>) target_semaphore(%run_scoped3A : memref<!tpu.dma_semaphore, #tpu.memory_space<semaphore_mem>>)
      %dma_wait3A = tpu.memref_slice %arg3[%mul3A_15] : memref<327680xi32, #tpu.memory_space<hbm>> -> memref<128xi32, #tpu.memory_space<hbm>>
      %dma_wait3A_185 = tpu.memref_slice %arg3[%mul3A_15] : memref<327680xi32, #tpu.memory_space<hbm>> -> memref<128xi32, #tpu.memory_space<hbm>>
      tpu.wait_dma2 semaphore(%run_scoped3A : memref<!tpu.dma_semaphore, #tpu.memory_space<semaphore_mem>>) src(%dma_wait3A_185 : memref<128xi32, #tpu.memory_space<hbm>>) dst(%arg9 : memref<128xi32, #tpu.memory_space<vmem>>)
      tpu.yield
    }) : () -> ()
    %mul3A_16 = arith.constant 10240 : i32
    %mul3A_17 = arith.muli %arg0, %mul3A_16 : i32
    %get3A = arith.constant 0 : index
    %get3A_18 = tpu.vector_load %arg9[%get3A] {strides = array<i32>} : memref<128xi32, #tpu.memory_space<vmem>>, vector<16xi32>,
    %get3A_19 = vector.shape_cast %get3A_18 : vector<16xi32> to vector<16xi32>
    %add3A = vector.broadcast %mul3A_17 : i32 to vector<16xi32>
    %add3A_20 = arith.addi %get3A_19, %add3A : vector<16xi32>
    %swap3A = arith.constant 0 : index
    %swap3A_21 = tpu.vector_load %arg9[%swap3A] {strides = array<i32>} : memref<128xi32, #tpu.memory_space<vmem>>, vector<16xi32>,
    %swap3A_22 = vector.shape_cast %swap3A_21 : vector<16xi32> to vector<16xi32>
    %swap3A_23 = vector.shape_cast %add3A_20 : vector<16xi32> to vector<16xi32>
    tpu.vector_store %arg9[%swap3A], %swap3A_23 {strides = array<i32>} : memref<128xi32, #tpu.memory_space<vmem>>, vector<16xi32>,
    %get3A_24 = arith.constant 16 : index
    %get3A_25 = tpu.vector_load %arg9[%get3A_24] {strides = array<i32>} : memref<128xi32, #tpu.memory_space<vmem>>, vector<16xi32>,
    %get3A_26 = vector.shape_cast %get3A_25 : vector<16xi32> to vector<16xi32>
    %add3A_27 = vector.broadcast %mul3A_17 : i32 to vector<16xi32>
    %add3A_28 = arith.addi %get3A_26, %add3A_27 : vector<16xi32>
    %swap3A_29 = arith.constant 16 : index
    %swap3A_30 = tpu.vector_load %arg9[%swap3A_29] {strides = array<i32>} : memref<128xi32, #tpu.memory_space<vmem>>, vector<16xi32>,
    %swap3A_31 = vector.shape_cast %swap3A_30 : vector<16xi32> to vector<16xi32>
    %swap3A_32 = vector.shape_cast %add3A_28 : vector<16xi32> to vector<16xi32>
    tpu.vector_store %arg9[%swap3A_29], %swap3A_32 {strides = array<i32>} : memref<128xi32, #tpu.memory_space<vmem>>, vector<16xi32>,
    %get3A_33 = arith.constant 32 : index
    %get3A_34 = tpu.vector_load %arg9[%get3A_33] {strides = array<i32>} : memref<128xi32, #tpu.memory_space<vmem>>, vector<16xi32>,
    %get3A_35 = vector.shape_cast %get3A_34 : vector<16xi32> to vector<16xi32>
    %add3A_36 = vector.broadcast %mul3A_17 : i32 to vector<16xi32>
    %add3A_37 = arith.addi %get3A_35, %add3A_36 : vector<16xi32>
    %swap3A_38 = arith.constant 32 : index
    %swap3A_39 = tpu.vector_load %arg9[%swap3A_38] {strides = array<i32>} : memref<128xi32, #tpu.memory_space<vmem>>, vector<16xi32>,
    %swap3A_40 = vector.shape_cast %swap3A_39 : vector<16xi32> to vector<16xi32>
    %swap3A_41 = vector.shape_cast %add3A_37 : vector<16xi32> to vector<16xi32>
    tpu.vector_store %arg9[%swap3A_38], %swap3A_41 {strides = array<i32>} : memref<128xi32, #tpu.memory_space<vmem>>, vector<16xi32>,
    %get3A_42 = arith.constant 48 : index
    %get3A_43 = tpu.vector_load %arg9[%get3A_42] {strides = array<i32>} : memref<128xi32, #tpu.memory_space<vmem>>, vector<16xi32>,
    %get3A_44 = vector.shape_cast %get3A_43 : vector<16xi32> to vector<16xi32>
    %add3A_45 = vector.broadcast %mul3A_17 : i32 to vector<16xi32>
    %add3A_46 = arith.addi %get3A_44, %add3A_45 : vector<16xi32>
    %swap3A_47 = arith.constant 48 : index
    %swap3A_48 = tpu.vector_load %arg9[%swap3A_47] {strides = array<i32>} : memref<128xi32, #tpu.memory_space<vmem>>, vector<16xi32>,
    %swap3A_49 = vector.shape_cast %swap3A_48 : vector<16xi32> to vector<16xi32>
    %swap3A_50 = vector.shape_cast %add3A_46 : vector<16xi32> to vector<16xi32>
    tpu.vector_store %arg9[%swap3A_47], %swap3A_50 {strides = array<i32>} : memref<128xi32, #tpu.memory_space<vmem>>, vector<16xi32>,
    %get3A_51 = arith.constant 64 : index
    %get3A_52 = tpu.vector_load %arg9[%get3A_51] {strides = array<i32>} : memref<128xi32, #tpu.memory_space<vmem>>, vector<16xi32>,
    %get3A_53 = vector.shape_cast %get3A_52 : vector<16xi32> to vector<16xi32>
    %add3A_54 = vector.broadcast %mul3A_17 : i32 to vector<16xi32>
    %add3A_55 = arith.addi %get3A_53, %add3A_54 : vector<16xi32>
    %swap3A_56 = arith.constant 64 : index
    %swap3A_57 = tpu.vector_load %arg9[%swap3A_56] {strides = array<i32>} : memref<128xi32, #tpu.memory_space<vmem>>, vector<16xi32>,
    %swap3A_58 = vector.shape_cast %swap3A_57 : vector<16xi32> to vector<16xi32>
    %swap3A_59 = vector.shape_cast %add3A_55 : vector<16xi32> to vector<16xi32>
    tpu.vector_store %arg9[%swap3A_56], %swap3A_59 {strides = array<i32>} : memref<128xi32, #tpu.memory_space<vmem>>, vector<16xi32>,
    %get3A_60 = arith.constant 80 : index
    %get3A_61 = tpu.vector_load %arg9[%get3A_60] {strides = array<i32>} : memref<128xi32, #tpu.memory_space<vmem>>, vector<16xi32>,
    %get3A_62 = vector.shape_cast %get3A_61 : vector<16xi32> to vector<16xi32>
    %add3A_63 = vector.broadcast %mul3A_17 : i32 to vector<16xi32>
    %add3A_64 = arith.addi %get3A_62, %add3A_63 : vector<16xi32>
    %swap3A_65 = arith.constant 80 : index
    %swap3A_66 = tpu.vector_load %arg9[%swap3A_65] {strides = array<i32>} : memref<128xi32, #tpu.memory_space<vmem>>, vector<16xi32>,
    %swap3A_67 = vector.shape_cast %swap3A_66 : vector<16xi32> to vector<16xi32>
    %swap3A_68 = vector.shape_cast %add3A_64 : vector<16xi32> to vector<16xi32>
    tpu.vector_store %arg9[%swap3A_65], %swap3A_68 {strides = array<i32>} : memref<128xi32, #tpu.memory_space<vmem>>, vector<16xi32>,
    %get3A_69 = arith.constant 96 : index
    %get3A_70 = tpu.vector_load %arg9[%get3A_69] {strides = array<i32>} : memref<128xi32, #tpu.memory_space<vmem>>, vector<16xi32>,
    %get3A_71 = vector.shape_cast %get3A_70 : vector<16xi32> to vector<16xi32>
    %add3A_72 = vector.broadcast %mul3A_17 : i32 to vector<16xi32>
    %add3A_73 = arith.addi %get3A_71, %add3A_72 : vector<16xi32>
    %swap3A_74 = arith.constant 96 : index
    %swap3A_75 = tpu.vector_load %arg9[%swap3A_74] {strides = array<i32>} : memref<128xi32, #tpu.memory_space<vmem>>, vector<16xi32>,
    %swap3A_76 = vector.shape_cast %swap3A_75 : vector<16xi32> to vector<16xi32>
    %swap3A_77 = vector.shape_cast %add3A_73 : vector<16xi32> to vector<16xi32>
    tpu.vector_store %arg9[%swap3A_74], %swap3A_77 {strides = array<i32>} : memref<128xi32, #tpu.memory_space<vmem>>, vector<16xi32>,
    %get3A_78 = arith.constant 112 : index
    %get3A_79 = tpu.vector_load %arg9[%get3A_78] {strides = array<i32>} : memref<128xi32, #tpu.memory_space<vmem>>, vector<16xi32>,
    %get3A_80 = vector.shape_cast %get3A_79 : vector<16xi32> to vector<16xi32>
    %add3A_81 = vector.broadcast %mul3A_17 : i32 to vector<16xi32>
    %add3A_82 = arith.addi %get3A_80, %add3A_81 : vector<16xi32>
    %swap3A_83 = arith.constant 112 : index
    %swap3A_84 = tpu.vector_load %arg9[%swap3A_83] {strides = array<i32>} : memref<128xi32, #tpu.memory_space<vmem>>, vector<16xi32>,
    %swap3A_85 = vector.shape_cast %swap3A_84 : vector<16xi32> to vector<16xi32>
    %swap3A_86 = vector.shape_cast %add3A_82 : vector<16xi32> to vector<16xi32>
    tpu.vector_store %arg9[%swap3A_83], %swap3A_86 {strides = array<i32>} : memref<128xi32, #tpu.memory_space<vmem>>, vector<16xi32>,
    %dma_start3A = arith.constant 0 : i32
    %dma_start3A_87 = arith.constant 0 : i32
    %dma_start3A_88 = tpu.memref_slice %arg2[%dma_start3A, %dma_start3A_87] : memref<20480x128xf32, #tpu.memory_space<hbm>> -> memref<20480x128xf32, #tpu.memory_space<hbm>>
    tpu.enqueue_indirect_dma source(%dma_start3A_88 : memref<20480x128xf32, #tpu.memory_space<hbm>>) target(%arg7 : memref<128x128xf32, #tpu.memory_space<vmem>>) offsets(%arg9 : memref<128xi32, #tpu.memory_space<vmem>>) semaphore(%arg13 : memref<!tpu.dma_semaphore, #tpu.memory_space<semaphore_mem>>)
    %add3A_89 = arith.constant 128 : i32
    %add3A_90 = arith.addi %mul3A_15, %add3A_89 : i32
    "tpu.region"() ({
      %run_scoped3A = tpu.sem_alloc : memref<!tpu.dma_semaphore, #tpu.memory_space<semaphore_mem>>
      %dma_start3A_183 = tpu.memref_slice %arg3[%add3A_90] : memref<327680xi32, #tpu.memory_space<hbm>> -> memref<128xi32, #tpu.memory_space<hbm>>
      %dma_start3A_184 = tpu.memref_slice %arg3[%add3A_90] : memref<327680xi32, #tpu.memory_space<hbm>> -> memref<128xi32, #tpu.memory_space<hbm>>
      tpu.enqueue_dma source(%dma_start3A_184 : memref<128xi32, #tpu.memory_space<hbm>>) target(%arg10 : memref<128xi32, #tpu.memory_space<vmem>>) target_semaphore(%run_scoped3A : memref<!tpu.dma_semaphore, #tpu.memory_space<semaphore_mem>>)
      %dma_wait3A = tpu.memref_slice %arg3[%add3A_90] : memref<327680xi32, #tpu.memory_space<hbm>> -> memref<128xi32, #tpu.memory_space<hbm>>
      %dma_wait3A_185 = tpu.memref_slice %arg3[%add3A_90] : memref<327680xi32, #tpu.memory_space<hbm>> -> memref<128xi32, #tpu.memory_space<hbm>>
      tpu.wait_dma2 semaphore(%run_scoped3A : memref<!tpu.dma_semaphore, #tpu.memory_space<semaphore_mem>>) src(%dma_wait3A_185 : memref<128xi32, #tpu.memory_space<hbm>>) dst(%arg10 : memref<128xi32, #tpu.memory_space<vmem>>)
      tpu.yield
    }) : () -> ()
    %mul3A_91 = arith.constant 10240 : i32
    %mul3A_92 = arith.muli %arg0, %mul3A_91 : i32
    %get3A_93 = arith.constant 0 : index
    %get3A_94 = tpu.vector_load %arg10[%get3A_93] {strides = array<i32>} : memref<128xi32, #tpu.memory_space<vmem>>, vector<16xi32>,
    %get3A_95 = vector.shape_cast %get3A_94 : vector<16xi32> to vector<16xi32>
    %add3A_96 = vector.broadcast %mul3A_92 : i32 to vector<16xi32>
    %add3A_97 = arith.addi %get3A_95, %add3A_96 : vector<16xi32>
    %swap3A_98 = arith.constant 0 : index
    %swap3A_99 = tpu.vector_load %arg10[%swap3A_98] {strides = array<i32>} : memref<128xi32, #tpu.memory_space<vmem>>, vector<16xi32>,
    %swap3A_100 = vector.shape_cast %swap3A_99 : vector<16xi32> to vector<16xi32>
    %swap3A_101 = vector.shape_cast %add3A_97 : vector<16xi32> to vector<16xi32>
    tpu.vector_store %arg10[%swap3A_98], %swap3A_101 {strides = array<i32>} : memref<128xi32, #tpu.memory_space<vmem>>, vector<16xi32>,
    %get3A_102 = arith.constant 16 : index
    %get3A_103 = tpu.vector_load %arg10[%get3A_102] {strides = array<i32>} : memref<128xi32, #tpu.memory_space<vmem>>, vector<16xi32>,
    %get3A_104 = vector.shape_cast %get3A_103 : vector<16xi32> to vector<16xi32>
    %add3A_105 = vector.broadcast %mul3A_92 : i32 to vector<16xi32>
    %add3A_106 = arith.addi %get3A_104, %add3A_105 : vector<16xi32>
    %swap3A_107 = arith.constant 16 : index
    %swap3A_108 = tpu.vector_load %arg10[%swap3A_107] {strides = array<i32>} : memref<128xi32, #tpu.memory_space<vmem>>, vector<16xi32>,
    %swap3A_109 = vector.shape_cast %swap3A_108 : vector<16xi32> to vector<16xi32>
    %swap3A_110 = vector.shape_cast %add3A_106 : vector<16xi32> to vector<16xi32>
    tpu.vector_store %arg10[%swap3A_107], %swap3A_110 {strides = array<i32>} : memref<128xi32, #tpu.memory_space<vmem>>, vector<16xi32>,
    %get3A_111 = arith.constant 32 : index
    %get3A_112 = tpu.vector_load %arg10[%get3A_111] {strides = array<i32>} : memref<128xi32, #tpu.memory_space<vmem>>, vector<16xi32>,
    %get3A_113 = vector.shape_cast %get3A_112 : vector<16xi32> to vector<16xi32>
    %add3A_114 = vector.broadcast %mul3A_92 : i32 to vector<16xi32>
    %add3A_115 = arith.addi %get3A_113, %add3A_114 : vector<16xi32>
    %swap3A_116 = arith.constant 32 : index
    %swap3A_117 = tpu.vector_load %arg10[%swap3A_116] {strides = array<i32>} : memref<128xi32, #tpu.memory_space<vmem>>, vector<16xi32>,
    %swap3A_118 = vector.shape_cast %swap3A_117 : vector<16xi32> to vector<16xi32>
    %swap3A_119 = vector.shape_cast %add3A_115 : vector<16xi32> to vector<16xi32>
    tpu.vector_store %arg10[%swap3A_116], %swap3A_119 {strides = array<i32>} : memref<128xi32, #tpu.memory_space<vmem>>, vector<16xi32>,
    %get3A_120 = arith.constant 48 : index
    %get3A_121 = tpu.vector_load %arg10[%get3A_120] {strides = array<i32>} : memref<128xi32, #tpu.memory_space<vmem>>, vector<16xi32>,
    %get3A_122 = vector.shape_cast %get3A_121 : vector<16xi32> to vector<16xi32>
    %add3A_123 = vector.broadcast %mul3A_92 : i32 to vector<16xi32>
    %add3A_124 = arith.addi %get3A_122, %add3A_123 : vector<16xi32>
    %swap3A_125 = arith.constant 48 : index
    %swap3A_126 = tpu.vector_load %arg10[%swap3A_125] {strides = array<i32>} : memref<128xi32, #tpu.memory_space<vmem>>, vector<16xi32>,
    %swap3A_127 = vector.shape_cast %swap3A_126 : vector<16xi32> to vector<16xi32>
    %swap3A_128 = vector.shape_cast %add3A_124 : vector<16xi32> to vector<16xi32>
    tpu.vector_store %arg10[%swap3A_125], %swap3A_128 {strides = array<i32>} : memref<128xi32, #tpu.memory_space<vmem>>, vector<16xi32>,
    %get3A_129 = arith.constant 64 : index
    %get3A_130 = tpu.vector_load %arg10[%get3A_129] {strides = array<i32>} : memref<128xi32, #tpu.memory_space<vmem>>, vector<16xi32>,
    %get3A_131 = vector.shape_cast %get3A_130 : vector<16xi32> to vector<16xi32>
    %add3A_132 = vector.broadcast %mul3A_92 : i32 to vector<16xi32>
    %add3A_133 = arith.addi %get3A_131, %add3A_132 : vector<16xi32>
    %swap3A_134 = arith.constant 64 : index
    %swap3A_135 = tpu.vector_load %arg10[%swap3A_134] {strides = array<i32>} : memref<128xi32, #tpu.memory_space<vmem>>, vector<16xi32>,
    %swap3A_136 = vector.shape_cast %swap3A_135 : vector<16xi32> to vector<16xi32>
    %swap3A_137 = vector.shape_cast %add3A_133 : vector<16xi32> to vector<16xi32>
    tpu.vector_store %arg10[%swap3A_134], %swap3A_137 {strides = array<i32>} : memref<128xi32, #tpu.memory_space<vmem>>, vector<16xi32>,
    %get3A_138 = arith.constant 80 : index
    %get3A_139 = tpu.vector_load %arg10[%get3A_138] {strides = array<i32>} : memref<128xi32, #tpu.memory_space<vmem>>, vector<16xi32>,
    %get3A_140 = vector.shape_cast %get3A_139 : vector<16xi32> to vector<16xi32>
    %add3A_141 = vector.broadcast %mul3A_92 : i32 to vector<16xi32>
    %add3A_142 = arith.addi %get3A_140, %add3A_141 : vector<16xi32>
    %swap3A_143 = arith.constant 80 : index
    %swap3A_144 = tpu.vector_load %arg10[%swap3A_143] {strides = array<i32>} : memref<128xi32, #tpu.memory_space<vmem>>, vector<16xi32>,
    %swap3A_145 = vector.shape_cast %swap3A_144 : vector<16xi32> to vector<16xi32>
    %swap3A_146 = vector.shape_cast %add3A_142 : vector<16xi32> to vector<16xi32>
    tpu.vector_store %arg10[%swap3A_143], %swap3A_146 {strides = array<i32>} : memref<128xi32, #tpu.memory_space<vmem>>, vector<16xi32>,
    %get3A_147 = arith.constant 96 : index
    %get3A_148 = tpu.vector_load %arg10[%get3A_147] {strides = array<i32>} : memref<128xi32, #tpu.memory_space<vmem>>, vector<16xi32>,
    %get3A_149 = vector.shape_cast %get3A_148 : vector<16xi32> to vector<16xi32>
    %add3A_150 = vector.broadcast %mul3A_92 : i32 to vector<16xi32>
    %add3A_151 = arith.addi %get3A_149, %add3A_150 : vector<16xi32>
    %swap3A_152 = arith.constant 96 : index
    %swap3A_153 = tpu.vector_load %arg10[%swap3A_152] {strides = array<i32>} : memref<128xi32, #tpu.memory_space<vmem>>, vector<16xi32>,
    %swap3A_154 = vector.shape_cast %swap3A_153 : vector<16xi32> to vector<16xi32>
    %swap3A_155 = vector.shape_cast %add3A_151 : vector<16xi32> to vector<16xi32>
    tpu.vector_store %arg10[%swap3A_152], %swap3A_155 {strides = array<i32>} : memref<128xi32, #tpu.memory_space<vmem>>, vector<16xi32>,
    %get3A_156 = arith.constant 112 : index
    %get3A_157 = tpu.vector_load %arg10[%get3A_156] {strides = array<i32>} : memref<128xi32, #tpu.memory_space<vmem>>, vector<16xi32>,
    %get3A_158 = vector.shape_cast %get3A_157 : vector<16xi32> to vector<16xi32>
    %add3A_159 = vector.broadcast %mul3A_92 : i32 to vector<16xi32>
    %add3A_160 = arith.addi %get3A_158, %add3A_159 : vector<16xi32>
    %swap3A_161 = arith.constant 112 : index
    %swap3A_162 = tpu.vector_load %arg10[%swap3A_161] {strides = array<i32>} : memref<128xi32, #tpu.memory_space<vmem>>, vector<16xi32>,
    %swap3A_163 = vector.shape_cast %swap3A_162 : vector<16xi32> to vector<16xi32>
    %swap3A_164 = vector.shape_cast %add3A_160 : vector<16xi32> to vector<16xi32>
    tpu.vector_store %arg10[%swap3A_161], %swap3A_164 {strides = array<i32>} : memref<128xi32, #tpu.memory_space<vmem>>, vector<16xi32>,
    %dma_start3A_165 = arith.constant 0 : i32
    %dma_start3A_166 = arith.constant 0 : i32
    %dma_start3A_167 = tpu.memref_slice %arg2[%dma_start3A_165, %dma_start3A_166] : memref<20480x128xf32, #tpu.memory_space<hbm>> -> memref<20480x128xf32, #tpu.memory_space<hbm>>
    tpu.enqueue_indirect_dma source(%dma_start3A_167 : memref<20480x128xf32, #tpu.memory_space<hbm>>) target(%arg8 : memref<128x128xf32, #tpu.memory_space<vmem>>) offsets(%arg10 : memref<128xi32, #tpu.memory_space<vmem>>) semaphore(%arg14 : memref<!tpu.dma_semaphore, #tpu.memory_space<semaphore_mem>>)
    %scan3A_168 = arith.constant 0 : i32
    %scan3A_169 = arith.constant 0 : i32
    %scan3A_170 = arith.constant 80 : i32
    %scan3A_171 = arith.addi %scan3A_169, %scan3A_170 : i32
    %scan3A_172 = arith.constant 1 : i32
    %scan3A_173 = scf.for %scan3A_183 = %scan3A_169 to %scan3A_171 step %scan3A_172 iter_args(%scan3A_184 = %scan3A_168) -> (i32)  : i32 {
      %mul3A_185 = arith.constant 2 : i32
      %mul3A_186 = arith.muli %mul3A_185, %scan3A_183 : i32
      %mul3A_187 = arith.constant 128 : i32
      %mul3A_188 = arith.muli %mul3A_186, %mul3A_187 : i32
      %add3A_189 = arith.addi %mul3A_15, %mul3A_188 : i32
      %add3A_190 = arith.constant 128 : i32
      %add3A_191 = arith.addi %add3A_189, %add3A_190 : i32
      "tpu.region"() ({
        %run_scoped3A = tpu.sem_alloc : memref<!tpu.dma_semaphore, #tpu.memory_space<semaphore_mem>>
        %dma_start3A_214 = tpu.memref_slice %arg4[%add3A_189] : memref<327680xi32, #tpu.memory_space<hbm>> -> memref<128xi32, #tpu.memory_space<hbm>>
        %dma_start3A_215 = tpu.memref_slice %arg4[%add3A_189] : memref<327680xi32, #tpu.memory_space<hbm>> -> memref<128xi32, #tpu.memory_space<hbm>>
        tpu.enqueue_dma source(%dma_start3A_215 : memref<128xi32, #tpu.memory_space<hbm>>) target(%arg11 : memref<128xi32, #tpu.memory_space<vmem>>) target_semaphore(%run_scoped3A : memref<!tpu.dma_semaphore, #tpu.memory_space<semaphore_mem>>)
        %dma_wait3A_216 = tpu.memref_slice %arg4[%add3A_189] : memref<327680xi32, #tpu.memory_space<hbm>> -> memref<128xi32, #tpu.memory_space<hbm>>
        %dma_wait3A_217 = tpu.memref_slice %arg4[%add3A_189] : memref<327680xi32, #tpu.memory_space<hbm>> -> memref<128xi32, #tpu.memory_space<hbm>>
        tpu.wait_dma2 semaphore(%run_scoped3A : memref<!tpu.dma_semaphore, #tpu.memory_space<semaphore_mem>>) src(%dma_wait3A_217 : memref<128xi32, #tpu.memory_space<hbm>>) dst(%arg11 : memref<128xi32, #tpu.memory_space<vmem>>)
        tpu.yield
      }) : () -> ()
      "tpu.region"() ({
        %run_scoped3A = tpu.sem_alloc : memref<!tpu.dma_semaphore, #tpu.memory_space<semaphore_mem>>
        %dma_start3A_214 = tpu.memref_slice %arg4[%add3A_191] : memref<327680xi32, #tpu.memory_space<hbm>> -> memref<128xi32, #tpu.memory_space<hbm>>
        %dma_start3A_215 = tpu.memref_slice %arg4[%add3A_191] : memref<327680xi32, #tpu.memory_space<hbm>> -> memref<128xi32, #tpu.memory_space<hbm>>
        tpu.enqueue_dma source(%dma_start3A_215 : memref<128xi32, #tpu.memory_space<hbm>>) target(%arg12 : memref<128xi32, #tpu.memory_space<vmem>>) target_semaphore(%run_scoped3A : memref<!tpu.dma_semaphore, #tpu.memory_space<semaphore_mem>>)
        %dma_wait3A_216 = tpu.memref_slice %arg4[%add3A_191] : memref<327680xi32, #tpu.memory_space<hbm>> -> memref<128xi32, #tpu.memory_space<hbm>>
        %dma_wait3A_217 = tpu.memref_slice %arg4[%add3A_191] : memref<327680xi32, #tpu.memory_space<hbm>> -> memref<128xi32, #tpu.memory_space<hbm>>
        tpu.wait_dma2 semaphore(%run_scoped3A : memref<!tpu.dma_semaphore, #tpu.memory_space<semaphore_mem>>) src(%dma_wait3A_217 : memref<128xi32, #tpu.memory_space<hbm>>) dst(%arg12 : memref<128xi32, #tpu.memory_space<vmem>>)
        tpu.yield
      }) : () -> ()
      %dma_wait3A = arith.constant 0 : i32
      %dma_wait3A_192 = arith.constant 0 : i32
      %dma_wait3A_193 = tpu.memref_slice %arg2[%dma_wait3A, %dma_wait3A_192] : memref<20480x128xf32, #tpu.memory_space<hbm>> -> memref<20480x128xf32, #tpu.memory_space<hbm>>
      tpu.wait_indirect_dma semaphore(%arg13 : memref<!tpu.dma_semaphore, #tpu.memory_space<semaphore_mem>>) src(%dma_wait3A_193 : memref<20480x128xf32, #tpu.memory_space<hbm>>) dst(%arg7 : memref<128x128xf32, #tpu.memory_space<vmem>>)
      %dma_start3A_194 = arith.constant 0 : i32
      %dma_start3A_195 = arith.constant 0 : i32
      %dma_start3A_196 = tpu.memref_slice %arg6[%dma_start3A_194, %dma_start3A_195] : memref<10240x128xf32, #tpu.memory_space<vmem_shared>> -> memref<10240x128xf32, #tpu.memory_space<vmem_shared>>
      tpu.enqueue_indirect_dma source(%arg7 : memref<128x128xf32, #tpu.memory_space<vmem>>) target(%dma_start3A_196 : memref<10240x128xf32, #tpu.memory_space<vmem_shared>>) offsets(%arg11 : memref<128xi32, #tpu.memory_space<vmem>>) semaphore(%arg15 : memref<!tpu.dma_semaphore, #tpu.memory_space<semaphore_mem>>) {add = true}
      %dma_wait3A_197 = arith.constant 0 : i32
      %dma_wait3A_198 = arith.constant 0 : i32
      %dma_wait3A_199 = tpu.memref_slice %arg2[%dma_wait3A_197, %dma_wait3A_198] : memref<20480x128xf32, #tpu.memory_space<hbm>> -> memref<20480x128xf32, #tpu.memory_space<hbm>>
      tpu.wait_indirect_dma semaphore(%arg14 : memref<!tpu.dma_semaphore, #tpu.memory_space<semaphore_mem>>) src(%dma_wait3A_199 : memref<20480x128xf32, #tpu.memory_space<hbm>>) dst(%arg8 : memref<128x128xf32, #tpu.memory_space<vmem>>)
      %dma_start3A_200 = arith.constant 0 : i32
      %dma_start3A_201 = arith.constant 0 : i32
      %dma_start3A_202 = tpu.memref_slice %arg6[%dma_start3A_200, %dma_start3A_201] : memref<10240x128xf32, #tpu.memory_space<vmem_shared>> -> memref<10240x128xf32, #tpu.memory_space<vmem_shared>>
      tpu.enqueue_indirect_dma source(%arg8 : memref<128x128xf32, #tpu.memory_space<vmem>>) target(%dma_start3A_202 : memref<10240x128xf32, #tpu.memory_space<vmem_shared>>) offsets(%arg12 : memref<128xi32, #tpu.memory_space<vmem>>) semaphore(%arg16 : memref<!tpu.dma_semaphore, #tpu.memory_space<semaphore_mem>>) {add = true}
      %dma_wait3A_203 = arith.constant 0 : i32
      %dma_wait3A_204 = arith.constant 0 : i32
      %dma_wait3A_205 = tpu.memref_slice %arg6[%dma_wait3A_203, %dma_wait3A_204] : memref<10240x128xf32, #tpu.memory_space<vmem_shared>> -> memref<10240x128xf32, #tpu.memory_space<vmem_shared>>
      tpu.wait_indirect_dma semaphore(%arg15 : memref<!tpu.dma_semaphore, #tpu.memory_space<semaphore_mem>>) src(%arg7 : memref<128x128xf32, #tpu.memory_space<vmem>>) dst(%dma_wait3A_205 : memref<10240x128xf32, #tpu.memory_space<vmem_shared>>)
      %dma_wait3A_206 = arith.constant 0 : i32
      %dma_wait3A_207 = arith.constant 0 : i32
      %dma_wait3A_208 = tpu.memref_slice %arg6[%dma_wait3A_206, %dma_wait3A_207] : memref<10240x128xf32, #tpu.memory_space<vmem_shared>> -> memref<10240x128xf32, #tpu.memory_space<vmem_shared>>
      tpu.wait_indirect_dma semaphore(%arg16 : memref<!tpu.dma_semaphore, #tpu.memory_space<semaphore_mem>>) src(%arg8 : memref<128x128xf32, #tpu.memory_space<vmem>>) dst(%dma_wait3A_208 : memref<10240x128xf32, #tpu.memory_space<vmem_shared>>)
      %add3A_209 = arith.constant 1 : i32
      %add3A_210 = arith.addi %scan3A_183, %add3A_209 : i32
      %lt3A = arith.constant 80 : i32
      %lt3A_211 = arith.cmpi slt, %add3A_210, %lt3A : i32
      %convert_element_type3A = arith.extui %lt3A_211 : i1 to i32
      %cond3A = arith.constant 0 : i32
      %cond3A_212 = arith.cmpi ne, %convert_element_type3A, %cond3A : i32
      scf.if %cond3A_212 {
        %add3A_214 = arith.constant 256 : i32
        %add3A_215 = arith.addi %add3A_189, %add3A_214 : i32
        "tpu.region"() ({
          %run_scoped3A = tpu.sem_alloc : memref<!tpu.dma_semaphore, #tpu.memory_space<semaphore_mem>>
          %dma_start3A_372 = tpu.memref_slice %arg3[%add3A_215] : memref<327680xi32, #tpu.memory_space<hbm>> -> memref<128xi32, #tpu.memory_space<hbm>>
          %dma_start3A_373 = tpu.memref_slice %arg3[%add3A_215] : memref<327680xi32, #tpu.memory_space<hbm>> -> memref<128xi32, #tpu.memory_space<hbm>>
          tpu.enqueue_dma source(%dma_start3A_373 : memref<128xi32, #tpu.memory_space<hbm>>) target(%arg9 : memref<128xi32, #tpu.memory_space<vmem>>) target_semaphore(%run_scoped3A : memref<!tpu.dma_semaphore, #tpu.memory_space<semaphore_mem>>)
          %dma_wait3A_374 = tpu.memref_slice %arg3[%add3A_215] : memref<327680xi32, #tpu.memory_space<hbm>> -> memref<128xi32, #tpu.memory_space<hbm>>
          %dma_wait3A_375 = tpu.memref_slice %arg3[%add3A_215] : memref<327680xi32, #tpu.memory_space<hbm>> -> memref<128xi32, #tpu.memory_space<hbm>>
          tpu.wait_dma2 semaphore(%run_scoped3A : memref<!tpu.dma_semaphore, #tpu.memory_space<semaphore_mem>>) src(%dma_wait3A_375 : memref<128xi32, #tpu.memory_space<hbm>>) dst(%arg9 : memref<128xi32, #tpu.memory_space<vmem>>)
          tpu.yield
        }) : () -> ()
        %mul3A_216 = arith.constant 10240 : i32
        %mul3A_217 = arith.muli %arg0, %mul3A_216 : i32
        %get3A_218 = arith.constant 0 : index
        %get3A_219 = tpu.vector_load %arg9[%get3A_218] {strides = array<i32>} : memref<128xi32, #tpu.memory_space<vmem>>, vector<16xi32>,
        %get3A_220 = vector.shape_cast %get3A_219 : vector<16xi32> to vector<16xi32>
        %add3A_221 = vector.broadcast %mul3A_217 : i32 to vector<16xi32>
        %add3A_222 = arith.addi %get3A_220, %add3A_221 : vector<16xi32>
        %swap3A_223 = arith.constant 0 : index
        %swap3A_224 = tpu.vector_load %arg9[%swap3A_223] {strides = array<i32>} : memref<128xi32, #tpu.memory_space<vmem>>, vector<16xi32>,
        %swap3A_225 = vector.shape_cast %swap3A_224 : vector<16xi32> to vector<16xi32>
        %swap3A_226 = vector.shape_cast %add3A_222 : vector<16xi32> to vector<16xi32>
        tpu.vector_store %arg9[%swap3A_223], %swap3A_226 {strides = array<i32>} : memref<128xi32, #tpu.memory_space<vmem>>, vector<16xi32>,
        %get3A_227 = arith.constant 16 : index
        %get3A_228 = tpu.vector_load %arg9[%get3A_227] {strides = array<i32>} : memref<128xi32, #tpu.memory_space<vmem>>, vector<16xi32>,
        %get3A_229 = vector.shape_cast %get3A_228 : vector<16xi32> to vector<16xi32>
        %add3A_230 = vector.broadcast %mul3A_217 : i32 to vector<16xi32>
        %add3A_231 = arith.addi %get3A_229, %add3A_230 : vector<16xi32>
        %swap3A_232 = arith.constant 16 : index
        %swap3A_233 = tpu.vector_load %arg9[%swap3A_232] {strides = array<i32>} : memref<128xi32, #tpu.memory_space<vmem>>, vector<16xi32>,
        %swap3A_234 = vector.shape_cast %swap3A_233 : vector<16xi32> to vector<16xi32>
        %swap3A_235 = vector.shape_cast %add3A_231 : vector<16xi32> to vector<16xi32>
        tpu.vector_store %arg9[%swap3A_232], %swap3A_235 {strides = array<i32>} : memref<128xi32, #tpu.memory_space<vmem>>, vector<16xi32>,
        %get3A_236 = arith.constant 32 : index
        %get3A_237 = tpu.vector_load %arg9[%get3A_236] {strides = array<i32>} : memref<128xi32, #tpu.memory_space<vmem>>, vector<16xi32>,
        %get3A_238 = vector.shape_cast %get3A_237 : vector<16xi32> to vector<16xi32>
        %add3A_239 = vector.broadcast %mul3A_217 : i32 to vector<16xi32>
        %add3A_240 = arith.addi %get3A_238, %add3A_239 : vector<16xi32>
        %swap3A_241 = arith.constant 32 : index
        %swap3A_242 = tpu.vector_load %arg9[%swap3A_241] {strides = array<i32>} : memref<128xi32, #tpu.memory_space<vmem>>, vector<16xi32>,
        %swap3A_243 = vector.shape_cast %swap3A_242 : vector<16xi32> to vector<16xi32>
        %swap3A_244 = vector.shape_cast %add3A_240 : vector<16xi32> to vector<16xi32>
        tpu.vector_store %arg9[%swap3A_241], %swap3A_244 {strides = array<i32>} : memref<128xi32, #tpu.memory_space<vmem>>, vector<16xi32>,
        %get3A_245 = arith.constant 48 : index
        %get3A_246 = tpu.vector_load %arg9[%get3A_245] {strides = array<i32>} : memref<128xi32, #tpu.memory_space<vmem>>, vector<16xi32>,
        %get3A_247 = vector.shape_cast %get3A_246 : vector<16xi32> to vector<16xi32>
        %add3A_248 = vector.broadcast %mul3A_217 : i32 to vector<16xi32>
        %add3A_249 = arith.addi %get3A_247, %add3A_248 : vector<16xi32>
        %swap3A_250 = arith.constant 48 : index
        %swap3A_251 = tpu.vector_load %arg9[%swap3A_250] {strides = array<i32>} : memref<128xi32, #tpu.memory_space<vmem>>, vector<16xi32>,
        %swap3A_252 = vector.shape_cast %swap3A_251 : vector<16xi32> to vector<16xi32>
        %swap3A_253 = vector.shape_cast %add3A_249 : vector<16xi32> to vector<16xi32>
        tpu.vector_store %arg9[%swap3A_250], %swap3A_253 {strides = array<i32>} : memref<128xi32, #tpu.memory_space<vmem>>, vector<16xi32>,
        %get3A_254 = arith.constant 64 : index
        %get3A_255 = tpu.vector_load %arg9[%get3A_254] {strides = array<i32>} : memref<128xi32, #tpu.memory_space<vmem>>, vector<16xi32>,
        %get3A_256 = vector.shape_cast %get3A_255 : vector<16xi32> to vector<16xi32>
        %add3A_257 = vector.broadcast %mul3A_217 : i32 to vector<16xi32>
        %add3A_258 = arith.addi %get3A_256, %add3A_257 : vector<16xi32>
        %swap3A_259 = arith.constant 64 : index
        %swap3A_260 = tpu.vector_load %arg9[%swap3A_259] {strides = array<i32>} : memref<128xi32, #tpu.memory_space<vmem>>, vector<16xi32>,
        %swap3A_261 = vector.shape_cast %swap3A_260 : vector<16xi32> to vector<16xi32>
        %swap3A_262 = vector.shape_cast %add3A_258 : vector<16xi32> to vector<16xi32>
        tpu.vector_store %arg9[%swap3A_259], %swap3A_262 {strides = array<i32>} : memref<128xi32, #tpu.memory_space<vmem>>, vector<16xi32>,
        %get3A_263 = arith.constant 80 : index
        %get3A_264 = tpu.vector_load %arg9[%get3A_263] {strides = array<i32>} : memref<128xi32, #tpu.memory_space<vmem>>, vector<16xi32>,
        %get3A_265 = vector.shape_cast %get3A_264 : vector<16xi32> to vector<16xi32>
        %add3A_266 = vector.broadcast %mul3A_217 : i32 to vector<16xi32>
        %add3A_267 = arith.addi %get3A_265, %add3A_266 : vector<16xi32>
        %swap3A_268 = arith.constant 80 : index
        %swap3A_269 = tpu.vector_load %arg9[%swap3A_268] {strides = array<i32>} : memref<128xi32, #tpu.memory_space<vmem>>, vector<16xi32>,
        %swap3A_270 = vector.shape_cast %swap3A_269 : vector<16xi32> to vector<16xi32>
        %swap3A_271 = vector.shape_cast %add3A_267 : vector<16xi32> to vector<16xi32>
        tpu.vector_store %arg9[%swap3A_268], %swap3A_271 {strides = array<i32>} : memref<128xi32, #tpu.memory_space<vmem>>, vector<16xi32>,
        %get3A_272 = arith.constant 96 : index
        %get3A_273 = tpu.vector_load %arg9[%get3A_272] {strides = array<i32>} : memref<128xi32, #tpu.memory_space<vmem>>, vector<16xi32>,
        %get3A_274 = vector.shape_cast %get3A_273 : vector<16xi32> to vector<16xi32>
        %add3A_275 = vector.broadcast %mul3A_217 : i32 to vector<16xi32>
        %add3A_276 = arith.addi %get3A_274, %add3A_275 : vector<16xi32>
        %swap3A_277 = arith.constant 96 : index
        %swap3A_278 = tpu.vector_load %arg9[%swap3A_277] {strides = array<i32>} : memref<128xi32, #tpu.memory_space<vmem>>, vector<16xi32>,
        %swap3A_279 = vector.shape_cast %swap3A_278 : vector<16xi32> to vector<16xi32>
        %swap3A_280 = vector.shape_cast %add3A_276 : vector<16xi32> to vector<16xi32>
        tpu.vector_store %arg9[%swap3A_277], %swap3A_280 {strides = array<i32>} : memref<128xi32, #tpu.memory_space<vmem>>, vector<16xi32>,
        %get3A_281 = arith.constant 112 : index
        %get3A_282 = tpu.vector_load %arg9[%get3A_281] {strides = array<i32>} : memref<128xi32, #tpu.memory_space<vmem>>, vector<16xi32>,
        %get3A_283 = vector.shape_cast %get3A_282 : vector<16xi32> to vector<16xi32>
        %add3A_284 = vector.broadcast %mul3A_217 : i32 to vector<16xi32>
        %add3A_285 = arith.addi %get3A_283, %add3A_284 : vector<16xi32>
        %swap3A_286 = arith.constant 112 : index
        %swap3A_287 = tpu.vector_load %arg9[%swap3A_286] {strides = array<i32>} : memref<128xi32, #tpu.memory_space<vmem>>, vector<16xi32>,
        %swap3A_288 = vector.shape_cast %swap3A_287 : vector<16xi32> to vector<16xi32>
        %swap3A_289 = vector.shape_cast %add3A_285 : vector<16xi32> to vector<16xi32>
        tpu.vector_store %arg9[%swap3A_286], %swap3A_289 {strides = array<i32>} : memref<128xi32, #tpu.memory_space<vmem>>, vector<16xi32>,
        %dma_start3A_290 = arith.constant 0 : i32
        %dma_start3A_291 = arith.constant 0 : i32
        %dma_start3A_292 = tpu.memref_slice %arg2[%dma_start3A_290, %dma_start3A_291] : memref<20480x128xf32, #tpu.memory_space<hbm>> -> memref<20480x128xf32, #tpu.memory_space<hbm>>
        tpu.enqueue_indirect_dma source(%dma_start3A_292 : memref<20480x128xf32, #tpu.memory_space<hbm>>) target(%arg7 : memref<128x128xf32, #tpu.memory_space<vmem>>) offsets(%arg9 : memref<128xi32, #tpu.memory_space<vmem>>) semaphore(%arg13 : memref<!tpu.dma_semaphore, #tpu.memory_space<semaphore_mem>>)
        %add3A_293 = arith.constant 256 : i32
        %add3A_294 = arith.addi %add3A_191, %add3A_293 : i32
        "tpu.region"() ({
          %run_scoped3A = tpu.sem_alloc : memref<!tpu.dma_semaphore, #tpu.memory_space<semaphore_mem>>
          %dma_start3A_372 = tpu.memref_slice %arg3[%add3A_294] : memref<327680xi32, #tpu.memory_space<hbm>> -> memref<128xi32, #tpu.memory_space<hbm>>
          %dma_start3A_373 = tpu.memref_slice %arg3[%add3A_294] : memref<327680xi32, #tpu.memory_space<hbm>> -> memref<128xi32, #tpu.memory_space<hbm>>
          tpu.enqueue_dma source(%dma_start3A_373 : memref<128xi32, #tpu.memory_space<hbm>>) target(%arg10 : memref<128xi32, #tpu.memory_space<vmem>>) target_semaphore(%run_scoped3A : memref<!tpu.dma_semaphore, #tpu.memory_space<semaphore_mem>>)
          %dma_wait3A_374 = tpu.memref_slice %arg3[%add3A_294] : memref<327680xi32, #tpu.memory_space<hbm>> -> memref<128xi32, #tpu.memory_space<hbm>>
          %dma_wait3A_375 = tpu.memref_slice %arg3[%add3A_294] : memref<327680xi32, #tpu.memory_space<hbm>> -> memref<128xi32, #tpu.memory_space<hbm>>
          tpu.wait_dma2 semaphore(%run_scoped3A : memref<!tpu.dma_semaphore, #tpu.memory_space<semaphore_mem>>) src(%dma_wait3A_375 : memref<128xi32, #tpu.memory_space<hbm>>) dst(%arg10 : memref<128xi32, #tpu.memory_space<vmem>>)
          tpu.yield
        }) : () -> ()
        %mul3A_295 = arith.constant 10240 : i32
        %mul3A_296 = arith.muli %arg0, %mul3A_295 : i32
        %get3A_297 = arith.constant 0 : index
        %get3A_298 = tpu.vector_load %arg10[%get3A_297] {strides = array<i32>} : memref<128xi32, #tpu.memory_space<vmem>>, vector<16xi32>,
        %get3A_299 = vector.shape_cast %get3A_298 : vector<16xi32> to vector<16xi32>
        %add3A_300 = vector.broadcast %mul3A_296 : i32 to vector<16xi32>
        %add3A_301 = arith.addi %get3A_299, %add3A_300 : vector<16xi32>
        %swap3A_302 = arith.constant 0 : index
        %swap3A_303 = tpu.vector_load %arg10[%swap3A_302] {strides = array<i32>} : memref<128xi32, #tpu.memory_space<vmem>>, vector<16xi32>,
        %swap3A_304 = vector.shape_cast %swap3A_303 : vector<16xi32> to vector<16xi32>
        %swap3A_305 = vector.shape_cast %add3A_301 : vector<16xi32> to vector<16xi32>
        tpu.vector_store %arg10[%swap3A_302], %swap3A_305 {strides = array<i32>} : memref<128xi32, #tpu.memory_space<vmem>>, vector<16xi32>,
        %get3A_306 = arith.constant 16 : index
        %get3A_307 = tpu.vector_load %arg10[%get3A_306] {strides = array<i32>} : memref<128xi32, #tpu.memory_space<vmem>>, vector<16xi32>,
        %get3A_308 = vector.shape_cast %get3A_307 : vector<16xi32> to vector<16xi32>
        %add3A_309 = vector.broadcast %mul3A_296 : i32 to vector<16xi32>
        %add3A_310 = arith.addi %get3A_308, %add3A_309 : vector<16xi32>
        %swap3A_311 = arith.constant 16 : index
        %swap3A_312 = tpu.vector_load %arg10[%swap3A_311] {strides = array<i32>} : memref<128xi32, #tpu.memory_space<vmem>>, vector<16xi32>,
        %swap3A_313 = vector.shape_cast %swap3A_312 : vector<16xi32> to vector<16xi32>
        %swap3A_314 = vector.shape_cast %add3A_310 : vector<16xi32> to vector<16xi32>
        tpu.vector_store %arg10[%swap3A_311], %swap3A_314 {strides = array<i32>} : memref<128xi32, #tpu.memory_space<vmem>>, vector<16xi32>,
        %get3A_315 = arith.constant 32 : index
        %get3A_316 = tpu.vector_load %arg10[%get3A_315] {strides = array<i32>} : memref<128xi32, #tpu.memory_space<vmem>>, vector<16xi32>,
        %get3A_317 = vector.shape_cast %get3A_316 : vector<16xi32> to vector<16xi32>
        %add3A_318 = vector.broadcast %mul3A_296 : i32 to vector<16xi32>
        %add3A_319 = arith.addi %get3A_317, %add3A_318 : vector<16xi32>
        %swap3A_320 = arith.constant 32 : index
        %swap3A_321 = tpu.vector_load %arg10[%swap3A_320] {strides = array<i32>} : memref<128xi32, #tpu.memory_space<vmem>>, vector<16xi32>,
        %swap3A_322 = vector.shape_cast %swap3A_321 : vector<16xi32> to vector<16xi32>
        %swap3A_323 = vector.shape_cast %add3A_319 : vector<16xi32> to vector<16xi32>
        tpu.vector_store %arg10[%swap3A_320], %swap3A_323 {strides = array<i32>} : memref<128xi32, #tpu.memory_space<vmem>>, vector<16xi32>,
        %get3A_324 = arith.constant 48 : index
        %get3A_325 = tpu.vector_load %arg10[%get3A_324] {strides = array<i32>} : memref<128xi32, #tpu.memory_space<vmem>>, vector<16xi32>,
        %get3A_326 = vector.shape_cast %get3A_325 : vector<16xi32> to vector<16xi32>
        %add3A_327 = vector.broadcast %mul3A_296 : i32 to vector<16xi32>
        %add3A_328 = arith.addi %get3A_326, %add3A_327 : vector<16xi32>
        %swap3A_329 = arith.constant 48 : index
        %swap3A_330 = tpu.vector_load %arg10[%swap3A_329] {strides = array<i32>} : memref<128xi32, #tpu.memory_space<vmem>>, vector<16xi32>,
        %swap3A_331 = vector.shape_cast %swap3A_330 : vector<16xi32> to vector<16xi32>
        %swap3A_332 = vector.shape_cast %add3A_328 : vector<16xi32> to vector<16xi32>
        tpu.vector_store %arg10[%swap3A_329], %swap3A_332 {strides = array<i32>} : memref<128xi32, #tpu.memory_space<vmem>>, vector<16xi32>,
        %get3A_333 = arith.constant 64 : index
        %get3A_334 = tpu.vector_load %arg10[%get3A_333] {strides = array<i32>} : memref<128xi32, #tpu.memory_space<vmem>>, vector<16xi32>,
        %get3A_335 = vector.shape_cast %get3A_334 : vector<16xi32> to vector<16xi32>
        %add3A_336 = vector.broadcast %mul3A_296 : i32 to vector<16xi32>
        %add3A_337 = arith.addi %get3A_335, %add3A_336 : vector<16xi32>
        %swap3A_338 = arith.constant 64 : index
        %swap3A_339 = tpu.vector_load %arg10[%swap3A_338] {strides = array<i32>} : memref<128xi32, #tpu.memory_space<vmem>>, vector<16xi32>,
        %swap3A_340 = vector.shape_cast %swap3A_339 : vector<16xi32> to vector<16xi32>
        %swap3A_341 = vector.shape_cast %add3A_337 : vector<16xi32> to vector<16xi32>
        tpu.vector_store %arg10[%swap3A_338], %swap3A_341 {strides = array<i32>} : memref<128xi32, #tpu.memory_space<vmem>>, vector<16xi32>,
        %get3A_342 = arith.constant 80 : index
        %get3A_343 = tpu.vector_load %arg10[%get3A_342] {strides = array<i32>} : memref<128xi32, #tpu.memory_space<vmem>>, vector<16xi32>,
        %get3A_344 = vector.shape_cast %get3A_343 : vector<16xi32> to vector<16xi32>
        %add3A_345 = vector.broadcast %mul3A_296 : i32 to vector<16xi32>
        %add3A_346 = arith.addi %get3A_344, %add3A_345 : vector<16xi32>
        %swap3A_347 = arith.constant 80 : index
        %swap3A_348 = tpu.vector_load %arg10[%swap3A_347] {strides = array<i32>} : memref<128xi32, #tpu.memory_space<vmem>>, vector<16xi32>,
        %swap3A_349 = vector.shape_cast %swap3A_348 : vector<16xi32> to vector<16xi32>
        %swap3A_350 = vector.shape_cast %add3A_346 : vector<16xi32> to vector<16xi32>
        tpu.vector_store %arg10[%swap3A_347], %swap3A_350 {strides = array<i32>} : memref<128xi32, #tpu.memory_space<vmem>>, vector<16xi32>,
        %get3A_351 = arith.constant 96 : index
        %get3A_352 = tpu.vector_load %arg10[%get3A_351] {strides = array<i32>} : memref<128xi32, #tpu.memory_space<vmem>>, vector<16xi32>,
        %get3A_353 = vector.shape_cast %get3A_352 : vector<16xi32> to vector<16xi32>
        %add3A_354 = vector.broadcast %mul3A_296 : i32 to vector<16xi32>
        %add3A_355 = arith.addi %get3A_353, %add3A_354 : vector<16xi32>
        %swap3A_356 = arith.constant 96 : index
        %swap3A_357 = tpu.vector_load %arg10[%swap3A_356] {strides = array<i32>} : memref<128xi32, #tpu.memory_space<vmem>>, vector<16xi32>,
        %swap3A_358 = vector.shape_cast %swap3A_357 : vector<16xi32> to vector<16xi32>
        %swap3A_359 = vector.shape_cast %add3A_355 : vector<16xi32> to vector<16xi32>
        tpu.vector_store %arg10[%swap3A_356], %swap3A_359 {strides = array<i32>} : memref<128xi32, #tpu.memory_space<vmem>>, vector<16xi32>,
        %get3A_360 = arith.constant 112 : index
        %get3A_361 = tpu.vector_load %arg10[%get3A_360] {strides = array<i32>} : memref<128xi32, #tpu.memory_space<vmem>>, vector<16xi32>,
        %get3A_362 = vector.shape_cast %get3A_361 : vector<16xi32> to vector<16xi32>
        %add3A_363 = vector.broadcast %mul3A_296 : i32 to vector<16xi32>
        %add3A_364 = arith.addi %get3A_362, %add3A_363 : vector<16xi32>
        %swap3A_365 = arith.constant 112 : index
        %swap3A_366 = tpu.vector_load %arg10[%swap3A_365] {strides = array<i32>} : memref<128xi32, #tpu.memory_space<vmem>>, vector<16xi32>,
        %swap3A_367 = vector.shape_cast %swap3A_366 : vector<16xi32> to vector<16xi32>
        %swap3A_368 = vector.shape_cast %add3A_364 : vector<16xi32> to vector<16xi32>
        tpu.vector_store %arg10[%swap3A_365], %swap3A_368 {strides = array<i32>} : memref<128xi32, #tpu.memory_space<vmem>>, vector<16xi32>,
        %dma_start3A_369 = arith.constant 0 : i32
        %dma_start3A_370 = arith.constant 0 : i32
        %dma_start3A_371 = tpu.memref_slice %arg2[%dma_start3A_369, %dma_start3A_370] : memref<20480x128xf32, #tpu.memory_space<hbm>> -> memref<20480x128xf32, #tpu.memory_space<hbm>>
        tpu.enqueue_indirect_dma source(%dma_start3A_371 : memref<20480x128xf32, #tpu.memory_space<hbm>>) target(%arg8 : memref<128x128xf32, #tpu.memory_space<vmem>>) offsets(%arg10 : memref<128xi32, #tpu.memory_space<vmem>>) semaphore(%arg14 : memref<!tpu.dma_semaphore, #tpu.memory_space<semaphore_mem>>)
      } else {
      }
      %scan3A_213 = arith.constant 0 : i32
      scf.yield %scan3A_213 : i32
    }
    %scan3A_174 = arith.constant 80 : i32
    %barrier3A_175 = arith.constant 0 : index
    tpu.barrier barrier_id(%barrier3A_175)
    %scan3A_176 = arith.constant 0 : i32
    %scan3A_177 = arith.constant 0 : i32
    %scan3A_178 = arith.constant 10 : i32
    %scan3A_179 = arith.addi %scan3A_177, %scan3A_178 : i32
    %scan3A_180 = arith.constant 1 : i32
    %scan3A_181 = scf.for %scan3A_183 = %scan3A_177 to %scan3A_179 step %scan3A_180 iter_args(%scan3A_184 = %scan3A_176) -> (i32)  : i32 {
      %mul3A_185 = arith.constant 64 : i32
      %mul3A_186 = arith.muli %scan3A_183, %mul3A_185 : i32
      %add3A_187 = arith.addi %mul3A_6, %mul3A_186 : i32
      "tpu.region"() ({
        %run_scoped3A = tpu.sem_alloc : memref<!tpu.dma_semaphore, #tpu.memory_space<semaphore_mem>>
        %dma_start3A_189 = arith.constant 0 : i32
        %dma_start3A_190 = tpu.memref_slice %arg5[%arg0, %add3A_187, %dma_start3A_189] : memref<2x10240x128xf32, #tpu.memory_space<hbm>> -> memref<1x64x128xf32, #tpu.memory_space<hbm>>
        %dma_start3A_191 = tpu.memref_squeeze %dma_start3A_190 : memref<1x64x128xf32, #tpu.memory_space<hbm>> -> memref<64x128xf32, #tpu.memory_space<hbm>>
        %dma_start3A_192 = arith.constant 0 : i32
        %dma_start3A_193 = tpu.memref_slice %arg6[%add3A_187, %dma_start3A_192] : memref<10240x128xf32, #tpu.memory_space<vmem_shared>> -> memref<64x128xf32, #tpu.memory_space<vmem_shared>>
        tpu.enqueue_dma source(%dma_start3A_193 : memref<64x128xf32, #tpu.memory_space<vmem_shared>>) target(%dma_start3A_191 : memref<64x128xf32, #tpu.memory_space<hbm>>) target_semaphore(%run_scoped3A : memref<!tpu.dma_semaphore, #tpu.memory_space<semaphore_mem>>)
        %dma_wait3A = arith.constant 0 : i32
        %dma_wait3A_194 = tpu.memref_slice %arg5[%arg0, %add3A_187, %dma_wait3A] : memref<2x10240x128xf32, #tpu.memory_space<hbm>> -> memref<1x64x128xf32, #tpu.memory_space<hbm>>
        %dma_wait3A_195 = tpu.memref_squeeze %dma_wait3A_194 : memref<1x64x128xf32, #tpu.memory_space<hbm>> -> memref<64x128xf32, #tpu.memory_space<hbm>>
        %dma_wait3A_196 = arith.constant 0 : i32
        %dma_wait3A_197 = tpu.memref_slice %arg6[%add3A_187, %dma_wait3A_196] : memref<10240x128xf32, #tpu.memory_space<vmem_shared>> -> memref<64x128xf32, #tpu.memory_space<vmem_shared>>
        tpu.wait_dma2 semaphore(%run_scoped3A : memref<!tpu.dma_semaphore, #tpu.memory_space<semaphore_mem>>) src(%dma_wait3A_197 : memref<64x128xf32, #tpu.memory_space<vmem_shared>>) dst(%dma_wait3A_195 : memref<64x128xf32, #tpu.memory_space<hbm>>)
        tpu.yield
      }) : () -> ()
      %scan3A_188 = arith.constant 0 : i32
      scf.yield %scan3A_188 : i32
    }
    %scan3A_182 = arith.constant 10 : i32
    return
  }
}

#map = affine_map<(d0, d1) -> (0, 0)>
#map1 = affine_map<(d0, d1) -> (0)>
#map2 = affine_map<(d0, d1) -> (0, 0, 0)>
module attributes {stable_mosaic.version = 14 : i64} {
  func.func @body(%arg0: i32, %arg1: i32, %arg2: memref<10240x128xf32, #tpu.memory_space<hbm>>, %arg3: memref<327680xi32, #tpu.memory_space<hbm>>, %arg4: memref<327680xi32, #tpu.memory_space<hbm>>, %arg5: memref<2x10240x128xf32, #tpu.memory_space<hbm>>, %arg6: memref<10240x128xf32, #tpu.memory_space<vmem_shared>>, %arg7: memref<128x128xf32, #tpu.memory_space<vmem>>, %arg8: memref<128x128xf32, #tpu.memory_space<vmem>>, %arg9: memref<128xi32, #tpu.memory_space<vmem>>, %arg10: memref<128xi32, #tpu.memory_space<vmem>>, %arg11: memref<128xi32, #tpu.memory_space<vmem>>, %arg12: memref<128xi32, #tpu.memory_space<vmem>>, %arg13: memref<!tpu.dma_semaphore, #tpu.memory_space<semaphore_mem>>, %arg14: memref<!tpu.dma_semaphore, #tpu.memory_space<semaphore_mem>>, %arg15: memref<!tpu.dma_semaphore, #tpu.memory_space<semaphore_mem>>, %arg16: memref<!tpu.dma_semaphore, #tpu.memory_space<semaphore_mem>>) attributes {dimension_semantics = [#tpu.dimension_semantics<core_parallel>, #tpu.dimension_semantics<subcore_parallel>], iteration_bounds = array<i64: 2, 16>, scalar_prefetch = 0 : i64, scratch_operands = 11 : i64, tpu.core_type = #tpu.core_type<sc_vector_subcore>, window_params = [{transform_indices = #map}, {transform_indices = #map1}, {transform_indices = #map1}, {transform_indices = #map2}]} {
    %scan3A = arith.constant 0 : i32
    %scan3A_0 = arith.constant 0 : i32
    %scan3A_1 = arith.constant 128 : i32
    %scan3A_2 = arith.addi %scan3A_0, %scan3A_1 : i32
    %scan3A_3 = arith.constant 1 : i32
    %scan3A_4 = scf.for %scan3A_31 = %scan3A_0 to %scan3A_2 step %scan3A_3 iter_args(%scan3A_32 = %scan3A) -> (i32)  : i32 {
      %broadcast_in_dim3A = arith.constant 0.000000e+00 : f32
      %broadcast_in_dim3A_33 = vector.broadcast %broadcast_in_dim3A : f32 to vector<16xf32>
      %swap3A = arith.index_cast %scan3A_31 : i32 to index
      %swap3A_34 = arith.constant 0 : index
      %swap3A_35 = tpu.vector_load %arg7[%swap3A, %swap3A_34] {strides = array<i32>} : memref<128x128xf32, #tpu.memory_space<vmem>>, vector<1x16xf32>,
      %swap3A_36 = vector.shape_cast %swap3A_35 : vector<1x16xf32> to vector<16xf32>
      %swap3A_37 = vector.shape_cast %broadcast_in_dim3A_33 : vector<16xf32> to vector<1x16xf32>
      tpu.vector_store %arg7[%swap3A, %swap3A_34], %swap3A_37 {strides = array<i32>} : memref<128x128xf32, #tpu.memory_space<vmem>>, vector<1x16xf32>,
      %broadcast_in_dim3A_38 = arith.constant 0.000000e+00 : f32
      %broadcast_in_dim3A_39 = vector.broadcast %broadcast_in_dim3A_38 : f32 to vector<16xf32>
      %swap3A_40 = arith.index_cast %scan3A_31 : i32 to index
      %swap3A_41 = arith.constant 16 : index
      %swap3A_42 = tpu.vector_load %arg7[%swap3A_40, %swap3A_41] {strides = array<i32>} : memref<128x128xf32, #tpu.memory_space<vmem>>, vector<1x16xf32>,
      %swap3A_43 = vector.shape_cast %swap3A_42 : vector<1x16xf32> to vector<16xf32>
      %swap3A_44 = vector.shape_cast %broadcast_in_dim3A_39 : vector<16xf32> to vector<1x16xf32>
      tpu.vector_store %arg7[%swap3A_40, %swap3A_41], %swap3A_44 {strides = array<i32>} : memref<128x128xf32, #tpu.memory_space<vmem>>, vector<1x16xf32>,
      %broadcast_in_dim3A_45 = arith.constant 0.000000e+00 : f32
      %broadcast_in_dim3A_46 = vector.broadcast %broadcast_in_dim3A_45 : f32 to vector<16xf32>
      %swap3A_47 = arith.index_cast %scan3A_31 : i32 to index
      %swap3A_48 = arith.constant 32 : index
      %swap3A_49 = tpu.vector_load %arg7[%swap3A_47, %swap3A_48] {strides = array<i32>} : memref<128x128xf32, #tpu.memory_space<vmem>>, vector<1x16xf32>,
      %swap3A_50 = vector.shape_cast %swap3A_49 : vector<1x16xf32> to vector<16xf32>
      %swap3A_51 = vector.shape_cast %broadcast_in_dim3A_46 : vector<16xf32> to vector<1x16xf32>
      tpu.vector_store %arg7[%swap3A_47, %swap3A_48], %swap3A_51 {strides = array<i32>} : memref<128x128xf32, #tpu.memory_space<vmem>>, vector<1x16xf32>,
      %broadcast_in_dim3A_52 = arith.constant 0.000000e+00 : f32
      %broadcast_in_dim3A_53 = vector.broadcast %broadcast_in_dim3A_52 : f32 to vector<16xf32>
      %swap3A_54 = arith.index_cast %scan3A_31 : i32 to index
      %swap3A_55 = arith.constant 48 : index
      %swap3A_56 = tpu.vector_load %arg7[%swap3A_54, %swap3A_55] {strides = array<i32>} : memref<128x128xf32, #tpu.memory_space<vmem>>, vector<1x16xf32>,
      %swap3A_57 = vector.shape_cast %swap3A_56 : vector<1x16xf32> to vector<16xf32>
      %swap3A_58 = vector.shape_cast %broadcast_in_dim3A_53 : vector<16xf32> to vector<1x16xf32>
      tpu.vector_store %arg7[%swap3A_54, %swap3A_55], %swap3A_58 {strides = array<i32>} : memref<128x128xf32, #tpu.memory_space<vmem>>, vector<1x16xf32>,
      %broadcast_in_dim3A_59 = arith.constant 0.000000e+00 : f32
      %broadcast_in_dim3A_60 = vector.broadcast %broadcast_in_dim3A_59 : f32 to vector<16xf32>
      %swap3A_61 = arith.index_cast %scan3A_31 : i32 to index
      %swap3A_62 = arith.constant 64 : index
      %swap3A_63 = tpu.vector_load %arg7[%swap3A_61, %swap3A_62] {strides = array<i32>} : memref<128x128xf32, #tpu.memory_space<vmem>>, vector<1x16xf32>,
      %swap3A_64 = vector.shape_cast %swap3A_63 : vector<1x16xf32> to vector<16xf32>
      %swap3A_65 = vector.shape_cast %broadcast_in_dim3A_60 : vector<16xf32> to vector<1x16xf32>
      tpu.vector_store %arg7[%swap3A_61, %swap3A_62], %swap3A_65 {strides = array<i32>} : memref<128x128xf32, #tpu.memory_space<vmem>>, vector<1x16xf32>,
      %broadcast_in_dim3A_66 = arith.constant 0.000000e+00 : f32
      %broadcast_in_dim3A_67 = vector.broadcast %broadcast_in_dim3A_66 : f32 to vector<16xf32>
      %swap3A_68 = arith.index_cast %scan3A_31 : i32 to index
      %swap3A_69 = arith.constant 80 : index
      %swap3A_70 = tpu.vector_load %arg7[%swap3A_68, %swap3A_69] {strides = array<i32>} : memref<128x128xf32, #tpu.memory_space<vmem>>, vector<1x16xf32>,
      %swap3A_71 = vector.shape_cast %swap3A_70 : vector<1x16xf32> to vector<16xf32>
      %swap3A_72 = vector.shape_cast %broadcast_in_dim3A_67 : vector<16xf32> to vector<1x16xf32>
      tpu.vector_store %arg7[%swap3A_68, %swap3A_69], %swap3A_72 {strides = array<i32>} : memref<128x128xf32, #tpu.memory_space<vmem>>, vector<1x16xf32>,
      %broadcast_in_dim3A_73 = arith.constant 0.000000e+00 : f32
      %broadcast_in_dim3A_74 = vector.broadcast %broadcast_in_dim3A_73 : f32 to vector<16xf32>
      %swap3A_75 = arith.index_cast %scan3A_31 : i32 to index
      %swap3A_76 = arith.constant 96 : index
      %swap3A_77 = tpu.vector_load %arg7[%swap3A_75, %swap3A_76] {strides = array<i32>} : memref<128x128xf32, #tpu.memory_space<vmem>>, vector<1x16xf32>,
      %swap3A_78 = vector.shape_cast %swap3A_77 : vector<1x16xf32> to vector<16xf32>
      %swap3A_79 = vector.shape_cast %broadcast_in_dim3A_74 : vector<16xf32> to vector<1x16xf32>
      tpu.vector_store %arg7[%swap3A_75, %swap3A_76], %swap3A_79 {strides = array<i32>} : memref<128x128xf32, #tpu.memory_space<vmem>>, vector<1x16xf32>,
      %broadcast_in_dim3A_80 = arith.constant 0.000000e+00 : f32
      %broadcast_in_dim3A_81 = vector.broadcast %broadcast_in_dim3A_80 : f32 to vector<16xf32>
      %swap3A_82 = arith.index_cast %scan3A_31 : i32 to index
      %swap3A_83 = arith.constant 112 : index
      %swap3A_84 = tpu.vector_load %arg7[%swap3A_82, %swap3A_83] {strides = array<i32>} : memref<128x128xf32, #tpu.memory_space<vmem>>, vector<1x16xf32>,
      %swap3A_85 = vector.shape_cast %swap3A_84 : vector<1x16xf32> to vector<16xf32>
      %swap3A_86 = vector.shape_cast %broadcast_in_dim3A_81 : vector<16xf32> to vector<1x16xf32>
      tpu.vector_store %arg7[%swap3A_82, %swap3A_83], %swap3A_86 {strides = array<i32>} : memref<128x128xf32, #tpu.memory_space<vmem>>, vector<1x16xf32>,
      %scan3A_87 = arith.constant 0 : i32
      scf.yield %scan3A_87 : i32
    }
    %scan3A_5 = arith.constant 128 : i32
    %mul3A = arith.constant 640 : i32
    %mul3A_6 = arith.muli %arg1, %mul3A : i32
    %scan3A_7 = arith.constant 0 : i32
    %scan3A_8 = arith.constant 0 : i32
    %scan3A_9 = arith.constant 10 : i32
    %scan3A_10 = arith.addi %scan3A_8, %scan3A_9 : i32
    %scan3A_11 = arith.constant 1 : i32
    %scan3A_12 = scf.for %scan3A_31 = %scan3A_8 to %scan3A_10 step %scan3A_11 iter_args(%scan3A_32 = %scan3A_7) -> (i32)  : i32 {
      %mul3A_33 = arith.constant 64 : i32
      %mul3A_34 = arith.muli %scan3A_31, %mul3A_33 : i32
      %add3A = arith.addi %mul3A_6, %mul3A_34 : i32
      "tpu.region"() ({
        %run_scoped3A = tpu.sem_alloc : memref<!tpu.dma_semaphore, #tpu.memory_space<semaphore_mem>>
        %dma_start3A = arith.constant 0 : i32
        %dma_start3A_36 = arith.constant 0 : i32
        %dma_start3A_37 = tpu.memref_slice %arg7[%dma_start3A, %dma_start3A_36] : memref<128x128xf32, #tpu.memory_space<vmem>> -> memref<64x128xf32, #tpu.memory_space<vmem>>
        %dma_start3A_38 = arith.constant 0 : i32
        %dma_start3A_39 = tpu.memref_slice %arg6[%add3A, %dma_start3A_38] : memref<10240x128xf32, #tpu.memory_space<vmem_shared>> -> memref<64x128xf32, #tpu.memory_space<vmem_shared>>
        %dma_start3A_40 = arith.constant 0 : i32
        %dma_start3A_41 = tpu.memref_slice %arg6[%add3A, %dma_start3A_40] : memref<10240x128xf32, #tpu.memory_space<vmem_shared>> -> memref<64x128xf32, #tpu.memory_space<vmem_shared>>
        %dma_start3A_42 = arith.constant 0 : i32
        %dma_start3A_43 = arith.constant 0 : i32
        %dma_start3A_44 = tpu.memref_slice %arg7[%dma_start3A_42, %dma_start3A_43] : memref<128x128xf32, #tpu.memory_space<vmem>> -> memref<64x128xf32, #tpu.memory_space<vmem>>
        tpu.enqueue_dma source(%dma_start3A_44 : memref<64x128xf32, #tpu.memory_space<vmem>>) target(%dma_start3A_41 : memref<64x128xf32, #tpu.memory_space<vmem_shared>>) target_semaphore(%run_scoped3A : memref<!tpu.dma_semaphore, #tpu.memory_space<semaphore_mem>>)
        %dma_wait3A = arith.constant 0 : i32
        %dma_wait3A_45 = arith.constant 0 : i32
        %dma_wait3A_46 = tpu.memref_slice %arg7[%dma_wait3A, %dma_wait3A_45] : memref<128x128xf32, #tpu.memory_space<vmem>> -> memref<64x128xf32, #tpu.memory_space<vmem>>
        %dma_wait3A_47 = arith.constant 0 : i32
        %dma_wait3A_48 = tpu.memref_slice %arg6[%add3A, %dma_wait3A_47] : memref<10240x128xf32, #tpu.memory_space<vmem_shared>> -> memref<64x128xf32, #tpu.memory_space<vmem_shared>>
        %dma_wait3A_49 = arith.constant 0 : i32
        %dma_wait3A_50 = tpu.memref_slice %arg6[%add3A, %dma_wait3A_49] : memref<10240x128xf32, #tpu.memory_space<vmem_shared>> -> memref<64x128xf32, #tpu.memory_space<vmem_shared>>
        %dma_wait3A_51 = arith.constant 0 : i32
        %dma_wait3A_52 = arith.constant 0 : i32
        %dma_wait3A_53 = tpu.memref_slice %arg7[%dma_wait3A_51, %dma_wait3A_52] : memref<128x128xf32, #tpu.memory_space<vmem>> -> memref<64x128xf32, #tpu.memory_space<vmem>>
        tpu.wait_dma2 semaphore(%run_scoped3A : memref<!tpu.dma_semaphore, #tpu.memory_space<semaphore_mem>>) src(%dma_wait3A_53 : memref<64x128xf32, #tpu.memory_space<vmem>>) dst(%dma_wait3A_50 : memref<64x128xf32, #tpu.memory_space<vmem_shared>>)
        tpu.yield
      }) : () -> ()
      %scan3A_35 = arith.constant 0 : i32
      scf.yield %scan3A_35 : i32
    }
    %scan3A_13 = arith.constant 10 : i32
    %barrier3A = arith.constant 0 : index
    tpu.barrier barrier_id(%barrier3A)
    %mul3A_14 = arith.constant 20480 : i32
    %mul3A_15 = arith.muli %arg1, %mul3A_14 : i32
    %eq3A = arith.constant 0 : i32
    %eq3A_16 = arith.cmpi eq, %arg0, %eq3A : i32
    %convert_element_type3A = arith.extui %eq3A_16 : i1 to i32
    %cond3A = arith.constant 0 : i32
    %cond3A_17 = arith.cmpi ne, %convert_element_type3A, %cond3A : i32
    scf.if %cond3A_17 {
      "tpu.region"() ({
        %run_scoped3A = tpu.sem_alloc : memref<!tpu.dma_semaphore, #tpu.memory_space<semaphore_mem>>
        %dma_start3A_44 = tpu.memref_slice %arg3[%mul3A_15] : memref<327680xi32, #tpu.memory_space<hbm>> -> memref<128xi32, #tpu.memory_space<hbm>>
        %dma_start3A_45 = tpu.memref_slice %arg3[%mul3A_15] : memref<327680xi32, #tpu.memory_space<hbm>> -> memref<128xi32, #tpu.memory_space<hbm>>
        tpu.enqueue_dma source(%dma_start3A_45 : memref<128xi32, #tpu.memory_space<hbm>>) target(%arg9 : memref<128xi32, #tpu.memory_space<vmem>>) target_semaphore(%run_scoped3A : memref<!tpu.dma_semaphore, #tpu.memory_space<semaphore_mem>>)
        %dma_wait3A = tpu.memref_slice %arg3[%mul3A_15] : memref<327680xi32, #tpu.memory_space<hbm>> -> memref<128xi32, #tpu.memory_space<hbm>>
        %dma_wait3A_46 = tpu.memref_slice %arg3[%mul3A_15] : memref<327680xi32, #tpu.memory_space<hbm>> -> memref<128xi32, #tpu.memory_space<hbm>>
        tpu.wait_dma2 semaphore(%run_scoped3A : memref<!tpu.dma_semaphore, #tpu.memory_space<semaphore_mem>>) src(%dma_wait3A_46 : memref<128xi32, #tpu.memory_space<hbm>>) dst(%arg9 : memref<128xi32, #tpu.memory_space<vmem>>)
        tpu.yield
      }) : () -> ()
      %dma_start3A = arith.constant 0 : i32
      %dma_start3A_31 = arith.constant 0 : i32
      %dma_start3A_32 = tpu.memref_slice %arg2[%dma_start3A, %dma_start3A_31] : memref<10240x128xf32, #tpu.memory_space<hbm>> -> memref<10240x128xf32, #tpu.memory_space<hbm>>
      tpu.enqueue_indirect_dma source(%dma_start3A_32 : memref<10240x128xf32, #tpu.memory_space<hbm>>) target(%arg7 : memref<128x128xf32, #tpu.memory_space<vmem>>) offsets(%arg9 : memref<128xi32, #tpu.memory_space<vmem>>) semaphore(%arg13 : memref<!tpu.dma_semaphore, #tpu.memory_space<semaphore_mem>>)
      %add3A = arith.constant 128 : i32
      %add3A_33 = arith.addi %mul3A_15, %add3A : i32
      "tpu.region"() ({
        %run_scoped3A = tpu.sem_alloc : memref<!tpu.dma_semaphore, #tpu.memory_space<semaphore_mem>>
        %dma_start3A_44 = tpu.memref_slice %arg3[%add3A_33] : memref<327680xi32, #tpu.memory_space<hbm>> -> memref<128xi32, #tpu.memory_space<hbm>>
        %dma_start3A_45 = tpu.memref_slice %arg3[%add3A_33] : memref<327680xi32, #tpu.memory_space<hbm>> -> memref<128xi32, #tpu.memory_space<hbm>>
        tpu.enqueue_dma source(%dma_start3A_45 : memref<128xi32, #tpu.memory_space<hbm>>) target(%arg10 : memref<128xi32, #tpu.memory_space<vmem>>) target_semaphore(%run_scoped3A : memref<!tpu.dma_semaphore, #tpu.memory_space<semaphore_mem>>)
        %dma_wait3A = tpu.memref_slice %arg3[%add3A_33] : memref<327680xi32, #tpu.memory_space<hbm>> -> memref<128xi32, #tpu.memory_space<hbm>>
        %dma_wait3A_46 = tpu.memref_slice %arg3[%add3A_33] : memref<327680xi32, #tpu.memory_space<hbm>> -> memref<128xi32, #tpu.memory_space<hbm>>
        tpu.wait_dma2 semaphore(%run_scoped3A : memref<!tpu.dma_semaphore, #tpu.memory_space<semaphore_mem>>) src(%dma_wait3A_46 : memref<128xi32, #tpu.memory_space<hbm>>) dst(%arg10 : memref<128xi32, #tpu.memory_space<vmem>>)
        tpu.yield
      }) : () -> ()
      %dma_start3A_34 = arith.constant 0 : i32
      %dma_start3A_35 = arith.constant 0 : i32
      %dma_start3A_36 = tpu.memref_slice %arg2[%dma_start3A_34, %dma_start3A_35] : memref<10240x128xf32, #tpu.memory_space<hbm>> -> memref<10240x128xf32, #tpu.memory_space<hbm>>
      tpu.enqueue_indirect_dma source(%dma_start3A_36 : memref<10240x128xf32, #tpu.memory_space<hbm>>) target(%arg8 : memref<128x128xf32, #tpu.memory_space<vmem>>) offsets(%arg10 : memref<128xi32, #tpu.memory_space<vmem>>) semaphore(%arg14 : memref<!tpu.dma_semaphore, #tpu.memory_space<semaphore_mem>>)
      %scan3A_37 = arith.constant 0 : i32
      %scan3A_38 = arith.constant 0 : i32
      %scan3A_39 = arith.constant 80 : i32
      %scan3A_40 = arith.addi %scan3A_38, %scan3A_39 : i32
      %scan3A_41 = arith.constant 1 : i32
      %scan3A_42 = scf.for %scan3A_44 = %scan3A_38 to %scan3A_40 step %scan3A_41 iter_args(%scan3A_45 = %scan3A_37) -> (i32)  : i32 {
        %mul3A_46 = arith.constant 2 : i32
        %mul3A_47 = arith.muli %mul3A_46, %scan3A_44 : i32
        %mul3A_48 = arith.constant 128 : i32
        %mul3A_49 = arith.muli %mul3A_47, %mul3A_48 : i32
        %add3A_50 = arith.addi %mul3A_15, %mul3A_49 : i32
        %add3A_51 = arith.constant 128 : i32
        %add3A_52 = arith.addi %add3A_50, %add3A_51 : i32
        "tpu.region"() ({
          %run_scoped3A = tpu.sem_alloc : memref<!tpu.dma_semaphore, #tpu.memory_space<semaphore_mem>>
          %dma_start3A_77 = tpu.memref_slice %arg4[%add3A_50] : memref<327680xi32, #tpu.memory_space<hbm>> -> memref<128xi32, #tpu.memory_space<hbm>>
          %dma_start3A_78 = tpu.memref_slice %arg4[%add3A_50] : memref<327680xi32, #tpu.memory_space<hbm>> -> memref<128xi32, #tpu.memory_space<hbm>>
          tpu.enqueue_dma source(%dma_start3A_78 : memref<128xi32, #tpu.memory_space<hbm>>) target(%arg11 : memref<128xi32, #tpu.memory_space<vmem>>) target_semaphore(%run_scoped3A : memref<!tpu.dma_semaphore, #tpu.memory_space<semaphore_mem>>)
          %dma_wait3A_79 = tpu.memref_slice %arg4[%add3A_50] : memref<327680xi32, #tpu.memory_space<hbm>> -> memref<128xi32, #tpu.memory_space<hbm>>
          %dma_wait3A_80 = tpu.memref_slice %arg4[%add3A_50] : memref<327680xi32, #tpu.memory_space<hbm>> -> memref<128xi32, #tpu.memory_space<hbm>>
          tpu.wait_dma2 semaphore(%run_scoped3A : memref<!tpu.dma_semaphore, #tpu.memory_space<semaphore_mem>>) src(%dma_wait3A_80 : memref<128xi32, #tpu.memory_space<hbm>>) dst(%arg11 : memref<128xi32, #tpu.memory_space<vmem>>)
          tpu.yield
        }) : () -> ()
        "tpu.region"() ({
          %run_scoped3A = tpu.sem_alloc : memref<!tpu.dma_semaphore, #tpu.memory_space<semaphore_mem>>
          %dma_start3A_77 = tpu.memref_slice %arg4[%add3A_52] : memref<327680xi32, #tpu.memory_space<hbm>> -> memref<128xi32, #tpu.memory_space<hbm>>
          %dma_start3A_78 = tpu.memref_slice %arg4[%add3A_52] : memref<327680xi32, #tpu.memory_space<hbm>> -> memref<128xi32, #tpu.memory_space<hbm>>
          tpu.enqueue_dma source(%dma_start3A_78 : memref<128xi32, #tpu.memory_space<hbm>>) target(%arg12 : memref<128xi32, #tpu.memory_space<vmem>>) target_semaphore(%run_scoped3A : memref<!tpu.dma_semaphore, #tpu.memory_space<semaphore_mem>>)
          %dma_wait3A_79 = tpu.memref_slice %arg4[%add3A_52] : memref<327680xi32, #tpu.memory_space<hbm>> -> memref<128xi32, #tpu.memory_space<hbm>>
          %dma_wait3A_80 = tpu.memref_slice %arg4[%add3A_52] : memref<327680xi32, #tpu.memory_space<hbm>> -> memref<128xi32, #tpu.memory_space<hbm>>
          tpu.wait_dma2 semaphore(%run_scoped3A : memref<!tpu.dma_semaphore, #tpu.memory_space<semaphore_mem>>) src(%dma_wait3A_80 : memref<128xi32, #tpu.memory_space<hbm>>) dst(%arg12 : memref<128xi32, #tpu.memory_space<vmem>>)
          tpu.yield
        }) : () -> ()
        %dma_wait3A = arith.constant 0 : i32
        %dma_wait3A_53 = arith.constant 0 : i32
        %dma_wait3A_54 = tpu.memref_slice %arg2[%dma_wait3A, %dma_wait3A_53] : memref<10240x128xf32, #tpu.memory_space<hbm>> -> memref<10240x128xf32, #tpu.memory_space<hbm>>
        tpu.wait_indirect_dma semaphore(%arg13 : memref<!tpu.dma_semaphore, #tpu.memory_space<semaphore_mem>>) src(%dma_wait3A_54 : memref<10240x128xf32, #tpu.memory_space<hbm>>) dst(%arg7 : memref<128x128xf32, #tpu.memory_space<vmem>>)
        %dma_start3A_55 = arith.constant 0 : i32
        %dma_start3A_56 = arith.constant 0 : i32
        %dma_start3A_57 = tpu.memref_slice %arg6[%dma_start3A_55, %dma_start3A_56] : memref<10240x128xf32, #tpu.memory_space<vmem_shared>> -> memref<10240x128xf32, #tpu.memory_space<vmem_shared>>
        tpu.enqueue_indirect_dma source(%arg7 : memref<128x128xf32, #tpu.memory_space<vmem>>) target(%dma_start3A_57 : memref<10240x128xf32, #tpu.memory_space<vmem_shared>>) offsets(%arg11 : memref<128xi32, #tpu.memory_space<vmem>>) semaphore(%arg15 : memref<!tpu.dma_semaphore, #tpu.memory_space<semaphore_mem>>) {add = true}
        %dma_wait3A_58 = arith.constant 0 : i32
        %dma_wait3A_59 = arith.constant 0 : i32
        %dma_wait3A_60 = tpu.memref_slice %arg2[%dma_wait3A_58, %dma_wait3A_59] : memref<10240x128xf32, #tpu.memory_space<hbm>> -> memref<10240x128xf32, #tpu.memory_space<hbm>>
        tpu.wait_indirect_dma semaphore(%arg14 : memref<!tpu.dma_semaphore, #tpu.memory_space<semaphore_mem>>) src(%dma_wait3A_60 : memref<10240x128xf32, #tpu.memory_space<hbm>>) dst(%arg8 : memref<128x128xf32, #tpu.memory_space<vmem>>)
        %dma_start3A_61 = arith.constant 0 : i32
        %dma_start3A_62 = arith.constant 0 : i32
        %dma_start3A_63 = tpu.memref_slice %arg6[%dma_start3A_61, %dma_start3A_62] : memref<10240x128xf32, #tpu.memory_space<vmem_shared>> -> memref<10240x128xf32, #tpu.memory_space<vmem_shared>>
        tpu.enqueue_indirect_dma source(%arg8 : memref<128x128xf32, #tpu.memory_space<vmem>>) target(%dma_start3A_63 : memref<10240x128xf32, #tpu.memory_space<vmem_shared>>) offsets(%arg12 : memref<128xi32, #tpu.memory_space<vmem>>) semaphore(%arg16 : memref<!tpu.dma_semaphore, #tpu.memory_space<semaphore_mem>>) {add = true}
        %dma_wait3A_64 = arith.constant 0 : i32
        %dma_wait3A_65 = arith.constant 0 : i32
        %dma_wait3A_66 = tpu.memref_slice %arg6[%dma_wait3A_64, %dma_wait3A_65] : memref<10240x128xf32, #tpu.memory_space<vmem_shared>> -> memref<10240x128xf32, #tpu.memory_space<vmem_shared>>
        tpu.wait_indirect_dma semaphore(%arg15 : memref<!tpu.dma_semaphore, #tpu.memory_space<semaphore_mem>>) src(%arg7 : memref<128x128xf32, #tpu.memory_space<vmem>>) dst(%dma_wait3A_66 : memref<10240x128xf32, #tpu.memory_space<vmem_shared>>)
        %dma_wait3A_67 = arith.constant 0 : i32
        %dma_wait3A_68 = arith.constant 0 : i32
        %dma_wait3A_69 = tpu.memref_slice %arg6[%dma_wait3A_67, %dma_wait3A_68] : memref<10240x128xf32, #tpu.memory_space<vmem_shared>> -> memref<10240x128xf32, #tpu.memory_space<vmem_shared>>
        tpu.wait_indirect_dma semaphore(%arg16 : memref<!tpu.dma_semaphore, #tpu.memory_space<semaphore_mem>>) src(%arg8 : memref<128x128xf32, #tpu.memory_space<vmem>>) dst(%dma_wait3A_69 : memref<10240x128xf32, #tpu.memory_space<vmem_shared>>)
        %add3A_70 = arith.constant 1 : i32
        %add3A_71 = arith.addi %scan3A_44, %add3A_70 : i32
        %lt3A = arith.constant 80 : i32
        %lt3A_72 = arith.cmpi slt, %add3A_71, %lt3A : i32
        %convert_element_type3A_73 = arith.extui %lt3A_72 : i1 to i32
        %cond3A_74 = arith.constant 0 : i32
        %cond3A_75 = arith.cmpi ne, %convert_element_type3A_73, %cond3A_74 : i32
        scf.if %cond3A_75 {
          %add3A_77 = arith.constant 256 : i32
          %add3A_78 = arith.addi %add3A_50, %add3A_77 : i32
          "tpu.region"() ({
            %run_scoped3A = tpu.sem_alloc : memref<!tpu.dma_semaphore, #tpu.memory_space<semaphore_mem>>
            %dma_start3A_87 = tpu.memref_slice %arg3[%add3A_78] : memref<327680xi32, #tpu.memory_space<hbm>> -> memref<128xi32, #tpu.memory_space<hbm>>
            %dma_start3A_88 = tpu.memref_slice %arg3[%add3A_78] : memref<327680xi32, #tpu.memory_space<hbm>> -> memref<128xi32, #tpu.memory_space<hbm>>
            tpu.enqueue_dma source(%dma_start3A_88 : memref<128xi32, #tpu.memory_space<hbm>>) target(%arg9 : memref<128xi32, #tpu.memory_space<vmem>>) target_semaphore(%run_scoped3A : memref<!tpu.dma_semaphore, #tpu.memory_space<semaphore_mem>>)
            %dma_wait3A_89 = tpu.memref_slice %arg3[%add3A_78] : memref<327680xi32, #tpu.memory_space<hbm>> -> memref<128xi32, #tpu.memory_space<hbm>>
            %dma_wait3A_90 = tpu.memref_slice %arg3[%add3A_78] : memref<327680xi32, #tpu.memory_space<hbm>> -> memref<128xi32, #tpu.memory_space<hbm>>
            tpu.wait_dma2 semaphore(%run_scoped3A : memref<!tpu.dma_semaphore, #tpu.memory_space<semaphore_mem>>) src(%dma_wait3A_90 : memref<128xi32, #tpu.memory_space<hbm>>) dst(%arg9 : memref<128xi32, #tpu.memory_space<vmem>>)
            tpu.yield
          }) : () -> ()
          %dma_start3A_79 = arith.constant 0 : i32
          %dma_start3A_80 = arith.constant 0 : i32
          %dma_start3A_81 = tpu.memref_slice %arg2[%dma_start3A_79, %dma_start3A_80] : memref<10240x128xf32, #tpu.memory_space<hbm>> -> memref<10240x128xf32, #tpu.memory_space<hbm>>
          tpu.enqueue_indirect_dma source(%dma_start3A_81 : memref<10240x128xf32, #tpu.memory_space<hbm>>) target(%arg7 : memref<128x128xf32, #tpu.memory_space<vmem>>) offsets(%arg9 : memref<128xi32, #tpu.memory_space<vmem>>) semaphore(%arg13 : memref<!tpu.dma_semaphore, #tpu.memory_space<semaphore_mem>>)
          %add3A_82 = arith.constant 256 : i32
          %add3A_83 = arith.addi %add3A_52, %add3A_82 : i32
          "tpu.region"() ({
            %run_scoped3A = tpu.sem_alloc : memref<!tpu.dma_semaphore, #tpu.memory_space<semaphore_mem>>
            %dma_start3A_87 = tpu.memref_slice %arg3[%add3A_83] : memref<327680xi32, #tpu.memory_space<hbm>> -> memref<128xi32, #tpu.memory_space<hbm>>
            %dma_start3A_88 = tpu.memref_slice %arg3[%add3A_83] : memref<327680xi32, #tpu.memory_space<hbm>> -> memref<128xi32, #tpu.memory_space<hbm>>
            tpu.enqueue_dma source(%dma_start3A_88 : memref<128xi32, #tpu.memory_space<hbm>>) target(%arg10 : memref<128xi32, #tpu.memory_space<vmem>>) target_semaphore(%run_scoped3A : memref<!tpu.dma_semaphore, #tpu.memory_space<semaphore_mem>>)
            %dma_wait3A_89 = tpu.memref_slice %arg3[%add3A_83] : memref<327680xi32, #tpu.memory_space<hbm>> -> memref<128xi32, #tpu.memory_space<hbm>>
            %dma_wait3A_90 = tpu.memref_slice %arg3[%add3A_83] : memref<327680xi32, #tpu.memory_space<hbm>> -> memref<128xi32, #tpu.memory_space<hbm>>
            tpu.wait_dma2 semaphore(%run_scoped3A : memref<!tpu.dma_semaphore, #tpu.memory_space<semaphore_mem>>) src(%dma_wait3A_90 : memref<128xi32, #tpu.memory_space<hbm>>) dst(%arg10 : memref<128xi32, #tpu.memory_space<vmem>>)
            tpu.yield
          }) : () -> ()
          %dma_start3A_84 = arith.constant 0 : i32
          %dma_start3A_85 = arith.constant 0 : i32
          %dma_start3A_86 = tpu.memref_slice %arg2[%dma_start3A_84, %dma_start3A_85] : memref<10240x128xf32, #tpu.memory_space<hbm>> -> memref<10240x128xf32, #tpu.memory_space<hbm>>
          tpu.enqueue_indirect_dma source(%dma_start3A_86 : memref<10240x128xf32, #tpu.memory_space<hbm>>) target(%arg8 : memref<128x128xf32, #tpu.memory_space<vmem>>) offsets(%arg10 : memref<128xi32, #tpu.memory_space<vmem>>) semaphore(%arg14 : memref<!tpu.dma_semaphore, #tpu.memory_space<semaphore_mem>>)
        } else {
        }
        %scan3A_76 = arith.constant 0 : i32
        scf.yield %scan3A_76 : i32
      }
      %scan3A_43 = arith.constant 80 : i32
    } else {
    }
    %eq3A_18 = arith.constant 1 : i32
    %eq3A_19 = arith.cmpi eq, %arg0, %eq3A_18 : i32
    %convert_element_type3A_20 = arith.extui %eq3A_19 : i1 to i32
    %cond3A_21 = arith.constant 0 : i32
    %cond3A_22 = arith.cmpi ne, %convert_element_type3A_20, %cond3A_21 : i32
    scf.if %cond3A_22 {
      %scan3A_31 = arith.constant 0 : i32
      %scan3A_32 = arith.constant 0 : i32
      %scan3A_33 = arith.constant 128 : i32
      %scan3A_34 = arith.addi %scan3A_32, %scan3A_33 : i32
      %scan3A_35 = arith.constant 1 : i32
      %scan3A_36 = scf.for %scan3A_45 = %scan3A_32 to %scan3A_34 step %scan3A_35 iter_args(%scan3A_46 = %scan3A_31) -> (i32)  : i32 {
        %broadcast_in_dim3A = arith.constant 1.000000e+00 : f32
        %broadcast_in_dim3A_47 = vector.broadcast %broadcast_in_dim3A : f32 to vector<16xf32>
        %swap3A = arith.index_cast %scan3A_45 : i32 to index
        %swap3A_48 = arith.constant 0 : index
        %swap3A_49 = tpu.vector_load %arg7[%swap3A, %swap3A_48] {strides = array<i32>} : memref<128x128xf32, #tpu.memory_space<vmem>>, vector<1x16xf32>,
        %swap3A_50 = vector.shape_cast %swap3A_49 : vector<1x16xf32> to vector<16xf32>
        %swap3A_51 = vector.shape_cast %broadcast_in_dim3A_47 : vector<16xf32> to vector<1x16xf32>
        tpu.vector_store %arg7[%swap3A, %swap3A_48], %swap3A_51 {strides = array<i32>} : memref<128x128xf32, #tpu.memory_space<vmem>>, vector<1x16xf32>,
        %broadcast_in_dim3A_52 = arith.constant 1.000000e+00 : f32
        %broadcast_in_dim3A_53 = vector.broadcast %broadcast_in_dim3A_52 : f32 to vector<16xf32>
        %swap3A_54 = arith.index_cast %scan3A_45 : i32 to index
        %swap3A_55 = arith.constant 0 : index
        %swap3A_56 = tpu.vector_load %arg8[%swap3A_54, %swap3A_55] {strides = array<i32>} : memref<128x128xf32, #tpu.memory_space<vmem>>, vector<1x16xf32>,
        %swap3A_57 = vector.shape_cast %swap3A_56 : vector<1x16xf32> to vector<16xf32>
        %swap3A_58 = vector.shape_cast %broadcast_in_dim3A_53 : vector<16xf32> to vector<1x16xf32>
        tpu.vector_store %arg8[%swap3A_54, %swap3A_55], %swap3A_58 {strides = array<i32>} : memref<128x128xf32, #tpu.memory_space<vmem>>, vector<1x16xf32>,
        %broadcast_in_dim3A_59 = arith.constant 1.000000e+00 : f32
        %broadcast_in_dim3A_60 = vector.broadcast %broadcast_in_dim3A_59 : f32 to vector<16xf32>
        %swap3A_61 = arith.index_cast %scan3A_45 : i32 to index
        %swap3A_62 = arith.constant 16 : index
        %swap3A_63 = tpu.vector_load %arg7[%swap3A_61, %swap3A_62] {strides = array<i32>} : memref<128x128xf32, #tpu.memory_space<vmem>>, vector<1x16xf32>,
        %swap3A_64 = vector.shape_cast %swap3A_63 : vector<1x16xf32> to vector<16xf32>
        %swap3A_65 = vector.shape_cast %broadcast_in_dim3A_60 : vector<16xf32> to vector<1x16xf32>
        tpu.vector_store %arg7[%swap3A_61, %swap3A_62], %swap3A_65 {strides = array<i32>} : memref<128x128xf32, #tpu.memory_space<vmem>>, vector<1x16xf32>,
        %broadcast_in_dim3A_66 = arith.constant 1.000000e+00 : f32
        %broadcast_in_dim3A_67 = vector.broadcast %broadcast_in_dim3A_66 : f32 to vector<16xf32>
        %swap3A_68 = arith.index_cast %scan3A_45 : i32 to index
        %swap3A_69 = arith.constant 16 : index
        %swap3A_70 = tpu.vector_load %arg8[%swap3A_68, %swap3A_69] {strides = array<i32>} : memref<128x128xf32, #tpu.memory_space<vmem>>, vector<1x16xf32>,
        %swap3A_71 = vector.shape_cast %swap3A_70 : vector<1x16xf32> to vector<16xf32>
        %swap3A_72 = vector.shape_cast %broadcast_in_dim3A_67 : vector<16xf32> to vector<1x16xf32>
        tpu.vector_store %arg8[%swap3A_68, %swap3A_69], %swap3A_72 {strides = array<i32>} : memref<128x128xf32, #tpu.memory_space<vmem>>, vector<1x16xf32>,
        %broadcast_in_dim3A_73 = arith.constant 1.000000e+00 : f32
        %broadcast_in_dim3A_74 = vector.broadcast %broadcast_in_dim3A_73 : f32 to vector<16xf32>
        %swap3A_75 = arith.index_cast %scan3A_45 : i32 to index
        %swap3A_76 = arith.constant 32 : index
        %swap3A_77 = tpu.vector_load %arg7[%swap3A_75, %swap3A_76] {strides = array<i32>} : memref<128x128xf32, #tpu.memory_space<vmem>>, vector<1x16xf32>,
        %swap3A_78 = vector.shape_cast %swap3A_77 : vector<1x16xf32> to vector<16xf32>
        %swap3A_79 = vector.shape_cast %broadcast_in_dim3A_74 : vector<16xf32> to vector<1x16xf32>
        tpu.vector_store %arg7[%swap3A_75, %swap3A_76], %swap3A_79 {strides = array<i32>} : memref<128x128xf32, #tpu.memory_space<vmem>>, vector<1x16xf32>,
        %broadcast_in_dim3A_80 = arith.constant 1.000000e+00 : f32
        %broadcast_in_dim3A_81 = vector.broadcast %broadcast_in_dim3A_80 : f32 to vector<16xf32>
        %swap3A_82 = arith.index_cast %scan3A_45 : i32 to index
        %swap3A_83 = arith.constant 32 : index
        %swap3A_84 = tpu.vector_load %arg8[%swap3A_82, %swap3A_83] {strides = array<i32>} : memref<128x128xf32, #tpu.memory_space<vmem>>, vector<1x16xf32>,
        %swap3A_85 = vector.shape_cast %swap3A_84 : vector<1x16xf32> to vector<16xf32>
        %swap3A_86 = vector.shape_cast %broadcast_in_dim3A_81 : vector<16xf32> to vector<1x16xf32>
        tpu.vector_store %arg8[%swap3A_82, %swap3A_83], %swap3A_86 {strides = array<i32>} : memref<128x128xf32, #tpu.memory_space<vmem>>, vector<1x16xf32>,
        %broadcast_in_dim3A_87 = arith.constant 1.000000e+00 : f32
        %broadcast_in_dim3A_88 = vector.broadcast %broadcast_in_dim3A_87 : f32 to vector<16xf32>
        %swap3A_89 = arith.index_cast %scan3A_45 : i32 to index
        %swap3A_90 = arith.constant 48 : index
        %swap3A_91 = tpu.vector_load %arg7[%swap3A_89, %swap3A_90] {strides = array<i32>} : memref<128x128xf32, #tpu.memory_space<vmem>>, vector<1x16xf32>,
        %swap3A_92 = vector.shape_cast %swap3A_91 : vector<1x16xf32> to vector<16xf32>
        %swap3A_93 = vector.shape_cast %broadcast_in_dim3A_88 : vector<16xf32> to vector<1x16xf32>
        tpu.vector_store %arg7[%swap3A_89, %swap3A_90], %swap3A_93 {strides = array<i32>} : memref<128x128xf32, #tpu.memory_space<vmem>>, vector<1x16xf32>,
        %broadcast_in_dim3A_94 = arith.constant 1.000000e+00 : f32
        %broadcast_in_dim3A_95 = vector.broadcast %broadcast_in_dim3A_94 : f32 to vector<16xf32>
        %swap3A_96 = arith.index_cast %scan3A_45 : i32 to index
        %swap3A_97 = arith.constant 48 : index
        %swap3A_98 = tpu.vector_load %arg8[%swap3A_96, %swap3A_97] {strides = array<i32>} : memref<128x128xf32, #tpu.memory_space<vmem>>, vector<1x16xf32>,
        %swap3A_99 = vector.shape_cast %swap3A_98 : vector<1x16xf32> to vector<16xf32>
        %swap3A_100 = vector.shape_cast %broadcast_in_dim3A_95 : vector<16xf32> to vector<1x16xf32>
        tpu.vector_store %arg8[%swap3A_96, %swap3A_97], %swap3A_100 {strides = array<i32>} : memref<128x128xf32, #tpu.memory_space<vmem>>, vector<1x16xf32>,
        %broadcast_in_dim3A_101 = arith.constant 1.000000e+00 : f32
        %broadcast_in_dim3A_102 = vector.broadcast %broadcast_in_dim3A_101 : f32 to vector<16xf32>
        %swap3A_103 = arith.index_cast %scan3A_45 : i32 to index
        %swap3A_104 = arith.constant 64 : index
        %swap3A_105 = tpu.vector_load %arg7[%swap3A_103, %swap3A_104] {strides = array<i32>} : memref<128x128xf32, #tpu.memory_space<vmem>>, vector<1x16xf32>,
        %swap3A_106 = vector.shape_cast %swap3A_105 : vector<1x16xf32> to vector<16xf32>
        %swap3A_107 = vector.shape_cast %broadcast_in_dim3A_102 : vector<16xf32> to vector<1x16xf32>
        tpu.vector_store %arg7[%swap3A_103, %swap3A_104], %swap3A_107 {strides = array<i32>} : memref<128x128xf32, #tpu.memory_space<vmem>>, vector<1x16xf32>,
        %broadcast_in_dim3A_108 = arith.constant 1.000000e+00 : f32
        %broadcast_in_dim3A_109 = vector.broadcast %broadcast_in_dim3A_108 : f32 to vector<16xf32>
        %swap3A_110 = arith.index_cast %scan3A_45 : i32 to index
        %swap3A_111 = arith.constant 64 : index
        %swap3A_112 = tpu.vector_load %arg8[%swap3A_110, %swap3A_111] {strides = array<i32>} : memref<128x128xf32, #tpu.memory_space<vmem>>, vector<1x16xf32>,
        %swap3A_113 = vector.shape_cast %swap3A_112 : vector<1x16xf32> to vector<16xf32>
        %swap3A_114 = vector.shape_cast %broadcast_in_dim3A_109 : vector<16xf32> to vector<1x16xf32>
        tpu.vector_store %arg8[%swap3A_110, %swap3A_111], %swap3A_114 {strides = array<i32>} : memref<128x128xf32, #tpu.memory_space<vmem>>, vector<1x16xf32>,
        %broadcast_in_dim3A_115 = arith.constant 1.000000e+00 : f32
        %broadcast_in_dim3A_116 = vector.broadcast %broadcast_in_dim3A_115 : f32 to vector<16xf32>
        %swap3A_117 = arith.index_cast %scan3A_45 : i32 to index
        %swap3A_118 = arith.constant 80 : index
        %swap3A_119 = tpu.vector_load %arg7[%swap3A_117, %swap3A_118] {strides = array<i32>} : memref<128x128xf32, #tpu.memory_space<vmem>>, vector<1x16xf32>,
        %swap3A_120 = vector.shape_cast %swap3A_119 : vector<1x16xf32> to vector<16xf32>
        %swap3A_121 = vector.shape_cast %broadcast_in_dim3A_116 : vector<16xf32> to vector<1x16xf32>
        tpu.vector_store %arg7[%swap3A_117, %swap3A_118], %swap3A_121 {strides = array<i32>} : memref<128x128xf32, #tpu.memory_space<vmem>>, vector<1x16xf32>,
        %broadcast_in_dim3A_122 = arith.constant 1.000000e+00 : f32
        %broadcast_in_dim3A_123 = vector.broadcast %broadcast_in_dim3A_122 : f32 to vector<16xf32>
        %swap3A_124 = arith.index_cast %scan3A_45 : i32 to index
        %swap3A_125 = arith.constant 80 : index
        %swap3A_126 = tpu.vector_load %arg8[%swap3A_124, %swap3A_125] {strides = array<i32>} : memref<128x128xf32, #tpu.memory_space<vmem>>, vector<1x16xf32>,
        %swap3A_127 = vector.shape_cast %swap3A_126 : vector<1x16xf32> to vector<16xf32>
        %swap3A_128 = vector.shape_cast %broadcast_in_dim3A_123 : vector<16xf32> to vector<1x16xf32>
        tpu.vector_store %arg8[%swap3A_124, %swap3A_125], %swap3A_128 {strides = array<i32>} : memref<128x128xf32, #tpu.memory_space<vmem>>, vector<1x16xf32>,
        %broadcast_in_dim3A_129 = arith.constant 1.000000e+00 : f32
        %broadcast_in_dim3A_130 = vector.broadcast %broadcast_in_dim3A_129 : f32 to vector<16xf32>
        %swap3A_131 = arith.index_cast %scan3A_45 : i32 to index
        %swap3A_132 = arith.constant 96 : index
        %swap3A_133 = tpu.vector_load %arg7[%swap3A_131, %swap3A_132] {strides = array<i32>} : memref<128x128xf32, #tpu.memory_space<vmem>>, vector<1x16xf32>,
        %swap3A_134 = vector.shape_cast %swap3A_133 : vector<1x16xf32> to vector<16xf32>
        %swap3A_135 = vector.shape_cast %broadcast_in_dim3A_130 : vector<16xf32> to vector<1x16xf32>
        tpu.vector_store %arg7[%swap3A_131, %swap3A_132], %swap3A_135 {strides = array<i32>} : memref<128x128xf32, #tpu.memory_space<vmem>>, vector<1x16xf32>,
        %broadcast_in_dim3A_136 = arith.constant 1.000000e+00 : f32
        %broadcast_in_dim3A_137 = vector.broadcast %broadcast_in_dim3A_136 : f32 to vector<16xf32>
        %swap3A_138 = arith.index_cast %scan3A_45 : i32 to index
        %swap3A_139 = arith.constant 96 : index
        %swap3A_140 = tpu.vector_load %arg8[%swap3A_138, %swap3A_139] {strides = array<i32>} : memref<128x128xf32, #tpu.memory_space<vmem>>, vector<1x16xf32>,
        %swap3A_141 = vector.shape_cast %swap3A_140 : vector<1x16xf32> to vector<16xf32>
        %swap3A_142 = vector.shape_cast %broadcast_in_dim3A_137 : vector<16xf32> to vector<1x16xf32>
        tpu.vector_store %arg8[%swap3A_138, %swap3A_139], %swap3A_142 {strides = array<i32>} : memref<128x128xf32, #tpu.memory_space<vmem>>, vector<1x16xf32>,
        %broadcast_in_dim3A_143 = arith.constant 1.000000e+00 : f32
        %broadcast_in_dim3A_144 = vector.broadcast %broadcast_in_dim3A_143 : f32 to vector<16xf32>
        %swap3A_145 = arith.index_cast %scan3A_45 : i32 to index
        %swap3A_146 = arith.constant 112 : index
        %swap3A_147 = tpu.vector_load %arg7[%swap3A_145, %swap3A_146] {strides = array<i32>} : memref<128x128xf32, #tpu.memory_space<vmem>>, vector<1x16xf32>,
        %swap3A_148 = vector.shape_cast %swap3A_147 : vector<1x16xf32> to vector<16xf32>
        %swap3A_149 = vector.shape_cast %broadcast_in_dim3A_144 : vector<16xf32> to vector<1x16xf32>
        tpu.vector_store %arg7[%swap3A_145, %swap3A_146], %swap3A_149 {strides = array<i32>} : memref<128x128xf32, #tpu.memory_space<vmem>>, vector<1x16xf32>,
        %broadcast_in_dim3A_150 = arith.constant 1.000000e+00 : f32
        %broadcast_in_dim3A_151 = vector.broadcast %broadcast_in_dim3A_150 : f32 to vector<16xf32>
        %swap3A_152 = arith.index_cast %scan3A_45 : i32 to index
        %swap3A_153 = arith.constant 112 : index
        %swap3A_154 = tpu.vector_load %arg8[%swap3A_152, %swap3A_153] {strides = array<i32>} : memref<128x128xf32, #tpu.memory_space<vmem>>, vector<1x16xf32>,
        %swap3A_155 = vector.shape_cast %swap3A_154 : vector<1x16xf32> to vector<16xf32>
        %swap3A_156 = vector.shape_cast %broadcast_in_dim3A_151 : vector<16xf32> to vector<1x16xf32>
        tpu.vector_store %arg8[%swap3A_152, %swap3A_153], %swap3A_156 {strides = array<i32>} : memref<128x128xf32, #tpu.memory_space<vmem>>, vector<1x16xf32>,
        %scan3A_157 = arith.constant 0 : i32
        scf.yield %scan3A_157 : i32
      }
      %scan3A_37 = arith.constant 128 : i32
      %scan3A_38 = arith.constant 0 : i32
      %scan3A_39 = arith.constant 0 : i32
      %scan3A_40 = arith.constant 80 : i32
      %scan3A_41 = arith.addi %scan3A_39, %scan3A_40 : i32
      %scan3A_42 = arith.constant 1 : i32
      %scan3A_43 = scf.for %scan3A_45 = %scan3A_39 to %scan3A_41 step %scan3A_42 iter_args(%scan3A_46 = %scan3A_38) -> (i32)  : i32 {
        %mul3A_47 = arith.constant 2 : i32
        %mul3A_48 = arith.muli %mul3A_47, %scan3A_45 : i32
        %mul3A_49 = arith.constant 128 : i32
        %mul3A_50 = arith.muli %mul3A_48, %mul3A_49 : i32
        %add3A = arith.addi %mul3A_15, %mul3A_50 : i32
        %add3A_51 = arith.constant 128 : i32
        %add3A_52 = arith.addi %add3A, %add3A_51 : i32
        "tpu.region"() ({
          %run_scoped3A = tpu.sem_alloc : memref<!tpu.dma_semaphore, #tpu.memory_space<semaphore_mem>>
          %dma_start3A_64 = tpu.memref_slice %arg4[%add3A] : memref<327680xi32, #tpu.memory_space<hbm>> -> memref<128xi32, #tpu.memory_space<hbm>>
          %dma_start3A_65 = tpu.memref_slice %arg4[%add3A] : memref<327680xi32, #tpu.memory_space<hbm>> -> memref<128xi32, #tpu.memory_space<hbm>>
          tpu.enqueue_dma source(%dma_start3A_65 : memref<128xi32, #tpu.memory_space<hbm>>) target(%arg11 : memref<128xi32, #tpu.memory_space<vmem>>) target_semaphore(%run_scoped3A : memref<!tpu.dma_semaphore, #tpu.memory_space<semaphore_mem>>)
          %dma_wait3A_66 = tpu.memref_slice %arg4[%add3A] : memref<327680xi32, #tpu.memory_space<hbm>> -> memref<128xi32, #tpu.memory_space<hbm>>
          %dma_wait3A_67 = tpu.memref_slice %arg4[%add3A] : memref<327680xi32, #tpu.memory_space<hbm>> -> memref<128xi32, #tpu.memory_space<hbm>>
          tpu.wait_dma2 semaphore(%run_scoped3A : memref<!tpu.dma_semaphore, #tpu.memory_space<semaphore_mem>>) src(%dma_wait3A_67 : memref<128xi32, #tpu.memory_space<hbm>>) dst(%arg11 : memref<128xi32, #tpu.memory_space<vmem>>)
          tpu.yield
        }) : () -> ()
        "tpu.region"() ({
          %run_scoped3A = tpu.sem_alloc : memref<!tpu.dma_semaphore, #tpu.memory_space<semaphore_mem>>
          %dma_start3A_64 = tpu.memref_slice %arg4[%add3A_52] : memref<327680xi32, #tpu.memory_space<hbm>> -> memref<128xi32, #tpu.memory_space<hbm>>
          %dma_start3A_65 = tpu.memref_slice %arg4[%add3A_52] : memref<327680xi32, #tpu.memory_space<hbm>> -> memref<128xi32, #tpu.memory_space<hbm>>
          tpu.enqueue_dma source(%dma_start3A_65 : memref<128xi32, #tpu.memory_space<hbm>>) target(%arg12 : memref<128xi32, #tpu.memory_space<vmem>>) target_semaphore(%run_scoped3A : memref<!tpu.dma_semaphore, #tpu.memory_space<semaphore_mem>>)
          %dma_wait3A_66 = tpu.memref_slice %arg4[%add3A_52] : memref<327680xi32, #tpu.memory_space<hbm>> -> memref<128xi32, #tpu.memory_space<hbm>>
          %dma_wait3A_67 = tpu.memref_slice %arg4[%add3A_52] : memref<327680xi32, #tpu.memory_space<hbm>> -> memref<128xi32, #tpu.memory_space<hbm>>
          tpu.wait_dma2 semaphore(%run_scoped3A : memref<!tpu.dma_semaphore, #tpu.memory_space<semaphore_mem>>) src(%dma_wait3A_67 : memref<128xi32, #tpu.memory_space<hbm>>) dst(%arg12 : memref<128xi32, #tpu.memory_space<vmem>>)
          tpu.yield
        }) : () -> ()
        %dma_start3A = arith.constant 0 : i32
        %dma_start3A_53 = arith.constant 0 : i32
        %dma_start3A_54 = tpu.memref_slice %arg6[%dma_start3A, %dma_start3A_53] : memref<10240x128xf32, #tpu.memory_space<vmem_shared>> -> memref<10240x128xf32, #tpu.memory_space<vmem_shared>>
        tpu.enqueue_indirect_dma source(%arg7 : memref<128x128xf32, #tpu.memory_space<vmem>>) target(%dma_start3A_54 : memref<10240x128xf32, #tpu.memory_space<vmem_shared>>) offsets(%arg11 : memref<128xi32, #tpu.memory_space<vmem>>) semaphore(%arg15 : memref<!tpu.dma_semaphore, #tpu.memory_space<semaphore_mem>>) {add = true}
        %dma_start3A_55 = arith.constant 0 : i32
        %dma_start3A_56 = arith.constant 0 : i32
        %dma_start3A_57 = tpu.memref_slice %arg6[%dma_start3A_55, %dma_start3A_56] : memref<10240x128xf32, #tpu.memory_space<vmem_shared>> -> memref<10240x128xf32, #tpu.memory_space<vmem_shared>>
        tpu.enqueue_indirect_dma source(%arg8 : memref<128x128xf32, #tpu.memory_space<vmem>>) target(%dma_start3A_57 : memref<10240x128xf32, #tpu.memory_space<vmem_shared>>) offsets(%arg12 : memref<128xi32, #tpu.memory_space<vmem>>) semaphore(%arg16 : memref<!tpu.dma_semaphore, #tpu.memory_space<semaphore_mem>>) {add = true}
        %dma_wait3A = arith.constant 0 : i32
        %dma_wait3A_58 = arith.constant 0 : i32
        %dma_wait3A_59 = tpu.memref_slice %arg6[%dma_wait3A, %dma_wait3A_58] : memref<10240x128xf32, #tpu.memory_space<vmem_shared>> -> memref<10240x128xf32, #tpu.memory_space<vmem_shared>>
        tpu.wait_indirect_dma semaphore(%arg15 : memref<!tpu.dma_semaphore, #tpu.memory_space<semaphore_mem>>) src(%arg7 : memref<128x128xf32, #tpu.memory_space<vmem>>) dst(%dma_wait3A_59 : memref<10240x128xf32, #tpu.memory_space<vmem_shared>>)
        %dma_wait3A_60 = arith.constant 0 : i32
        %dma_wait3A_61 = arith.constant 0 : i32
        %dma_wait3A_62 = tpu.memref_slice %arg6[%dma_wait3A_60, %dma_wait3A_61] : memref<10240x128xf32, #tpu.memory_space<vmem_shared>> -> memref<10240x128xf32, #tpu.memory_space<vmem_shared>>
        tpu.wait_indirect_dma semaphore(%arg16 : memref<!tpu.dma_semaphore, #tpu.memory_space<semaphore_mem>>) src(%arg8 : memref<128x128xf32, #tpu.memory_space<vmem>>) dst(%dma_wait3A_62 : memref<10240x128xf32, #tpu.memory_space<vmem_shared>>)
        %scan3A_63 = arith.constant 0 : i32
        scf.yield %scan3A_63 : i32
      }
      %scan3A_44 = arith.constant 80 : i32
    } else {
    }
    %barrier3A_23 = arith.constant 0 : index
    tpu.barrier barrier_id(%barrier3A_23)
    %scan3A_24 = arith.constant 0 : i32
    %scan3A_25 = arith.constant 0 : i32
    %scan3A_26 = arith.constant 10 : i32
    %scan3A_27 = arith.addi %scan3A_25, %scan3A_26 : i32
    %scan3A_28 = arith.constant 1 : i32
    %scan3A_29 = scf.for %scan3A_31 = %scan3A_25 to %scan3A_27 step %scan3A_28 iter_args(%scan3A_32 = %scan3A_24) -> (i32)  : i32 {
      %mul3A_33 = arith.constant 64 : i32
      %mul3A_34 = arith.muli %scan3A_31, %mul3A_33 : i32
      %add3A = arith.addi %mul3A_6, %mul3A_34 : i32
      "tpu.region"() ({
        %run_scoped3A = tpu.sem_alloc : memref<!tpu.dma_semaphore, #tpu.memory_space<semaphore_mem>>
        %dma_start3A = arith.constant 0 : i32
        %dma_start3A_36 = tpu.memref_slice %arg5[%arg0, %add3A, %dma_start3A] : memref<2x10240x128xf32, #tpu.memory_space<hbm>> -> memref<1x64x128xf32, #tpu.memory_space<hbm>>
        %dma_start3A_37 = tpu.memref_squeeze %dma_start3A_36 : memref<1x64x128xf32, #tpu.memory_space<hbm>> -> memref<64x128xf32, #tpu.memory_space<hbm>>
        %dma_start3A_38 = arith.constant 0 : i32
        %dma_start3A_39 = tpu.memref_slice %arg6[%add3A, %dma_start3A_38] : memref<10240x128xf32, #tpu.memory_space<vmem_shared>> -> memref<64x128xf32, #tpu.memory_space<vmem_shared>>
        tpu.enqueue_dma source(%dma_start3A_39 : memref<64x128xf32, #tpu.memory_space<vmem_shared>>) target(%dma_start3A_37 : memref<64x128xf32, #tpu.memory_space<hbm>>) target_semaphore(%run_scoped3A : memref<!tpu.dma_semaphore, #tpu.memory_space<semaphore_mem>>)
        %dma_wait3A = arith.constant 0 : i32
        %dma_wait3A_40 = tpu.memref_slice %arg5[%arg0, %add3A, %dma_wait3A] : memref<2x10240x128xf32, #tpu.memory_space<hbm>> -> memref<1x64x128xf32, #tpu.memory_space<hbm>>
        %dma_wait3A_41 = tpu.memref_squeeze %dma_wait3A_40 : memref<1x64x128xf32, #tpu.memory_space<hbm>> -> memref<64x128xf32, #tpu.memory_space<hbm>>
        %dma_wait3A_42 = arith.constant 0 : i32
        %dma_wait3A_43 = tpu.memref_slice %arg6[%add3A, %dma_wait3A_42] : memref<10240x128xf32, #tpu.memory_space<vmem_shared>> -> memref<64x128xf32, #tpu.memory_space<vmem_shared>>
        tpu.wait_dma2 semaphore(%run_scoped3A : memref<!tpu.dma_semaphore, #tpu.memory_space<semaphore_mem>>) src(%dma_wait3A_43 : memref<64x128xf32, #tpu.memory_space<vmem_shared>>) dst(%dma_wait3A_41 : memref<64x128xf32, #tpu.memory_space<hbm>>)
        tpu.yield
      }) : () -> ()
      %scan3A_35 = arith.constant 0 : i32
      scf.yield %scan3A_35 : i32
    }
    %scan3A_30 = arith.constant 10 : i32
    return
  }
}

module attributes {stable_mosaic.version = 14 : i64} {
  func.func @_t0_body(%arg0: i32, %arg1: memref<2x1280x128xf32, #tpu.memory_space<vmem>>, %arg2: memref<1280x128xf32, #tpu.memory_space<vmem>>, %arg3: memref<128x256xf32, #tpu.memory_space<vmem>>, %arg4: memref<128x256xf32, #tpu.memory_space<vmem>>, %arg5: memref<1x256xf32, #tpu.memory_space<vmem>>, %arg6: memref<1280x256xf32, #tpu.memory_space<vmem>>, %arg7: memref<1280x128xf32, #tpu.memory_space<vmem>>, %arg8: memref<1x256xf32, #tpu.memory_space<vmem>>, %arg9: memref<1x256xf32, #tpu.memory_space<vmem>>) attributes {dimension_semantics = [#tpu.dimension_semantics<arbitrary>], iteration_bounds = array<i64: 8>, scalar_prefetch = 0 : i64, scratch_operands = 0 : i64, tpu.core_type = #tpu.core_type<tc>, window_params = [{transform_indices = @transform_0, window_bounds = array<i64: 2, 1280, 128>}, {transform_indices = @transform_1, window_bounds = array<i64: 1280, 128>}, {pipeline_mode = #tpu.pipeline_mode<synchronous>, transform_indices = @transform_2, window_bounds = array<i64: 128, 256>}, {pipeline_mode = #tpu.pipeline_mode<synchronous>, transform_indices = @transform_3, window_bounds = array<i64: 128, 256>}, {pipeline_mode = #tpu.pipeline_mode<synchronous>, transform_indices = @transform_4, window_bounds = array<i64: 1, 256>}, {transform_indices = @transform_5, window_bounds = array<i64: 1280, 256>}, {transform_indices = @transform_6, window_bounds = array<i64: 1280, 128>}, {pipeline_mode = #tpu.pipeline_mode<synchronous>, transform_indices = @transform_7, window_bounds = array<i64: 1, 256>}, {pipeline_mode = #tpu.pipeline_mode<synchronous>, transform_indices = @transform_8, window_bounds = array<i64: 1, 256>}]} {
    %get3A = arith.constant 1 : index
    %get3A_0 = arith.constant 0 : index
    %get3A_1 = arith.constant 0 : index
    %get3A_2 = vector.load %arg1[%get3A, %get3A_0, %get3A_1] : memref<2x1280x128xf32, #tpu.memory_space<vmem>>, vector<1x1280x128xf32>
    %get3A_3 = vector.shape_cast %get3A_2 : vector<1x1280x128xf32> to vector<1280x128xf32>
    %max3A = arith.constant 1.000000e+00 : f32
    %max3A_4 = vector.broadcast %max3A : f32 to vector<1280x128xf32>
    %max3A_5 = arith.maximumf %get3A_3, %max3A_4 : vector<1280x128xf32>
    %div3A = arith.constant 1.000000e+00 : f32
    %div3A_6 = vector.broadcast %div3A : f32 to vector<1280x128xf32>
    %div3A_7 = arith.divf %div3A_6, %max3A_5 : vector<1280x128xf32>
    %swap3A = arith.constant 0 : index
    %swap3A_8 = arith.constant 0 : index
    %swap3A_9 = vector.load %arg7[%swap3A, %swap3A_8] : memref<1280x128xf32, #tpu.memory_space<vmem>>, vector<1280x128xf32>
    tpu.vector_store %arg7[%swap3A, %swap3A_8], %div3A_7 {strides = array<i32>} : memref<1280x128xf32, #tpu.memory_space<vmem>>, vector<1280x128xf32>,
    %get3A_10 = arith.constant 0 : index
    %get3A_11 = arith.constant 0 : index
    %get3A_12 = arith.constant 0 : index
    %get3A_13 = vector.load %arg1[%get3A_10, %get3A_11, %get3A_12] : memref<2x1280x128xf32, #tpu.memory_space<vmem>>, vector<1x1280x128xf32>
    %get3A_14 = vector.shape_cast %get3A_13 : vector<1x1280x128xf32> to vector<1280x128xf32>
    %mul3A = arith.mulf %get3A_14, %div3A_7 : vector<1280x128xf32>
    %get3A_15 = arith.constant 0 : index
    %get3A_16 = arith.constant 0 : index
    %get3A_17 = vector.load %arg3[%get3A_15, %get3A_16] : memref<128x256xf32, #tpu.memory_space<vmem>>, vector<128x256xf32>
    %dot_general3A = arith.constant dense<0.000000e+00> : vector<1280x256xf32>
    %dot_general3A_18 = tpu.matmul %mul3A, %get3A_17, %dot_general3A {dimension_numbers = #tpu.dot_dimension_numbers<[1], [0], [0], [1], [0, 0, 1, 1], [], []>, transpose_lhs_hint = false} : vector<1280x128xf32>, vector<128x256xf32>, vector<1280x256xf32> -> vector<1280x256xf32>
    %get3A_19 = arith.constant 0 : index
    %get3A_20 = arith.constant 0 : index
    %get3A_21 = vector.load %arg2[%get3A_19, %get3A_20] : memref<1280x128xf32, #tpu.memory_space<vmem>>, vector<1280x128xf32>
    %get3A_22 = arith.constant 0 : index
    %get3A_23 = arith.constant 0 : index
    %get3A_24 = vector.load %arg4[%get3A_22, %get3A_23] : memref<128x256xf32, #tpu.memory_space<vmem>>, vector<128x256xf32>
    %dot_general3A_25 = arith.constant dense<0.000000e+00> : vector<1280x256xf32>
    %dot_general3A_26 = tpu.matmul %get3A_21, %get3A_24, %dot_general3A_25 {dimension_numbers = #tpu.dot_dimension_numbers<[1], [0], [0], [1], [0, 0, 1, 1], [], []>, transpose_lhs_hint = false} : vector<1280x128xf32>, vector<128x256xf32>, vector<1280x256xf32> -> vector<1280x256xf32>
    %add3A = arith.addf %dot_general3A_18, %dot_general3A_26 : vector<1280x256xf32>
    %get3A_27 = arith.constant 0 : index
    %get3A_28 = arith.constant 0 : index
    %get3A_29 = vector.load %arg5[%get3A_27, %get3A_28] : memref<1x256xf32, #tpu.memory_space<vmem>>, vector<1x256xf32>
    %add3A_30 = vector.broadcast %get3A_29 : vector<1x256xf32> to vector<1280x256xf32>
    %add3A_31 = arith.addf %add3A, %add3A_30 : vector<1280x256xf32>
    %swap3A_32 = arith.constant 0 : index
    %swap3A_33 = arith.constant 0 : index
    %swap3A_34 = vector.load %arg6[%swap3A_32, %swap3A_33] : memref<1280x256xf32, #tpu.memory_space<vmem>>, vector<1280x256xf32>
    tpu.vector_store %arg6[%swap3A_32, %swap3A_33], %add3A_31 {strides = array<i32>} : memref<1280x256xf32, #tpu.memory_space<vmem>>, vector<1280x256xf32>,
    %iota3A = tpu.iota {dimensions = array<i32: 0>} : vector<1280x1xi32>
    %mul3A_35 = arith.constant 1280 : i32
    %mul3A_36 = arith.muli %arg0, %mul3A_35 : i32
    %add3A_37 = vector.broadcast %mul3A_36 : i32 to vector<1280x1xi32>
    %add3A_38 = arith.addi %iota3A, %add3A_37 : vector<1280x1xi32>
    %lt3A = arith.constant 10000 : i32
    %lt3A_39 = vector.broadcast %lt3A : i32 to vector<1280x1xi32>
    %lt3A_40 = arith.cmpi slt, %add3A_38, %lt3A_39 : vector<1280x1xi32>
    %jit3A = arith.constant 0.000000e+00 : f32
    %broadcast_in_dim3A = vector.shape_cast %lt3A_40 : vector<1280x1xi1> to vector<1280x1xi1>
    %broadcast_in_dim3A_41 = vector.broadcast %broadcast_in_dim3A : vector<1280x1xi1> to vector<1280x256xi1>
    %broadcast_in_dim3A_42 = vector.broadcast %jit3A : f32 to vector<1280x256xf32>
    %select_n3A = arith.select %broadcast_in_dim3A_41, %add3A_31, %broadcast_in_dim3A_42 : vector<1280x256xi1>, vector<1280x256xf32>
    %reduce_sum3A = arith.constant dense<0.000000e+00> : vector<256xf32>
    %reduce_sum3A_43 = vector.multi_reduction <add>, %select_n3A, %reduce_sum3A [0] : vector<1280x256xf32> to vector<256xf32>
    %broadcast_in_dim3A_44 = vector.shape_cast %reduce_sum3A_43 : vector<256xf32> to vector<1x256xf32>
    %mul3A_45 = arith.mulf %select_n3A, %select_n3A : vector<1280x256xf32>
    %reduce_sum3A_46 = arith.constant dense<0.000000e+00> : vector<256xf32>
    %reduce_sum3A_47 = vector.multi_reduction <add>, %mul3A_45, %reduce_sum3A_46 [0] : vector<1280x256xf32> to vector<256xf32>
    %broadcast_in_dim3A_48 = vector.shape_cast %reduce_sum3A_47 : vector<256xf32> to vector<1x256xf32>
    %eq3A = arith.constant 0 : i32
    %eq3A_49 = arith.cmpi eq, %arg0, %eq3A : i32
    %convert_element_type3A = arith.extui %eq3A_49 : i1 to i32
    %cond3A = arith.constant 0 : i32
    %cond3A_50 = arith.cmpi ne, %convert_element_type3A, %cond3A : i32
    scf.if %cond3A_50 {
      %swap3A_55 = arith.constant 0 : index
      %swap3A_56 = arith.constant 0 : index
      %swap3A_57 = vector.load %arg8[%swap3A_55, %swap3A_56] : memref<1x256xf32, #tpu.memory_space<vmem>>, vector<1x256xf32>
      tpu.vector_store %arg8[%swap3A_55, %swap3A_56], %broadcast_in_dim3A_44 {strides = array<i32>} : memref<1x256xf32, #tpu.memory_space<vmem>>, vector<1x256xf32>,
      %swap3A_58 = arith.constant 0 : index
      %swap3A_59 = arith.constant 0 : index
      %swap3A_60 = vector.load %arg9[%swap3A_58, %swap3A_59] : memref<1x256xf32, #tpu.memory_space<vmem>>, vector<1x256xf32>
      tpu.vector_store %arg9[%swap3A_58, %swap3A_59], %broadcast_in_dim3A_48 {strides = array<i32>} : memref<1x256xf32, #tpu.memory_space<vmem>>, vector<1x256xf32>,
    } else {
    }
    %ne3A = arith.constant 0 : i32
    %ne3A_51 = arith.cmpi ne, %arg0, %ne3A : i32
    %convert_element_type3A_52 = arith.extui %ne3A_51 : i1 to i32
    %cond3A_53 = arith.constant 0 : i32
    %cond3A_54 = arith.cmpi ne, %convert_element_type3A_52, %cond3A_53 : i32
    scf.if %cond3A_54 {
      %get3A_55 = arith.constant 0 : index
      %get3A_56 = arith.constant 0 : index
      %get3A_57 = vector.load %arg8[%get3A_55, %get3A_56] : memref<1x256xf32, #tpu.memory_space<vmem>>, vector<1x256xf32>
      %add3A_58 = arith.addf %get3A_57, %broadcast_in_dim3A_44 : vector<1x256xf32>
      %swap3A_59 = arith.constant 0 : index
      %swap3A_60 = arith.constant 0 : index
      %swap3A_61 = vector.load %arg8[%swap3A_59, %swap3A_60] : memref<1x256xf32, #tpu.memory_space<vmem>>, vector<1x256xf32>
      tpu.vector_store %arg8[%swap3A_59, %swap3A_60], %add3A_58 {strides = array<i32>} : memref<1x256xf32, #tpu.memory_space<vmem>>, vector<1x256xf32>,
      %get3A_62 = arith.constant 0 : index
      %get3A_63 = arith.constant 0 : index
      %get3A_64 = vector.load %arg9[%get3A_62, %get3A_63] : memref<1x256xf32, #tpu.memory_space<vmem>>, vector<1x256xf32>
      %add3A_65 = arith.addf %get3A_64, %broadcast_in_dim3A_48 : vector<1x256xf32>
      %swap3A_66 = arith.constant 0 : index
      %swap3A_67 = arith.constant 0 : index
      %swap3A_68 = vector.load %arg9[%swap3A_66, %swap3A_67] : memref<1x256xf32, #tpu.memory_space<vmem>>, vector<1x256xf32>
      tpu.vector_store %arg9[%swap3A_66, %swap3A_67], %add3A_65 {strides = array<i32>} : memref<1x256xf32, #tpu.memory_space<vmem>>, vector<1x256xf32>,
    } else {
    }
    return
  }
  func.func @transform_0(%arg0: i32) -> (i32, i32, i32) {
    %c0_i32 = arith.constant 0 : i32
    %c0_i32_0 = arith.constant 0 : i32
    %c0_i32_1 = arith.constant 0 : i32
    return %c0_i32, %arg0, %c0_i32_0 : i32, i32, i32
  }
  func.func @transform_1(%arg0: i32) -> (i32, i32) {
    %c0_i32 = arith.constant 0 : i32
    %c0_i32_0 = arith.constant 0 : i32
    return %arg0, %c0_i32 : i32, i32
  }
  func.func @transform_2(%arg0: i32) -> (i32, i32) {
    %c0_i32 = arith.constant 0 : i32
    %c0_i32_0 = arith.constant 0 : i32
    %c0_i32_1 = arith.constant 0 : i32
    return %c0_i32, %c0_i32_0 : i32, i32
  }
  func.func @transform_3(%arg0: i32) -> (i32, i32) {
    %c0_i32 = arith.constant 0 : i32
    %c0_i32_0 = arith.constant 0 : i32
    %c0_i32_1 = arith.constant 0 : i32
    return %c0_i32, %c0_i32_0 : i32, i32
  }
  func.func @transform_4(%arg0: i32) -> (i32, i32) {
    %c0_i32 = arith.constant 0 : i32
    %c0_i32_0 = arith.constant 0 : i32
    %c0_i32_1 = arith.constant 0 : i32
    return %c0_i32, %c0_i32_0 : i32, i32
  }
  func.func @transform_5(%arg0: i32) -> (i32, i32) {
    %c0_i32 = arith.constant 0 : i32
    %c0_i32_0 = arith.constant 0 : i32
    return %arg0, %c0_i32 : i32, i32
  }
  func.func @transform_6(%arg0: i32) -> (i32, i32) {
    %c0_i32 = arith.constant 0 : i32
    %c0_i32_0 = arith.constant 0 : i32
    return %arg0, %c0_i32 : i32, i32
  }
  func.func @transform_7(%arg0: i32) -> (i32, i32) {
    %c0_i32 = arith.constant 0 : i32
    %c0_i32_0 = arith.constant 0 : i32
    %c0_i32_1 = arith.constant 0 : i32
    return %c0_i32, %c0_i32_0 : i32, i32
  }
  func.func @transform_8(%arg0: i32) -> (i32, i32) {
    %c0_i32 = arith.constant 0 : i32
    %c0_i32_0 = arith.constant 0 : i32
    %c0_i32_1 = arith.constant 0 : i32
    return %c0_i32, %c0_i32_0 : i32, i32
  }
}

module attributes {stable_mosaic.version = 14 : i64} {
  func.func @_t0b_body(%arg0: i32, %arg1: memref<1280x256xf32, #tpu.memory_space<vmem>>, %arg2: memref<1x256xf32, #tpu.memory_space<vmem>>, %arg3: memref<1x256xf32, #tpu.memory_space<vmem>>, %arg4: memref<1x256xf32, #tpu.memory_space<vmem>>, %arg5: memref<1x256xf32, #tpu.memory_space<vmem>>, %arg6: memref<2x1280x128xf32, #tpu.memory_space<vmem>>) attributes {dimension_semantics = [#tpu.dimension_semantics<arbitrary>], iteration_bounds = array<i64: 8>, scalar_prefetch = 0 : i64, scratch_operands = 0 : i64, tpu.core_type = #tpu.core_type<tc>, window_params = [{transform_indices = @transform_0, window_bounds = array<i64: 1280, 256>}, {pipeline_mode = #tpu.pipeline_mode<synchronous>, transform_indices = @transform_1, window_bounds = array<i64: 1, 256>}, {pipeline_mode = #tpu.pipeline_mode<synchronous>, transform_indices = @transform_2, window_bounds = array<i64: 1, 256>}, {pipeline_mode = #tpu.pipeline_mode<synchronous>, transform_indices = @transform_3, window_bounds = array<i64: 1, 256>}, {pipeline_mode = #tpu.pipeline_mode<synchronous>, transform_indices = @transform_4, window_bounds = array<i64: 1, 256>}, {transform_indices = @transform_5, window_bounds = array<i64: 2, 1280, 128>}]} {
    %get3A = arith.constant 0 : index
    %get3A_0 = arith.constant 0 : index
    %get3A_1 = vector.load %arg2[%get3A, %get3A_0] : memref<1x256xf32, #tpu.memory_space<vmem>>, vector<1x256xf32>
    %div3A = arith.constant 1.000000e+04 : f32
    %div3A_2 = vector.broadcast %div3A : f32 to vector<1x256xf32>
    %div3A_3 = arith.divf %get3A_1, %div3A_2 : vector<1x256xf32>
    %get3A_4 = arith.constant 0 : index
    %get3A_5 = arith.constant 0 : index
    %get3A_6 = vector.load %arg3[%get3A_4, %get3A_5] : memref<1x256xf32, #tpu.memory_space<vmem>>, vector<1x256xf32>
    %div3A_7 = arith.constant 1.000000e+04 : f32
    %div3A_8 = vector.broadcast %div3A_7 : f32 to vector<1x256xf32>
    %div3A_9 = arith.divf %get3A_6, %div3A_8 : vector<1x256xf32>
    %mul3A = arith.mulf %div3A_3, %div3A_3 : vector<1x256xf32>
    %sub3A = arith.subf %div3A_9, %mul3A : vector<1x256xf32>
    %get3A_10 = arith.constant 0 : index
    %get3A_11 = arith.constant 0 : index
    %get3A_12 = vector.load %arg4[%get3A_10, %get3A_11] : memref<1x256xf32, #tpu.memory_space<vmem>>, vector<1x256xf32>
    %add3A = arith.constant 9.99999974E-6 : f32
    %add3A_13 = vector.broadcast %add3A : f32 to vector<1x256xf32>
    %add3A_14 = arith.addf %sub3A, %add3A_13 : vector<1x256xf32>
    %rsqrt3A = math.rsqrt %add3A_14 : vector<1x256xf32>
    %mul3A_15 = arith.mulf %get3A_12, %rsqrt3A : vector<1x256xf32>
    %get3A_16 = arith.constant 0 : index
    %get3A_17 = arith.constant 0 : index
    %get3A_18 = vector.load %arg5[%get3A_16, %get3A_17] : memref<1x256xf32, #tpu.memory_space<vmem>>, vector<1x256xf32>
    %mul3A_19 = arith.mulf %div3A_3, %mul3A_15 : vector<1x256xf32>
    %sub3A_20 = arith.subf %get3A_18, %mul3A_19 : vector<1x256xf32>
    %get3A_21 = arith.constant 0 : index
    %get3A_22 = arith.constant 0 : index
    %get3A_23 = vector.load %arg1[%get3A_21, %get3A_22] : memref<1280x256xf32, #tpu.memory_space<vmem>>, vector<1280x256xf32>
    %mul3A_24 = vector.broadcast %mul3A_15 : vector<1x256xf32> to vector<1280x256xf32>
    %mul3A_25 = arith.mulf %get3A_23, %mul3A_24 : vector<1280x256xf32>
    %add3A_26 = vector.broadcast %sub3A_20 : vector<1x256xf32> to vector<1280x256xf32>
    %add3A_27 = arith.addf %mul3A_25, %add3A_26 : vector<1280x256xf32>
    %max3A = arith.constant 0.000000e+00 : f32
    %max3A_28 = vector.broadcast %max3A : f32 to vector<1280x256xf32>
    %max3A_29 = arith.maximumf %add3A_27, %max3A_28 : vector<1280x256xf32>
    %slice3A = vector.extract_strided_slice %max3A_29 {offsets = [0, 0], sizes = [1280, 128], strides = [1, 1]} : vector<1280x256xf32> to vector<1280x128xf32>
    %swap3A = arith.constant 0 : index
    %swap3A_30 = arith.constant 0 : index
    %swap3A_31 = arith.constant 0 : index
    %swap3A_32 = vector.load %arg6[%swap3A, %swap3A_30, %swap3A_31] : memref<2x1280x128xf32, #tpu.memory_space<vmem>>, vector<1x1280x128xf32>
    %swap3A_33 = vector.shape_cast %swap3A_32 : vector<1x1280x128xf32> to vector<1280x128xf32>
    %swap3A_34 = vector.shape_cast %slice3A : vector<1280x128xf32> to vector<1x1280x128xf32>
    tpu.vector_store %arg6[%swap3A, %swap3A_30, %swap3A_31], %swap3A_34 {strides = array<i32>} : memref<2x1280x128xf32, #tpu.memory_space<vmem>>, vector<1x1280x128xf32>,
    %slice3A_35 = vector.extract_strided_slice %max3A_29 {offsets = [0, 128], sizes = [1280, 128], strides = [1, 1]} : vector<1280x256xf32> to vector<1280x128xf32>
    %swap3A_36 = arith.constant 1 : index
    %swap3A_37 = arith.constant 0 : index
    %swap3A_38 = arith.constant 0 : index
    %swap3A_39 = vector.load %arg6[%swap3A_36, %swap3A_37, %swap3A_38] : memref<2x1280x128xf32, #tpu.memory_space<vmem>>, vector<1x1280x128xf32>
    %swap3A_40 = vector.shape_cast %swap3A_39 : vector<1x1280x128xf32> to vector<1280x128xf32>
    %swap3A_41 = vector.shape_cast %slice3A_35 : vector<1280x128xf32> to vector<1x1280x128xf32>
    tpu.vector_store %arg6[%swap3A_36, %swap3A_37, %swap3A_38], %swap3A_41 {strides = array<i32>} : memref<2x1280x128xf32, #tpu.memory_space<vmem>>, vector<1x1280x128xf32>,
    return
  }
  func.func @transform_0(%arg0: i32) -> (i32, i32) {
    %c0_i32 = arith.constant 0 : i32
    %c0_i32_0 = arith.constant 0 : i32
    return %arg0, %c0_i32 : i32, i32
  }
  func.func @transform_1(%arg0: i32) -> (i32, i32) {
    %c0_i32 = arith.constant 0 : i32
    %c0_i32_0 = arith.constant 0 : i32
    %c0_i32_1 = arith.constant 0 : i32
    return %c0_i32, %c0_i32_0 : i32, i32
  }
  func.func @transform_2(%arg0: i32) -> (i32, i32) {
    %c0_i32 = arith.constant 0 : i32
    %c0_i32_0 = arith.constant 0 : i32
    %c0_i32_1 = arith.constant 0 : i32
    return %c0_i32, %c0_i32_0 : i32, i32
  }
  func.func @transform_3(%arg0: i32) -> (i32, i32) {
    %c0_i32 = arith.constant 0 : i32
    %c0_i32_0 = arith.constant 0 : i32
    %c0_i32_1 = arith.constant 0 : i32
    return %c0_i32, %c0_i32_0 : i32, i32
  }
  func.func @transform_4(%arg0: i32) -> (i32, i32) {
    %c0_i32 = arith.constant 0 : i32
    %c0_i32_0 = arith.constant 0 : i32
    %c0_i32_1 = arith.constant 0 : i32
    return %c0_i32, %c0_i32_0 : i32, i32
  }
  func.func @transform_5(%arg0: i32) -> (i32, i32, i32) {
    %c0_i32 = arith.constant 0 : i32
    %c0_i32_0 = arith.constant 0 : i32
    %c0_i32_1 = arith.constant 0 : i32
    return %c0_i32, %arg0, %c0_i32_0 : i32, i32, i32
  }
}

module attributes {stable_mosaic.version = 14 : i64} {
  func.func @_t1_body(%arg0: i32, %arg1: memref<2x1280x128xf32, #tpu.memory_space<vmem>>, %arg2: memref<2x1280x128xf32, #tpu.memory_space<vmem>>, %arg3: memref<1280x128xf32, #tpu.memory_space<vmem>>, %arg4: memref<256x256xf32, #tpu.memory_space<vmem>>, %arg5: memref<256x256xf32, #tpu.memory_space<vmem>>, %arg6: memref<1x256xf32, #tpu.memory_space<vmem>>, %arg7: memref<1280x256xf32, #tpu.memory_space<vmem>>, %arg8: memref<1x256xf32, #tpu.memory_space<vmem>>, %arg9: memref<1x256xf32, #tpu.memory_space<vmem>>) attributes {dimension_semantics = [#tpu.dimension_semantics<arbitrary>], iteration_bounds = array<i64: 8>, scalar_prefetch = 0 : i64, scratch_operands = 0 : i64, tpu.core_type = #tpu.core_type<tc>, window_params = [{transform_indices = @transform_0, window_bounds = array<i64: 2, 1280, 128>}, {transform_indices = @transform_1, window_bounds = array<i64: 2, 1280, 128>}, {transform_indices = @transform_2, window_bounds = array<i64: 1280, 128>}, {pipeline_mode = #tpu.pipeline_mode<synchronous>, transform_indices = @transform_3, window_bounds = array<i64: 256, 256>}, {pipeline_mode = #tpu.pipeline_mode<synchronous>, transform_indices = @transform_4, window_bounds = array<i64: 256, 256>}, {pipeline_mode = #tpu.pipeline_mode<synchronous>, transform_indices = @transform_5, window_bounds = array<i64: 1, 256>}, {transform_indices = @transform_6, window_bounds = array<i64: 1280, 256>}, {pipeline_mode = #tpu.pipeline_mode<synchronous>, transform_indices = @transform_7, window_bounds = array<i64: 1, 256>}, {pipeline_mode = #tpu.pipeline_mode<synchronous>, transform_indices = @transform_8, window_bounds = array<i64: 1, 256>}]} {
    %get3A = arith.constant 0 : index
    %get3A_0 = arith.constant 0 : index
    %get3A_1 = vector.load %arg3[%get3A, %get3A_0] : memref<1280x128xf32, #tpu.memory_space<vmem>>, vector<1280x128xf32>
    %get3A_2 = arith.constant 0 : index
    %get3A_3 = arith.constant 0 : index
    %get3A_4 = arith.constant 0 : index
    %get3A_5 = vector.load %arg1[%get3A_2, %get3A_3, %get3A_4] : memref<2x1280x128xf32, #tpu.memory_space<vmem>>, vector<1x1280x128xf32>
    %get3A_6 = vector.shape_cast %get3A_5 : vector<1x1280x128xf32> to vector<1280x128xf32>
    %mul3A = arith.mulf %get3A_6, %get3A_1 : vector<1280x128xf32>
    %get3A_7 = arith.constant 0 : index
    %get3A_8 = arith.constant 0 : index
    %get3A_9 = vector.load %arg4[%get3A_7, %get3A_8] : memref<256x256xf32, #tpu.memory_space<vmem>>, vector<128x256xf32>
    %dot_general3A = arith.constant dense<0.000000e+00> : vector<1280x256xf32>
    %dot_general3A_10 = tpu.matmul %mul3A, %get3A_9, %dot_general3A {dimension_numbers = #tpu.dot_dimension_numbers<[1], [0], [0], [1], [0, 0, 1, 1], [], []>, transpose_lhs_hint = false} : vector<1280x128xf32>, vector<128x256xf32>, vector<1280x256xf32> -> vector<1280x256xf32>
    %get3A_11 = arith.constant 1 : index
    %get3A_12 = arith.constant 0 : index
    %get3A_13 = arith.constant 0 : index
    %get3A_14 = vector.load %arg1[%get3A_11, %get3A_12, %get3A_13] : memref<2x1280x128xf32, #tpu.memory_space<vmem>>, vector<1x1280x128xf32>
    %get3A_15 = vector.shape_cast %get3A_14 : vector<1x1280x128xf32> to vector<1280x128xf32>
    %mul3A_16 = arith.mulf %get3A_15, %get3A_1 : vector<1280x128xf32>
    %get3A_17 = arith.constant 128 : index
    %get3A_18 = arith.constant 0 : index
    %get3A_19 = vector.load %arg4[%get3A_17, %get3A_18] : memref<256x256xf32, #tpu.memory_space<vmem>>, vector<128x256xf32>
    %dot_general3A_20 = arith.constant dense<0.000000e+00> : vector<1280x256xf32>
    %dot_general3A_21 = tpu.matmul %mul3A_16, %get3A_19, %dot_general3A_20 {dimension_numbers = #tpu.dot_dimension_numbers<[1], [0], [0], [1], [0, 0, 1, 1], [], []>, transpose_lhs_hint = false} : vector<1280x128xf32>, vector<128x256xf32>, vector<1280x256xf32> -> vector<1280x256xf32>
    %add3A = arith.addf %dot_general3A_10, %dot_general3A_21 : vector<1280x256xf32>
    %get3A_22 = arith.constant 0 : index
    %get3A_23 = arith.constant 0 : index
    %get3A_24 = arith.constant 0 : index
    %get3A_25 = vector.load %arg2[%get3A_22, %get3A_23, %get3A_24] : memref<2x1280x128xf32, #tpu.memory_space<vmem>>, vector<1x1280x128xf32>
    %get3A_26 = vector.shape_cast %get3A_25 : vector<1x1280x128xf32> to vector<1280x128xf32>
    %get3A_27 = arith.constant 0 : index
    %get3A_28 = arith.constant 0 : index
    %get3A_29 = vector.load %arg5[%get3A_27, %get3A_28] : memref<256x256xf32, #tpu.memory_space<vmem>>, vector<128x256xf32>
    %dot_general3A_30 = arith.constant dense<0.000000e+00> : vector<1280x256xf32>
    %dot_general3A_31 = tpu.matmul %get3A_26, %get3A_29, %dot_general3A_30 {dimension_numbers = #tpu.dot_dimension_numbers<[1], [0], [0], [1], [0, 0, 1, 1], [], []>, transpose_lhs_hint = false} : vector<1280x128xf32>, vector<128x256xf32>, vector<1280x256xf32> -> vector<1280x256xf32>
    %add3A_32 = arith.addf %add3A, %dot_general3A_31 : vector<1280x256xf32>
    %get3A_33 = arith.constant 1 : index
    %get3A_34 = arith.constant 0 : index
    %get3A_35 = arith.constant 0 : index
    %get3A_36 = vector.load %arg2[%get3A_33, %get3A_34, %get3A_35] : memref<2x1280x128xf32, #tpu.memory_space<vmem>>, vector<1x1280x128xf32>
    %get3A_37 = vector.shape_cast %get3A_36 : vector<1x1280x128xf32> to vector<1280x128xf32>
    %get3A_38 = arith.constant 128 : index
    %get3A_39 = arith.constant 0 : index
    %get3A_40 = vector.load %arg5[%get3A_38, %get3A_39] : memref<256x256xf32, #tpu.memory_space<vmem>>, vector<128x256xf32>
    %dot_general3A_41 = arith.constant dense<0.000000e+00> : vector<1280x256xf32>
    %dot_general3A_42 = tpu.matmul %get3A_37, %get3A_40, %dot_general3A_41 {dimension_numbers = #tpu.dot_dimension_numbers<[1], [0], [0], [1], [0, 0, 1, 1], [], []>, transpose_lhs_hint = false} : vector<1280x128xf32>, vector<128x256xf32>, vector<1280x256xf32> -> vector<1280x256xf32>
    %add3A_43 = arith.addf %add3A_32, %dot_general3A_42 : vector<1280x256xf32>
    %get3A_44 = arith.constant 0 : index
    %get3A_45 = arith.constant 0 : index
    %get3A_46 = vector.load %arg6[%get3A_44, %get3A_45] : memref<1x256xf32, #tpu.memory_space<vmem>>, vector<1x256xf32>
    %add3A_47 = vector.broadcast %get3A_46 : vector<1x256xf32> to vector<1280x256xf32>
    %add3A_48 = arith.addf %add3A_43, %add3A_47 : vector<1280x256xf32>
    %swap3A = arith.constant 0 : index
    %swap3A_49 = arith.constant 0 : index
    %swap3A_50 = vector.load %arg7[%swap3A, %swap3A_49] : memref<1280x256xf32, #tpu.memory_space<vmem>>, vector<1280x256xf32>
    tpu.vector_store %arg7[%swap3A, %swap3A_49], %add3A_48 {strides = array<i32>} : memref<1280x256xf32, #tpu.memory_space<vmem>>, vector<1280x256xf32>,
    %iota3A = tpu.iota {dimensions = array<i32: 0>} : vector<1280x1xi32>
    %mul3A_51 = arith.constant 1280 : i32
    %mul3A_52 = arith.muli %arg0, %mul3A_51 : i32
    %add3A_53 = vector.broadcast %mul3A_52 : i32 to vector<1280x1xi32>
    %add3A_54 = arith.addi %iota3A, %add3A_53 : vector<1280x1xi32>
    %lt3A = arith.constant 10000 : i32
    %lt3A_55 = vector.broadcast %lt3A : i32 to vector<1280x1xi32>
    %lt3A_56 = arith.cmpi slt, %add3A_54, %lt3A_55 : vector<1280x1xi32>
    %jit3A = arith.constant 0.000000e+00 : f32
    %broadcast_in_dim3A = vector.shape_cast %lt3A_56 : vector<1280x1xi1> to vector<1280x1xi1>
    %broadcast_in_dim3A_57 = vector.broadcast %broadcast_in_dim3A : vector<1280x1xi1> to vector<1280x256xi1>
    %broadcast_in_dim3A_58 = vector.broadcast %jit3A : f32 to vector<1280x256xf32>
    %select_n3A = arith.select %broadcast_in_dim3A_57, %add3A_48, %broadcast_in_dim3A_58 : vector<1280x256xi1>, vector<1280x256xf32>
    %reduce_sum3A = arith.constant dense<0.000000e+00> : vector<256xf32>
    %reduce_sum3A_59 = vector.multi_reduction <add>, %select_n3A, %reduce_sum3A [0] : vector<1280x256xf32> to vector<256xf32>
    %broadcast_in_dim3A_60 = vector.shape_cast %reduce_sum3A_59 : vector<256xf32> to vector<1x256xf32>
    %mul3A_61 = arith.mulf %select_n3A, %select_n3A : vector<1280x256xf32>
    %reduce_sum3A_62 = arith.constant dense<0.000000e+00> : vector<256xf32>
    %reduce_sum3A_63 = vector.multi_reduction <add>, %mul3A_61, %reduce_sum3A_62 [0] : vector<1280x256xf32> to vector<256xf32>
    %broadcast_in_dim3A_64 = vector.shape_cast %reduce_sum3A_63 : vector<256xf32> to vector<1x256xf32>
    %eq3A = arith.constant 0 : i32
    %eq3A_65 = arith.cmpi eq, %arg0, %eq3A : i32
    %convert_element_type3A = arith.extui %eq3A_65 : i1 to i32
    %cond3A = arith.constant 0 : i32
    %cond3A_66 = arith.cmpi ne, %convert_element_type3A, %cond3A : i32
    scf.if %cond3A_66 {
      %swap3A_71 = arith.constant 0 : index
      %swap3A_72 = arith.constant 0 : index
      %swap3A_73 = vector.load %arg8[%swap3A_71, %swap3A_72] : memref<1x256xf32, #tpu.memory_space<vmem>>, vector<1x256xf32>
      tpu.vector_store %arg8[%swap3A_71, %swap3A_72], %broadcast_in_dim3A_60 {strides = array<i32>} : memref<1x256xf32, #tpu.memory_space<vmem>>, vector<1x256xf32>,
      %swap3A_74 = arith.constant 0 : index
      %swap3A_75 = arith.constant 0 : index
      %swap3A_76 = vector.load %arg9[%swap3A_74, %swap3A_75] : memref<1x256xf32, #tpu.memory_space<vmem>>, vector<1x256xf32>
      tpu.vector_store %arg9[%swap3A_74, %swap3A_75], %broadcast_in_dim3A_64 {strides = array<i32>} : memref<1x256xf32, #tpu.memory_space<vmem>>, vector<1x256xf32>,
    } else {
    }
    %ne3A = arith.constant 0 : i32
    %ne3A_67 = arith.cmpi ne, %arg0, %ne3A : i32
    %convert_element_type3A_68 = arith.extui %ne3A_67 : i1 to i32
    %cond3A_69 = arith.constant 0 : i32
    %cond3A_70 = arith.cmpi ne, %convert_element_type3A_68, %cond3A_69 : i32
    scf.if %cond3A_70 {
      %get3A_71 = arith.constant 0 : index
      %get3A_72 = arith.constant 0 : index
      %get3A_73 = vector.load %arg8[%get3A_71, %get3A_72] : memref<1x256xf32, #tpu.memory_space<vmem>>, vector<1x256xf32>
      %add3A_74 = arith.addf %get3A_73, %broadcast_in_dim3A_60 : vector<1x256xf32>
      %swap3A_75 = arith.constant 0 : index
      %swap3A_76 = arith.constant 0 : index
      %swap3A_77 = vector.load %arg8[%swap3A_75, %swap3A_76] : memref<1x256xf32, #tpu.memory_space<vmem>>, vector<1x256xf32>
      tpu.vector_store %arg8[%swap3A_75, %swap3A_76], %add3A_74 {strides = array<i32>} : memref<1x256xf32, #tpu.memory_space<vmem>>, vector<1x256xf32>,
      %get3A_78 = arith.constant 0 : index
      %get3A_79 = arith.constant 0 : index
      %get3A_80 = vector.load %arg9[%get3A_78, %get3A_79] : memref<1x256xf32, #tpu.memory_space<vmem>>, vector<1x256xf32>
      %add3A_81 = arith.addf %get3A_80, %broadcast_in_dim3A_64 : vector<1x256xf32>
      %swap3A_82 = arith.constant 0 : index
      %swap3A_83 = arith.constant 0 : index
      %swap3A_84 = vector.load %arg9[%swap3A_82, %swap3A_83] : memref<1x256xf32, #tpu.memory_space<vmem>>, vector<1x256xf32>
      tpu.vector_store %arg9[%swap3A_82, %swap3A_83], %add3A_81 {strides = array<i32>} : memref<1x256xf32, #tpu.memory_space<vmem>>, vector<1x256xf32>,
    } else {
    }
    return
  }
  func.func @transform_0(%arg0: i32) -> (i32, i32, i32) {
    %c0_i32 = arith.constant 0 : i32
    %c0_i32_0 = arith.constant 0 : i32
    %c0_i32_1 = arith.constant 0 : i32
    return %c0_i32, %arg0, %c0_i32_0 : i32, i32, i32
  }
  func.func @transform_1(%arg0: i32) -> (i32, i32, i32) {
    %c0_i32 = arith.constant 0 : i32
    %c0_i32_0 = arith.constant 0 : i32
    %c0_i32_1 = arith.constant 0 : i32
    return %c0_i32, %arg0, %c0_i32_0 : i32, i32, i32
  }
  func.func @transform_2(%arg0: i32) -> (i32, i32) {
    %c0_i32 = arith.constant 0 : i32
    %c0_i32_0 = arith.constant 0 : i32
    return %arg0, %c0_i32 : i32, i32
  }
  func.func @transform_3(%arg0: i32) -> (i32, i32) {
    %c0_i32 = arith.constant 0 : i32
    %c0_i32_0 = arith.constant 0 : i32
    %c0_i32_1 = arith.constant 0 : i32
    return %c0_i32, %c0_i32_0 : i32, i32
  }
  func.func @transform_4(%arg0: i32) -> (i32, i32) {
    %c0_i32 = arith.constant 0 : i32
    %c0_i32_0 = arith.constant 0 : i32
    %c0_i32_1 = arith.constant 0 : i32
    return %c0_i32, %c0_i32_0 : i32, i32
  }
  func.func @transform_5(%arg0: i32) -> (i32, i32) {
    %c0_i32 = arith.constant 0 : i32
    %c0_i32_0 = arith.constant 0 : i32
    %c0_i32_1 = arith.constant 0 : i32
    return %c0_i32, %c0_i32_0 : i32, i32
  }
  func.func @transform_6(%arg0: i32) -> (i32, i32) {
    %c0_i32 = arith.constant 0 : i32
    %c0_i32_0 = arith.constant 0 : i32
    return %arg0, %c0_i32 : i32, i32
  }
  func.func @transform_7(%arg0: i32) -> (i32, i32) {
    %c0_i32 = arith.constant 0 : i32
    %c0_i32_0 = arith.constant 0 : i32
    %c0_i32_1 = arith.constant 0 : i32
    return %c0_i32, %c0_i32_0 : i32, i32
  }
  func.func @transform_8(%arg0: i32) -> (i32, i32) {
    %c0_i32 = arith.constant 0 : i32
    %c0_i32_0 = arith.constant 0 : i32
    %c0_i32_1 = arith.constant 0 : i32
    return %c0_i32, %c0_i32_0 : i32, i32
  }
}

module attributes {stable_mosaic.version = 14 : i64} {
  func.func @_t1b_body(%arg0: i32, %arg1: memref<1280x256xf32, #tpu.memory_space<vmem>>, %arg2: memref<1x256xf32, #tpu.memory_space<vmem>>, %arg3: memref<1x256xf32, #tpu.memory_space<vmem>>, %arg4: memref<1x256xf32, #tpu.memory_space<vmem>>, %arg5: memref<1x256xf32, #tpu.memory_space<vmem>>, %arg6: memref<256x128xf32, #tpu.memory_space<vmem>>, %arg7: memref<1280x256xf32, #tpu.memory_space<vmem>>, %arg8: memref<1280x128xf32, #tpu.memory_space<vmem>>) attributes {dimension_semantics = [#tpu.dimension_semantics<arbitrary>], iteration_bounds = array<i64: 8>, scalar_prefetch = 0 : i64, scratch_operands = 0 : i64, tpu.core_type = #tpu.core_type<tc>, window_params = [{transform_indices = @transform_0, window_bounds = array<i64: 1280, 256>}, {pipeline_mode = #tpu.pipeline_mode<synchronous>, transform_indices = @transform_1, window_bounds = array<i64: 1, 256>}, {pipeline_mode = #tpu.pipeline_mode<synchronous>, transform_indices = @transform_2, window_bounds = array<i64: 1, 256>}, {pipeline_mode = #tpu.pipeline_mode<synchronous>, transform_indices = @transform_3, window_bounds = array<i64: 1, 256>}, {pipeline_mode = #tpu.pipeline_mode<synchronous>, transform_indices = @transform_4, window_bounds = array<i64: 1, 256>}, {pipeline_mode = #tpu.pipeline_mode<synchronous>, transform_indices = @transform_5, window_bounds = array<i64: 256, 128>}, {transform_indices = @transform_6, window_bounds = array<i64: 1280, 256>}, {transform_indices = @transform_7, window_bounds = array<i64: 1280, 128>}]} {
    %get3A = arith.constant 0 : index
    %get3A_0 = arith.constant 0 : index
    %get3A_1 = vector.load %arg2[%get3A, %get3A_0] : memref<1x256xf32, #tpu.memory_space<vmem>>, vector<1x256xf32>
    %div3A = arith.constant 1.000000e+04 : f32
    %div3A_2 = vector.broadcast %div3A : f32 to vector<1x256xf32>
    %div3A_3 = arith.divf %get3A_1, %div3A_2 : vector<1x256xf32>
    %get3A_4 = arith.constant 0 : index
    %get3A_5 = arith.constant 0 : index
    %get3A_6 = vector.load %arg3[%get3A_4, %get3A_5] : memref<1x256xf32, #tpu.memory_space<vmem>>, vector<1x256xf32>
    %div3A_7 = arith.constant 1.000000e+04 : f32
    %div3A_8 = vector.broadcast %div3A_7 : f32 to vector<1x256xf32>
    %div3A_9 = arith.divf %get3A_6, %div3A_8 : vector<1x256xf32>
    %mul3A = arith.mulf %div3A_3, %div3A_3 : vector<1x256xf32>
    %sub3A = arith.subf %div3A_9, %mul3A : vector<1x256xf32>
    %get3A_10 = arith.constant 0 : index
    %get3A_11 = arith.constant 0 : index
    %get3A_12 = vector.load %arg4[%get3A_10, %get3A_11] : memref<1x256xf32, #tpu.memory_space<vmem>>, vector<1x256xf32>
    %add3A = arith.constant 9.99999974E-6 : f32
    %add3A_13 = vector.broadcast %add3A : f32 to vector<1x256xf32>
    %add3A_14 = arith.addf %sub3A, %add3A_13 : vector<1x256xf32>
    %rsqrt3A = math.rsqrt %add3A_14 : vector<1x256xf32>
    %mul3A_15 = arith.mulf %get3A_12, %rsqrt3A : vector<1x256xf32>
    %get3A_16 = arith.constant 0 : index
    %get3A_17 = arith.constant 0 : index
    %get3A_18 = vector.load %arg5[%get3A_16, %get3A_17] : memref<1x256xf32, #tpu.memory_space<vmem>>, vector<1x256xf32>
    %mul3A_19 = arith.mulf %div3A_3, %mul3A_15 : vector<1x256xf32>
    %sub3A_20 = arith.subf %get3A_18, %mul3A_19 : vector<1x256xf32>
    %get3A_21 = arith.constant 0 : index
    %get3A_22 = arith.constant 0 : index
    %get3A_23 = vector.load %arg1[%get3A_21, %get3A_22] : memref<1280x256xf32, #tpu.memory_space<vmem>>, vector<1280x256xf32>
    %mul3A_24 = vector.broadcast %mul3A_15 : vector<1x256xf32> to vector<1280x256xf32>
    %mul3A_25 = arith.mulf %get3A_23, %mul3A_24 : vector<1280x256xf32>
    %add3A_26 = vector.broadcast %sub3A_20 : vector<1x256xf32> to vector<1280x256xf32>
    %add3A_27 = arith.addf %mul3A_25, %add3A_26 : vector<1280x256xf32>
    %max3A = arith.constant 0.000000e+00 : f32
    %max3A_28 = vector.broadcast %max3A : f32 to vector<1280x256xf32>
    %max3A_29 = arith.maximumf %add3A_27, %max3A_28 : vector<1280x256xf32>
    %swap3A = arith.constant 0 : index
    %swap3A_30 = arith.constant 0 : index
    %swap3A_31 = vector.load %arg7[%swap3A, %swap3A_30] : memref<1280x256xf32, #tpu.memory_space<vmem>>, vector<1280x256xf32>
    tpu.vector_store %arg7[%swap3A, %swap3A_30], %max3A_29 {strides = array<i32>} : memref<1280x256xf32, #tpu.memory_space<vmem>>, vector<1280x256xf32>,
    %get3A_32 = arith.constant 0 : index
    %get3A_33 = arith.constant 0 : index
    %get3A_34 = vector.load %arg6[%get3A_32, %get3A_33] : memref<256x128xf32, #tpu.memory_space<vmem>>, vector<256x128xf32>
    %dot_general3A = arith.constant dense<0.000000e+00> : vector<1280x128xf32>
    %dot_general3A_35 = tpu.matmul %max3A_29, %get3A_34, %dot_general3A {dimension_numbers = #tpu.dot_dimension_numbers<[1], [0], [0], [1], [0, 0, 1, 1], [], []>, transpose_lhs_hint = false} : vector<1280x256xf32>, vector<256x128xf32>, vector<1280x128xf32> -> vector<1280x128xf32>
    %swap3A_36 = arith.constant 0 : index
    %swap3A_37 = arith.constant 0 : index
    %swap3A_38 = vector.load %arg8[%swap3A_36, %swap3A_37] : memref<1280x128xf32, #tpu.memory_space<vmem>>, vector<1280x128xf32>
    tpu.vector_store %arg8[%swap3A_36, %swap3A_37], %dot_general3A_35 {strides = array<i32>} : memref<1280x128xf32, #tpu.memory_space<vmem>>, vector<1280x128xf32>,
    return
  }
  func.func @transform_0(%arg0: i32) -> (i32, i32) {
    %c0_i32 = arith.constant 0 : i32
    %c0_i32_0 = arith.constant 0 : i32
    return %arg0, %c0_i32 : i32, i32
  }
  func.func @transform_1(%arg0: i32) -> (i32, i32) {
    %c0_i32 = arith.constant 0 : i32
    %c0_i32_0 = arith.constant 0 : i32
    %c0_i32_1 = arith.constant 0 : i32
    return %c0_i32, %c0_i32_0 : i32, i32
  }
  func.func @transform_2(%arg0: i32) -> (i32, i32) {
    %c0_i32 = arith.constant 0 : i32
    %c0_i32_0 = arith.constant 0 : i32
    %c0_i32_1 = arith.constant 0 : i32
    return %c0_i32, %c0_i32_0 : i32, i32
  }
  func.func @transform_3(%arg0: i32) -> (i32, i32) {
    %c0_i32 = arith.constant 0 : i32
    %c0_i32_0 = arith.constant 0 : i32
    %c0_i32_1 = arith.constant 0 : i32
    return %c0_i32, %c0_i32_0 : i32, i32
  }
  func.func @transform_4(%arg0: i32) -> (i32, i32) {
    %c0_i32 = arith.constant 0 : i32
    %c0_i32_0 = arith.constant 0 : i32
    %c0_i32_1 = arith.constant 0 : i32
    return %c0_i32, %c0_i32_0 : i32, i32
  }
  func.func @transform_5(%arg0: i32) -> (i32, i32) {
    %c0_i32 = arith.constant 0 : i32
    %c0_i32_0 = arith.constant 0 : i32
    %c0_i32_1 = arith.constant 0 : i32
    return %c0_i32, %c0_i32_0 : i32, i32
  }
  func.func @transform_6(%arg0: i32) -> (i32, i32) {
    %c0_i32 = arith.constant 0 : i32
    %c0_i32_0 = arith.constant 0 : i32
    return %arg0, %c0_i32 : i32, i32
  }
  func.func @transform_7(%arg0: i32) -> (i32, i32) {
    %c0_i32 = arith.constant 0 : i32
    %c0_i32_0 = arith.constant 0 : i32
    return %arg0, %c0_i32 : i32, i32
  }
}

module attributes {stable_mosaic.version = 14 : i64} {
  func.func @_t2_body(%arg0: i32, %arg1: memref<2x1280x128xf32, #tpu.memory_space<vmem>>, %arg2: memref<1280x128xf32, #tpu.memory_space<vmem>>, %arg3: memref<1280x256xf32, #tpu.memory_space<vmem>>, %arg4: memref<256x128xf32, #tpu.memory_space<vmem>>, %arg5: memref<1x128xf32, #tpu.memory_space<vmem>>, %arg6: memref<1280x128xf32, #tpu.memory_space<vmem>>) attributes {dimension_semantics = [#tpu.dimension_semantics<arbitrary>], iteration_bounds = array<i64: 8>, scalar_prefetch = 0 : i64, scratch_operands = 0 : i64, tpu.core_type = #tpu.core_type<tc>, window_params = [{transform_indices = @transform_0, window_bounds = array<i64: 2, 1280, 128>}, {transform_indices = @transform_1, window_bounds = array<i64: 1280, 128>}, {transform_indices = @transform_2, window_bounds = array<i64: 1280, 256>}, {pipeline_mode = #tpu.pipeline_mode<synchronous>, transform_indices = @transform_3, window_bounds = array<i64: 256, 128>}, {pipeline_mode = #tpu.pipeline_mode<synchronous>, transform_indices = @transform_4, window_bounds = array<i64: 1, 128>}, {transform_indices = @transform_5, window_bounds = array<i64: 1280, 128>}]} {
    %get3A = arith.constant 0 : index
    %get3A_0 = arith.constant 0 : index
    %get3A_1 = arith.constant 0 : index
    %get3A_2 = vector.load %arg1[%get3A, %get3A_0, %get3A_1] : memref<2x1280x128xf32, #tpu.memory_space<vmem>>, vector<1x1280x128xf32>
    %get3A_3 = vector.shape_cast %get3A_2 : vector<1x1280x128xf32> to vector<1280x128xf32>
    %get3A_4 = arith.constant 1 : index
    %get3A_5 = arith.constant 0 : index
    %get3A_6 = arith.constant 0 : index
    %get3A_7 = vector.load %arg1[%get3A_4, %get3A_5, %get3A_6] : memref<2x1280x128xf32, #tpu.memory_space<vmem>>, vector<1x1280x128xf32>
    %get3A_8 = vector.shape_cast %get3A_7 : vector<1x1280x128xf32> to vector<1280x128xf32>
    %add3A = arith.addf %get3A_3, %get3A_8 : vector<1280x128xf32>
    %get3A_9 = arith.constant 0 : index
    %get3A_10 = arith.constant 0 : index
    %get3A_11 = vector.load %arg2[%get3A_9, %get3A_10] : memref<1280x128xf32, #tpu.memory_space<vmem>>, vector<1280x128xf32>
    %mul3A = arith.mulf %add3A, %get3A_11 : vector<1280x128xf32>
    %get3A_12 = arith.constant 0 : index
    %get3A_13 = arith.constant 0 : index
    %get3A_14 = vector.load %arg3[%get3A_12, %get3A_13] : memref<1280x256xf32, #tpu.memory_space<vmem>>, vector<1280x256xf32>
    %get3A_15 = arith.constant 0 : index
    %get3A_16 = arith.constant 0 : index
    %get3A_17 = vector.load %arg4[%get3A_15, %get3A_16] : memref<256x128xf32, #tpu.memory_space<vmem>>, vector<256x128xf32>
    %dot_general3A = arith.constant dense<0.000000e+00> : vector<1280x128xf32>
    %dot_general3A_18 = tpu.matmul %get3A_14, %get3A_17, %dot_general3A {dimension_numbers = #tpu.dot_dimension_numbers<[1], [0], [0], [1], [0, 0, 1, 1], [], []>, transpose_lhs_hint = false} : vector<1280x256xf32>, vector<256x128xf32>, vector<1280x128xf32> -> vector<1280x128xf32>
    %add3A_19 = arith.addf %mul3A, %dot_general3A_18 : vector<1280x128xf32>
    %get3A_20 = arith.constant 0 : index
    %get3A_21 = arith.constant 0 : index
    %get3A_22 = vector.load %arg5[%get3A_20, %get3A_21] : memref<1x128xf32, #tpu.memory_space<vmem>>, vector<1x128xf32>
    %add3A_23 = vector.broadcast %get3A_22 : vector<1x128xf32> to vector<1280x128xf32>
    %add3A_24 = arith.addf %add3A_19, %add3A_23 : vector<1280x128xf32>
    %swap3A = arith.constant 0 : index
    %swap3A_25 = arith.constant 0 : index
    %swap3A_26 = vector.load %arg6[%swap3A, %swap3A_25] : memref<1280x128xf32, #tpu.memory_space<vmem>>, vector<1280x128xf32>
    tpu.vector_store %arg6[%swap3A, %swap3A_25], %add3A_24 {strides = array<i32>} : memref<1280x128xf32, #tpu.memory_space<vmem>>, vector<1280x128xf32>,
    return
  }
  func.func @transform_0(%arg0: i32) -> (i32, i32, i32) {
    %c0_i32 = arith.constant 0 : i32
    %c0_i32_0 = arith.constant 0 : i32
    %c0_i32_1 = arith.constant 0 : i32
    return %c0_i32, %arg0, %c0_i32_0 : i32, i32, i32
  }
  func.func @transform_1(%arg0: i32) -> (i32, i32) {
    %c0_i32 = arith.constant 0 : i32
    %c0_i32_0 = arith.constant 0 : i32
    return %arg0, %c0_i32 : i32, i32
  }
  func.func @transform_2(%arg0: i32) -> (i32, i32) {
    %c0_i32 = arith.constant 0 : i32
    %c0_i32_0 = arith.constant 0 : i32
    return %arg0, %c0_i32 : i32, i32
  }
  func.func @transform_3(%arg0: i32) -> (i32, i32) {
    %c0_i32 = arith.constant 0 : i32
    %c0_i32_0 = arith.constant 0 : i32
    %c0_i32_1 = arith.constant 0 : i32
    return %c0_i32, %c0_i32_0 : i32, i32
  }
  func.func @transform_4(%arg0: i32) -> (i32, i32) {
    %c0_i32 = arith.constant 0 : i32
    %c0_i32_0 = arith.constant 0 : i32
    %c0_i32_1 = arith.constant 0 : i32
    return %c0_i32, %c0_i32_0 : i32, i32
  }
  func.func @transform_5(%arg0: i32) -> (i32, i32) {
    %c0_i32 = arith.constant 0 : i32
    %c0_i32_0 = arith.constant 0 : i32
    return %arg0, %c0_i32 : i32, i32
  }
}

</mosaic_0001>

<sc_bundles>
// kernel: kernel.10.cloned.1.call-start
scs
__scs_entry_jumppad:
0x0: {  	(pc) =	sbr.rel $0x88, $3  }
0x1: {  	(tag) =	ssettag $0x0;
	lr =	simm.s32 $0x1  }
0x2: {  	[smem:$0x3F92] =	sst lr;
	_ =	strace $0xD0000000  }
0x3: {  	_ = 	snop  }
0x4: {  	_ = 	snop  }
0x5: {  	_ = 	snop  }
0x6: {  	_ = 	snop  }
0x7: {  	_ = 	snop  }
__scs_overlays_trampoline_lowered:
0x8: {  	[smem:$0x3FA1] =	sst s0  }
0x9: {  	[smem:$0x3FA2] =	sst s1  }
0xa: {  	[smem:$0x3FA3] =	sst s2  }
0xb: {  	[smem:$0x3FA4] =	sst s3  }
0xc: {  	[smem:$0x3FA5] =	sst s4  }
0xd: {  	[smem:$0x3FA6] =	sst s5  }
0xe: {  	[smem:$0x3FA7] =	sst s6  }
0xf: {  	[smem:$0x3FA8] =	sst s7  }
0x10: {  	[smem:$0x3FA9] =	sst s8  }
0x11: {  	[smem:$0x3FAA] =	sst s9;
	s0 =	simm.s32 @!p0 $0x0  }
0x12: {  	s1 =	sld [smem:$0x3F90];
	s0 =	simm.s32 @p0 $0x1  }
0x13: {  	[smem:$0x3FAB] =	sst s0;
	s0 =	simm.s32 @!p1 $0x0  }
0x14: {  	s2 =	sld [smem:$0x3F8F];
	s0 =	simm.s32 @p1 $0x1  }
0x15: {  	[smem:$0x3FAC] =	sst s0;
	s0 =	simm.s32 @!p2 $0x0  }
0x16: {  	s3 =	sld [smem:$0x3FDB];
	s0 =	simm.s32 @p2 $0x1  }
0x17: {  	s4 =	simm.s32 $0x1BF5;
	[smem:$0x3FAE] =	sst s0  }
0x18: {  	s0 =	sld [smem:$0x3F91];
	_ =	swait.ge [sflag:s4], $0x0  }
0x19: {  	s7 =	sld [smem:$0x3F92]  }
0x1a: {  	s8 =	sadd.s32 $0xFFFFE003, lr  }
0x1b: {  	s9 =	sadd.s32 $0xFFFFFEF7, lr;
	s5 =	simm.s32 $0xFFFFFFFF;
	p2 =	slt.u32 s8, $0xFFFFF086  }
0x1c: {  	p1 =	slt.u32 s9, $0xF7A;
	s5 =	simm.s32 @!p2 $0x0  }
0x1d: {  	s5 =	simm.s32 @p1 $0x1;
	p0 =	seq.s32 s7, s2  }
0x1e: {  	s7 =	smul.u32 @!p0 $0xF7A, s2;
	p2 =	seq.s32 @!p0 s5, $0x0  }
0x1f: {  	s9 =	smul.u32 $0xF7A, s1;
	s8 =	simm.s32 @!p0 $0x1BF5;
	p2 =	por !p2, p0  }
0x20: {  	[sflag:s8] =	ssyncset.s32 @!p0 $0xFFFFF086;
	s6 =	sadd.s32 @!p0 s3, s7;
	s7 =	simm.s32 @!p0 $0x108  }
0x21: {  	s3 =	sadd.s32 s3, s9;
	s6 =	sadd.s32 @!p0 $0x88, s6;
	s7 =	simm.s32 @p2 $0x1082  }
0x22: {  	[simem:s7], [sflag:s8] =	dma.local @!p0 [hbm:s6], $0xF7A  }
0x23: {  	s9 =	sor.u32 $0xD0000000, s2;
	s6 =	simm.s32 $0x108;
	_ =	swait.ge @!p0 [sflag:s8], $0x0  }
0x24: {  	s3 =	sadd.s32 $0x88, s3;
	s6 =	simm.s32 @!p1 $0x1082;
	[sflag:s4] =	ssyncset.s32 $0xFFFFF086  }
0x25: {  	[simem:s6], [sflag:s4] =	dma.local [hbm:s3], $0xF7A  }
0x26: {  	[smem:$0x3F92] =	sst s1;
	(tag) =	ssettag s2;
	_ =	strace s9  }
0x27: {  	s1 =	sld [smem:$0x3FA2]  }
0x28: {  	s2 =	sld [smem:$0x3FA3]  }
0x29: {  	s4 =	sld [smem:$0x3FA5]  }
0x2a: {  	p0 =	seq.s32 s5, $0x0;
	s5 =	sld [smem:$0x3FA6]  }
0x2b: {  	s6 =	sld [smem:$0x3FA7]  }
0x2c: {  	s7 =	sld [smem:$0x3FA8]  }
0x2d: {  	s3 =	simm.s32 $0x108;
	s8 =	sld [smem:$0x3FA9]  }
0x2e: {  	s3 =	simm.s32 @!p0 $0x1082;
	s9 =	sld [smem:$0x3FAA]  }
0x2f: {  	lr =	sadd.s32 s0, s3;
	s0 =	sld [smem:$0x3FA1]  }
0x30: {  	s3 =	sld [smem:$0x3FA4]  }
0x31: {  	[smem:$0x3FAD] =	sst s10  }
0x32: {  	s10 =	sld [smem:$0x3FAB];
	_ =	sdelay $0x3  }
0x33: {  	p0 =	seq.s32 s10, $0x1;
	s10 =	sld [smem:$0x3FAD];
	_ =	sdelay $0x3  }
0x34: {  	[smem:$0x3FAD] =	sst s10  }
0x35: {  	s10 =	sld [smem:$0x3FAC];
	_ =	sdelay $0x3  }
0x36: {  	p1 =	seq.s32 s10, $0x1;
	s10 =	sld [smem:$0x3FAD];
	_ =	sdelay $0x3  }
0x37: {  	[smem:$0x3FAD] =	sst s10  }
0x38: {  	s10 =	sld [smem:$0x3FAE]  }
0x39: {  	_ = 	snop;
	(pc) =	sbr.ind lr, $3  }
0x3a: {  	_ = 	snop  }
0x3b: {  	_ = 	snop  }
0x3c: {  	p2 =	seq.s32 s10, $0x1;
	s10 =	sld [smem:$0x3FAD]  }
0x3d: {  	_ =	shalt  }
0x3e: {  	_ =	shalt  }
0x3f: {  	_ =	shalt  }
0x40: {  	_ =	shalt  }
0x41: {  	_ =	shalt  }
0x42: {  	_ =	shalt  }
0x43: {  	_ =	shalt  }
0x44: {  	_ =	shalt  }
0x45: {  	_ =	shalt  }
0x46: {  	_ =	shalt  }
0x47: {  	_ =	shalt  }
0x48: {  	_ =	shalt  }
0x49: {  	_ =	shalt  }
0x4a: {  	_ =	shalt  }
0x4b: {  	_ =	shalt  }
0x4c: {  	_ =	shalt  }
0x4d: {  	_ =	shalt  }
0x4e: {  	_ =	shalt  }
0x4f: {  	_ =	shalt  }
0x50: {  	_ =	shalt  }
0x51: {  	_ =	shalt  }
0x52: {  	_ =	shalt  }
0x53: {  	_ =	shalt  }
0x54: {  	_ =	shalt  }
0x55: {  	_ =	shalt  }
0x56: {  	_ =	shalt  }
0x57: {  	_ =	shalt  }
0x58: {  	_ =	shalt  }
0x59: {  	_ =	shalt  }
0x5a: {  	_ =	shalt  }
0x5b: {  	_ =	shalt  }
0x5c: {  	_ =	shalt  }
0x5d: {  	_ =	shalt  }
0x5e: {  	_ =	shalt  }
0x5f: {  	_ =	shalt  }
0x60: {  	_ =	shalt  }
0x61: {  	_ =	shalt  }
0x62: {  	_ =	shalt  }
0x63: {  	_ =	shalt  }
0x64: {  	_ =	shalt  }
0x65: {  	_ =	shalt  }
0x66: {  	_ =	shalt  }
0x67: {  	_ =	shalt  }
0x68: {  	_ =	shalt  }
0x69: {  	_ =	shalt  }
0x6a: {  	_ =	shalt  }
0x6b: {  	_ =	shalt  }
0x6c: {  	_ =	shalt  }
0x6d: {  	_ =	shalt  }
0x6e: {  	_ =	shalt  }
0x6f: {  	_ =	shalt  }
0x70: {  	_ =	shalt  }
0x71: {  	_ =	shalt  }
0x72: {  	_ =	shalt  }
0x73: {  	_ =	shalt  }
0x74: {  	_ =	shalt  }
0x75: {  	_ =	shalt  }
0x76: {  	_ =	shalt  }
0x77: {  	_ =	shalt  }
0x78: {  	_ =	shalt  }
0x79: {  	_ =	shalt  }
0x7a: {  	_ =	shalt  }
0x7b: {  	_ =	shalt  }
0x7c: {  	_ =	shalt  }
0x7d: {  	_ =	shalt  }
0x7e: {  	_ =	shalt  }
0x7f: {  	_ =	shalt  }
0x80: {  	_ =	shalt  }
0x81: {  	_ =	shalt  }
0x82: {  	_ =	shalt  }
0x83: {  	_ =	shalt  }
0x84: {  	_ =	shalt  }
0x85: {  	_ =	shalt  }
0x86: {  	_ =	shalt  }
0x87: {  	_ =	shalt  }
.Lfunc_end0:
.L_simem_size_0:
called_computation_lowered:
.L_overlay_start_0:
0x88: {  	s2 =	sld [smem:$0x3FD9]  }
0x89: {  	s3 =	sld [smem:$0x3FFE];
	_ =	sdelay $0x1  }
0x8a: {  	s1 =	srdreg.scid  }
0x8b: {  	s0 =	sand.u32 $0x1, s1  }
0x8c: {  	s17 =	sshll.u32 s0, $0xA;
	s2 =	sadd.s32 s3, s2  }
0x8d: {  	s2 =	sadd.s32 s2, s17  }
0x8e: {  	[smem:$0x3FB9] =	sst s2  }
0x8f: {  	_ = 	snop  }
0x90: {  	s2 =	sld [smem:$0x3FD0];
	(tm) =	ssettm $0x1  }
0x91: {  	s18 =	sld [smem:$0x3FFB];
	_ =	sdelay $0x3  }
0x92: {  	_ =	strace s18  }
0x93: {  	s3 =	sld [smem:$0x3FFC];
	_ =	sdelay $0x3  }
0x94: {  	_ =	strace s3  }
0x95: {  	s3 =	sld [smem:$0x3FFD];
	_ =	sdelay $0x3  }
0x96: {  	_ =	strace s3  }
0x97: {  	_ =	strace $0x8FFFFFFF  }
0x98: {  	s19 =	sld [smem:$0x3FDB];
	_ =	sdelay $0x1  }
0x99: {  	s4 =	simm.s32 $_scs_section_size  }
0x9a: {  	s5 =	simm.s32 $_size__tile_overlayer_lowered;
	s6 =	simm.s32 $_tile_overlayer_lowered  }
0x9b: {  	s22 =	simm.s32 $0x1BFF;
	s21 =	sshll.u32 s6, $0x1;
	s3 =	sadd.s32 s4, s19  }
0x9c: {  	s7 =	simm.s32 $0x0;
	s20 =	sshll.u32 s5, $0x1;
	s5 =	sadd.s32 s21, s3  }
0x9d: {  	[timem:s7], [sflag:s22] =	dma.local [hbm:s5], s20  }
0x9e: {  	_ =	swait.ge [sflag:s22], s20  }
0x9f: {  	s4 =	ssub.s32 $0x0, s20;
	[sflag:s22] =	ssyncset.done $0x0  }
0xa0: {  	[sflag:s22] =	ssyncadd.s32 s4;
	_ =	sdelay $0x1  }
0xa1: {  	s23 =	simm.s32 $0x1B8B  }
0xa2: {  	_ =	swait.ge [sflag:s23], $0x1  }
0xa3: {  	[sflag:s23] =	ssyncset.done $0x0  }
0xa4: {  	s25 =	simm.s32 $0x1B8E;
	s24 =	sld [smem:$0x3FFE];
	[sflag:s23] =	ssyncadd.s32 $0xFFFFFFFF  }
0xa5: {  	s26 =	simm.s32 $execute0_lowered;
	[smem:$0x3FD2] =	sst s25  }
0xa6: {  	s5 =	sshll.u32 s26, $0x1;
	_ =	strace $0x80000046;
	[dreg:$0x1] =	wrdreg $0xFFFFFFFF  }
0xa7: {  	s28 =	simm.s32 $_size_execute0_lowered;
	s3 =	sadd.s32 s3, s5;
	[dreg:$0x0] =	wrdreg $0x0  }
0xa8: {  	s5 =	sshll.u32 s28, $0x1;
	[dreg:$0x2] =	wrdreg s3  }
0xa9: {  	[dreg:$0x3] =	wrdreg s5  }
0xaa: {  	[dreg:$0x4] =	wrdreg $0xC0  }
0xab: {  	_ =	task [dreg:s7], $0x5FFFF  }
0xac: {  	[dreg:$0x1] =	wrdreg $0xFFFFFFFF  }
0xad: {  	[dreg:$0x0] =	wrdreg $0x60  }
0xae: {  	[dreg:$0x2] =	wrdreg s24  }
0xaf: {  	[dreg:$0x3] =	wrdreg s2  }
0xb0: {  	[dreg:$0x4] =	wrdreg $0x0  }
0xb1: {  	[dreg:$0x5] =	wrdreg $0x9  }
0xb2: {  	_ =	task.clear_ibuf [dreg:s7], $0x6FFFF;
	_ =	strace $0x90000046  }
0xb3: {  	s29 =	simm.s32 $0x9;
	_ =	strace $0x80000048  }
0xb4: {  	_ =	swait.ge [sflag:s29], $0x1  }
0xb5: {  	[sflag:s29] =	ssyncadd.s32 $0xFFFFFFFF  }
0xb6: {  	_ =	strace $0x90000048  }
0xb7: {  	_ =	sfence  }
0xb8: {  	s30 =	sld [smem:$0x0];
	_ =	sdelay $0x2  }
0xb9: {  	s31 =	sshll.u32 s1, $0xD;
	s1 =	sshrl.u32 s1, $0x2  }
0xba: {  	s3 =	sand.u32 $0x4000, s31;
	s1 =	sadd.s32 s1, s30  }
0xbb: {  	s0 =	sor.u32 s3, s0;
	s1 =	sshll.u32 s1, $0x11  }
0xbc: {  	s0 =	sor.u32 s1, s0  }
0xbd: {  	s0 =	sadd.s32 $0x8F2B, s0  }
0xbe: {  	[sflag:s0] =	ssyncadd.remote.s32 $0x1  }
0xbf: {  	_ =	sfence.sel $0xFFFF  }
0xc0: {  	[dreg:$0x0] =	wrdreg $0xFFFFFFFF;
	(pc) =	sbr.abs _section_cstart, $3  }
0xc1: {  	[dreg:$0x1] =	wrdreg $0xFFFFFFFF  }
0xc2: {  	_ =	task.clear_ibuf [dreg:s7], $0x2FFFF;
	_ =	strace $0x9FFFFFFF  }
0xc3: {  	(tm) =	ssettm $0x7FFFFFFF  }
tec
execute0_lowered:
.L_overlay_start_1:
0x0: {  	(tag) =	ssettag $0x1  }
0x1: {  	s0 =	srdreg.scid;
	s3 =	rddreg [dreg:$0x0]  }
0x2: {  	s16 =	stileid.u32;
	s6 =	rddreg [dreg:$0x1];
	s1 =	simm.s32 $0x0  }
0x3: {  	s28 =	simm.s32 $0x0;
	s0 =	sand.u32 $0x1, s0;
	s5 =	smul.u32 $0x14000, s16  }
0x4: {  	s8 =	sadd.s32 $0x35A00, s3;
	s9 =	smul.u32 $0x5000, s16;
	s26 =	sadd.s32 $0x2BA00, s3  }
0x5: {  	[smem:$0x7FF] =	sst s1;
	s30 =	smul.u32 $0xA00, s16;
	s4 =	ssub.s32 $0x2, s0  }
0x6: {  	s2 =	smul.u32 $0x140000, s0;
	p0 =	seq.s32 s0, $0x1;
	s7 =	sshrl.u32 s4, $0x1  }
0x7: {  	s12 =	sadd.s32 $0x6000, s5;
	s19 =	sadd.s32 $0xC000, s5;
	s22 =	sadd.s32 $0xE000, s5  }
0x8: {  	s29 =	sshrl.u32 s9, $0x3;
	s4 =	ssub.s32 s4, s7;
	s13 =	sadd.s32 s2, s5  }
0x9: {  	s7 =	sadd.s32 $0x4000, s5;
	s23 =	sadd.s32 s2, s22;
	s14 =	sshrl.u32 s13, $0x3  }
0xa: {  	s11 =	sadd.s32 s2, s7;
	s13 =	sadd.s32 s2, s12;
	s0 =	sadd.s32 s8, s14  }
0xb: {  	s11 =	sshrl.u32 s11, $0x3;
	s17 =	sshrl.u32 s13, $0x3;
	[dreg:$0x4] =	wrdreg s0  }
0xc: {  	s0 =	sor.u32 $0x2000, s5;
	s15 =	sadd.s32 s8, s11;
	s11 =	sadd.s32 $0xA000, s5  }
0xd: {  	s10 =	sadd.s32 s2, s0;
	[dreg:$0x6] =	wrdreg s15;
	s14 =	sadd.s32 s2, s11  }
0xe: {  	s15 =	sadd.s32 s2, s19;
	s10 =	sshrl.u32 s10, $0x3;
	s14 =	sshrl.u32 s14, $0x3  }
0xf: {  	s21 =	sshrl.u32 s15, $0x3;
	s10 =	sadd.s32 s8, s10;
	s20 =	sadd.s32 s8, s14  }
0x10: {  	s14 =	sshrl.u32 s23, $0x3;
	[dreg:$0x5] =	wrdreg s10;
	s10 =	sadd.s32 s8, s17  }
0x11: {  	[dreg:$0x9] =	wrdreg s20;
	s20 =	sadd.s32 $0x10000, s5;
	s14 =	sadd.s32 s8, s14  }
0x12: {  	s17 =	sadd.s32 $0x3A00, s3;
	s3 =	smax.u32 s4, $0x1;
	[dreg:$0x7] =	wrdreg s10  }
0x13: {  	s10 =	sadd.s32 $0x8000, s5;
	s24 =	sadd.s32 s2, s20;
	[dreg:$0xb] =	wrdreg s14  }
0x14: {  	s5 =	sadd.s32 $0x12000, s5;
	s14 =	rddreg [dreg:$0x2];
	s18 =	sadd.s32 s2, s10  }
0x15: {  	s15 =	sshrl.u32 s24, $0x3;
	s2 =	sadd.s32 s2, s5;
	s0 =	sadd.s32 s0, s14  }
0x16: {  	s7 =	sadd.s32 s7, s14;
	s9 =	sadd.s32 s10, s14;
	s10 =	sadd.s32 s11, s14  }
0x17: {  	s11 =	sadd.s32 s19, s14;
	s5 =	sadd.s32 s5, s14;
	s13 =	sshrl.u32 s18, $0x3  }
0x18: {  	s25 =	sadd.s32 s8, s15;
	s2 =	sshrl.u32 s2, $0x3;
	s18 =	smul.u32 $0x50000, s16  }
0x19: {  	s15 =	sadd.s32 s30, s6;
	s13 =	sadd.s32 s8, s13;
	[dreg:$0xc] =	wrdreg s25  }
0x1a: {  	s16 =	sadd.s32 s30, s26;
	s2 =	sadd.s32 s8, s2;
	[dreg:$0x8] =	wrdreg s13  }
0x1b: {  	s0 =	sshrl.u32 s0, $0x3;
	s13 =	sadd.s32 s8, s21;
	[dreg:$0xd] =	wrdreg s2  }
0x1c: {  	s19 =	sshrl.u32 s7, $0x3;
	s8 =	sadd.s32 s6, s29;
	[dreg:$0xa] =	wrdreg s13  }
0x1d: {  	s4 =	sadd.s32 $0x9E0, s8;
	_ =	strace $0x80000047;
	[dreg:$0xf] =	wrdreg s3  }
0x1e: {  	s23 =	sshrl.u32 s10, $0x3;
	s6 =	sadd.s32 $0x9F0, s8;
	[dreg:$0x10] =	wrdreg s4  }
0x1f: {  	s24 =	sshrl.u32 s11, $0x3;
	s7 =	simm.s32 $0x5;
	[dreg:$0x11] =	wrdreg s6  }
0x20: {  	s10 =	simm.s32 $0x80;
	s8 =	sadd.s32 s12, s14;
	[dreg:$0x12] =	wrdreg s0  }
0x21: {  	s12 =	sadd.s32 s22, s14;
	s22 =	sshrl.u32 s9, $0x3;
	[dreg:$0x13] =	wrdreg s19  }
0x22: {  	s11 =	simm.s32 $0x18000;
	s21 =	sadd.s32 s26, s29;
	[dreg:$0x15] =	wrdreg s22  }
0x23: {  	s31 =	sshrl.u32 s18, $0x2;
	s29 =	sshrl.u32 s5, $0x3;
	[dreg:$0x16] =	wrdreg s23  }
0x24: {  	s18 =	sadd.s32 s31, s14;
	s13 =	sadd.s32 s20, s14;
	[dreg:$0x17] =	wrdreg s24  }
0x25: {  	s30 =	sadd.s32 $0x10, s21;
	s9 =	simm.s32 $0x1C180;
	[dreg:$0x1a] =	wrdreg s29  }
0x26: {  	s20 =	sshrl.u32 s8, $0x3;
	s25 =	sshrl.u32 s12, $0x3;
	[dreg:$0xe] =	wrdreg s21  }
0x27: {  	s26 =	sshrl.u32 s13, $0x3;
	[dreg:$0x1b] =	wrdreg s30;
	s31 =	sadd.s32 $0x2000, s18  }
0x28: {  	s21 =	sadd.s32 $0x6000, s18;
	s12 =	sadd.s32 $0x8000, s18;
	s13 =	sadd.s32 $0xA000, s18  }
0x29: {  	s2 =	sadd.s32 $0xC000, s18;
	s3 =	sadd.s32 $0xE000, s18;
	s4 =	sadd.s32 $0x10000, s18  }
.Ltmp0:
0x2a: {  	s5 =	sadd.s32 $0x12000, s18;
	[dreg:$0x14] =	wrdreg s20;
	(pc) =	sbr.rel .LBB2_1-.Ltmp0, $4  }
0x2b: {  	s6 =	simm.s32 $0x14000;
	s8 =	simm.s32 $0x1C100;
	[dreg:$0x18] =	wrdreg s25  }
0x2c: {  	s19 =	simm.s32 $0x3;
	s22 =	simm.s32 $0x4;
	[dreg:$0x19] =	wrdreg s26  }
0x2d: {  	s23 =	simm.s32 $0x1C000;
	s24 =	simm.s32 $0x1C080;
	[dreg:$0x1c] =	wrdreg s31  }
0x2e: {  	v0 =	vimm.f32 $0.0e+00;
	v1 =	vimm.f32 $1.000000000e+00;
	s20 =	sadd.s32 $0x4000, s18;
	s25 =	simm.s32 $0x1;
	s26 =	simm.s32 $0x2  }
.LBB2_6:
0x2f: {  	[tilespmem:s11], [sflag:$0x2] =	stream.indirect.gather [hbm4b:s17+s10], $0x80, s24, s10, $0xb8;
	[tilespmem:$0x1C200] =	vst v63  }
0x30: {  	s0 =	rddreg [dreg:$0x10]  }
0x31: {  	[tilespmem:s8], [sflag:$0x5] =	stream.linear.gather [hbm4b:s0+s1], $0x80, $0x38;
	[tilespmem:$0x1C200] =	vst v63  }
0x32: {  	_ =	swait.ge [sflag:s7], $0x80  }
0x33: {  	[sflag:s7] =	ssyncset.done $0x0  }
0x34: {  	s31 =	rddreg [dreg:$0x11];
	[sflag:s7] =	ssyncadd.s32 $0xFFFFFF80  }
0x35: {  	[tilespmem:s9], [sflag:$0x5] =	stream.linear.gather [hbm4b:s31+s1], $0x80, $0x38;
	[tilespmem:$0x1C200] =	vst v63  }
0x36: {  	_ =	swait.ge [sflag:s7], $0x80  }
0x37: {  	[sflag:s7] =	ssyncset.done $0x0  }
0x38: {  	[sflag:s7] =	ssyncadd.s32 $0xFFFFFF80  }
0x39: {  	_ =	swait.ge [sflag:s25], $0x4000  }
0x3a: {  	[sflag:s25] =	ssyncset.done $0x0  }
0x3b: {  	[sflag:s25] =	ssyncadd.s32 $0xFFFFC000  }
0x3c: {  	[spmem:s14] =	stream.indirect.scatter.add.f32 [tilespmem:s6], [sflag:$0x3], $0x80, s8, s10, $0xb8;
	[tilespmem:$0x1C200] =	vst v63  }
0x3d: {  	_ =	swait.ge [sflag:s26], $0x4000  }
0x3e: {  	[sflag:s26] =	ssyncset.done $0x0  }
0x3f: {  	[sflag:s26] =	ssyncadd.s32 $0xFFFFC000  }
0x40: {  	[spmem:s14] =	stream.indirect.scatter.add.f32 [tilespmem:s11], [sflag:$0x4], $0x80, s9, s10, $0xb8;
	[tilespmem:$0x1C200] =	vst v63  }
0x41: {  	_ =	swait.ge [sflag:s19], $0x4000  }
0x42: {  	[sflag:s19] =	ssyncset.done $0x0  }
0x43: {  	[sflag:s19] =	ssyncadd.s32 $0xFFFFC000  }
0x44: {  	_ =	swait.ge [sflag:s22], $0x4000  }
0x45: {  	[sflag:s22] =	ssyncset.done $0x0  }
0x46: {  	[sflag:s22] =	ssyncadd.s32 $0xFFFFC000  }
.LBB2_12:
0x47: {  	s0 =	stileid.u32  }
0x48: {  	[bflag:$0x0] =	sbarrier.arrive $0xFFFF;
	s0 =	sshll.u32 s0, $0x6  }
0x49: {  	s29 =	sshrl.u32 s18, $0x3;
	s30 =	rddreg [dreg:$0x4];
	s0 =	sor.u32 $0x1C05, s0  }
0x4a: {  	[hbm:s30], [sflag:s0] =	dma.local [spmem:s29], $0x400  }
0x4b: {  	_ =	swait.ge [sflag:s7], $0x400  }
0x4c: {  	[sflag:s7] =	ssyncset.done $0x0;
	s29 =	rddreg [dreg:$0x5]  }
0x4d: {  	s31 =	rddreg [dreg:$0x12];
	[sflag:s7] =	ssyncadd.s32 $0xFFFFFC00  }
0x4e: {  	[hbm:s29], [sflag:s0] =	dma.local [spmem:s31], $0x400  }
0x4f: {  	_ =	swait.ge [sflag:s7], $0x400  }
0x50: {  	[sflag:s7] =	ssyncset.done $0x0;
	s29 =	rddreg [dreg:$0x6]  }
0x51: {  	s31 =	rddreg [dreg:$0x13];
	[sflag:s7] =	ssyncadd.s32 $0xFFFFFC00  }
0x52: {  	[hbm:s29], [sflag:s0] =	dma.local [spmem:s31], $0x400  }
0x53: {  	_ =	swait.ge [sflag:s7], $0x400  }
0x54: {  	[sflag:s7] =	ssyncset.done $0x0;
	s29 =	rddreg [dreg:$0x7]  }
0x55: {  	s31 =	rddreg [dreg:$0x14];
	[sflag:s7] =	ssyncadd.s32 $0xFFFFFC00  }
0x56: {  	[hbm:s29], [sflag:s0] =	dma.local [spmem:s31], $0x400  }
0x57: {  	_ =	swait.ge [sflag:s7], $0x400  }
0x58: {  	[sflag:s7] =	ssyncset.done $0x0;
	s29 =	rddreg [dreg:$0x8]  }
0x59: {  	s31 =	rddreg [dreg:$0x15];
	[sflag:s7] =	ssyncadd.s32 $0xFFFFFC00  }
0x5a: {  	[hbm:s29], [sflag:s0] =	dma.local [spmem:s31], $0x400  }
0x5b: {  	_ =	swait.ge [sflag:s7], $0x400  }
0x5c: {  	[sflag:s7] =	ssyncset.done $0x0;
	s29 =	rddreg [dreg:$0x9]  }
0x5d: {  	s31 =	rddreg [dreg:$0x16];
	[sflag:s7] =	ssyncadd.s32 $0xFFFFFC00  }
0x5e: {  	[hbm:s29], [sflag:s0] =	dma.local [spmem:s31], $0x400  }
0x5f: {  	_ =	swait.ge [sflag:s7], $0x400  }
0x60: {  	[sflag:s7] =	ssyncset.done $0x0;
	s29 =	rddreg [dreg:$0xa]  }
0x61: {  	s31 =	rddreg [dreg:$0x17];
	[sflag:s7] =	ssyncadd.s32 $0xFFFFFC00  }
0x62: {  	[hbm:s29], [sflag:s0] =	dma.local [spmem:s31], $0x400  }
0x63: {  	_ =	swait.ge [sflag:s7], $0x400  }
0x64: {  	[sflag:s7] =	ssyncset.done $0x0;
	s29 =	rddreg [dreg:$0xb]  }
0x65: {  	s31 =	rddreg [dreg:$0x18];
	[sflag:s7] =	ssyncadd.s32 $0xFFFFFC00  }
0x66: {  	[hbm:s29], [sflag:s0] =	dma.local [spmem:s31], $0x400  }
0x67: {  	_ =	swait.ge [sflag:s7], $0x400  }
0x68: {  	[sflag:s7] =	ssyncset.done $0x0;
	s29 =	rddreg [dreg:$0xc]  }
0x69: {  	s31 =	rddreg [dreg:$0x19];
	[sflag:s7] =	ssyncadd.s32 $0xFFFFFC00  }
0x6a: {  	[hbm:s29], [sflag:s0] =	dma.local [spmem:s31], $0x400  }
0x6b: {  	_ =	swait.ge [sflag:s7], $0x400  }
0x6c: {  	[sflag:s7] =	ssyncset.done $0x0;
	s29 =	rddreg [dreg:$0xd]  }
0x6d: {  	s31 =	rddreg [dreg:$0x1a];
	[sflag:s7] =	ssyncadd.s32 $0xFFFFFC00  }
0x6e: {  	[hbm:s29], [sflag:s0] =	dma.local [spmem:s31], $0x400  }
0x6f: {  	_ =	swait.ge [sflag:s7], $0x400  }
0x70: {  	s28 =	sadd.s32 $0x1, s28;
	s31 =	rddreg [dreg:$0xf]  }
0x71: {  	p1 =	sne.s32 s28, s31  }
.Ltmp1:
0x72: {  	_ = 	snop;
	(pc) =	sbr.rel @!p1 .LBB2_13-.Ltmp1, $3  }
0x73: {  	_ =	sdelay $0x1  }
0x74: {  	[sflag:s7] =	ssyncset.done $0x0  }
0x75: {  	[sflag:s7] =	ssyncadd.s32 $0xFFFFFC00  }
.LBB2_1:
0x76: {  	s29 =	simm.s32 $0x0;
	s30 =	simm.s32 $0x200  }
.LBB2_2:
0x77: {  	p1 =	sne.s32 s30, $0xFE00;
	[tilespmem:s29+$0x14070] =	vst v0  }
0x78: {  	[tilespmem:s29+$0x14000] =	vst v0  }
0x79: {  	[tilespmem:s29+$0x14010] =	vst v0  }
.Ltmp2:
0x7a: {  	[tilespmem:s29+$0x14020] =	vst v0;
	(pc) =	sbr.rel @p1 .LBB2_2-.Ltmp2, $4  }
0x7b: {  	[tilespmem:s29+$0x14030] =	vst v0  }
0x7c: {  	[tilespmem:s29+$0x14040] =	vst v0  }
0x7d: {  	[tilespmem:s29+$0x14050] =	vst v0  }
0x7e: {  	[tilespmem:s29+$0x14060] =	vst v0;
	s29 =	sshra.s32 s30, $0x2;
	s30 =	sadd.s32 $0x200, s30  }
0x7f: {  	[tilespmem:s29+$0x14070] =	vst v0  }
0x80: {  	[tilespmem:s29+$0x14000] =	vst v0  }
0x81: {  	[tilespmem:s29+$0x14010] =	vst v0  }
0x82: {  	[tilespmem:s29+$0x14020] =	vst v0  }
0x83: {  	[tilespmem:s29+$0x14030] =	vst v0  }
0x84: {  	[tilespmem:s29+$0x14040] =	vst v0  }
0x85: {  	[tilespmem:s29+$0x14050] =	vst v0  }
0x86: {  	[tilespmem:s29+$0x14060] =	vst v0  }
0x87: {  	[spmem:s18] =	stream.linear.scatter [tilespmem:s6], [sflag:$0x5], $0x2000, $0x38;
	[tilespmem:$0x1C200] =	vst v63  }
0x88: {  	_ =	swait.ge [sflag:s7], $0x2000  }
0x89: {  	[sflag:s7] =	ssyncset.done $0x0  }
0x8a: {  	s0 =	rddreg [dreg:$0x1c];
	[sflag:s7] =	ssyncadd.s32 $0xFFFFE000  }
0x8b: {  	[spmem:s0] =	stream.linear.scatter [tilespmem:s6], [sflag:$0x5], $0x2000, $0x38;
	[tilespmem:$0x1C200] =	vst v63  }
0x8c: {  	_ =	swait.ge [sflag:s7], $0x2000  }
0x8d: {  	[sflag:s7] =	ssyncset.done $0x0  }
0x8e: {  	[sflag:s7] =	ssyncadd.s32 $0xFFFFE000  }
0x8f: {  	[spmem:s20] =	stream.linear.scatter [tilespmem:s6], [sflag:$0x5], $0x2000, $0x38;
	[tilespmem:$0x1C200] =	vst v63  }
0x90: {  	_ =	swait.ge [sflag:s7], $0x2000  }
0x91: {  	[sflag:s7] =	ssyncset.done $0x0  }
0x92: {  	[sflag:s7] =	ssyncadd.s32 $0xFFFFE000  }
0x93: {  	[spmem:s21] =	stream.linear.scatter [tilespmem:s6], [sflag:$0x5], $0x2000, $0x38;
	[tilespmem:$0x1C200] =	vst v63  }
0x94: {  	_ =	swait.ge [sflag:s7], $0x2000  }
0x95: {  	[sflag:s7] =	ssyncset.done $0x0  }
0x96: {  	[sflag:s7] =	ssyncadd.s32 $0xFFFFE000  }
0x97: {  	[spmem:s12] =	stream.linear.scatter [tilespmem:s6], [sflag:$0x5], $0x2000, $0x38;
	[tilespmem:$0x1C200] =	vst v63  }
0x98: {  	_ =	swait.ge [sflag:s7], $0x2000  }
0x99: {  	[sflag:s7] =	ssyncset.done $0x0  }
0x9a: {  	[sflag:s7] =	ssyncadd.s32 $0xFFFFE000  }
0x9b: {  	[spmem:s13] =	stream.linear.scatter [tilespmem:s6], [sflag:$0x5], $0x2000, $0x38;
	[tilespmem:$0x1C200] =	vst v63  }
0x9c: {  	_ =	swait.ge [sflag:s7], $0x2000  }
0x9d: {  	[sflag:s7] =	ssyncset.done $0x0  }
0x9e: {  	[sflag:s7] =	ssyncadd.s32 $0xFFFFE000  }
0x9f: {  	[spmem:s2] =	stream.linear.scatter [tilespmem:s6], [sflag:$0x5], $0x2000, $0x38;
	[tilespmem:$0x1C200] =	vst v63  }
0xa0: {  	_ =	swait.ge [sflag:s7], $0x2000  }
0xa1: {  	[sflag:s7] =	ssyncset.done $0x0  }
0xa2: {  	[sflag:s7] =	ssyncadd.s32 $0xFFFFE000  }
0xa3: {  	[spmem:s3] =	stream.linear.scatter [tilespmem:s6], [sflag:$0x5], $0x2000, $0x38;
	[tilespmem:$0x1C200] =	vst v63  }
0xa4: {  	_ =	swait.ge [sflag:s7], $0x2000  }
0xa5: {  	[sflag:s7] =	ssyncset.done $0x0  }
0xa6: {  	[sflag:s7] =	ssyncadd.s32 $0xFFFFE000  }
0xa7: {  	[spmem:s4] =	stream.linear.scatter [tilespmem:s6], [sflag:$0x5], $0x2000, $0x38;
	[tilespmem:$0x1C200] =	vst v63  }
0xa8: {  	_ =	swait.ge [sflag:s7], $0x2000  }
0xa9: {  	[sflag:s7] =	ssyncset.done $0x0  }
0xaa: {  	[sflag:s7] =	ssyncadd.s32 $0xFFFFE000  }
0xab: {  	[spmem:s5] =	stream.linear.scatter [tilespmem:s6], [sflag:$0x5], $0x2000, $0x38;
	[tilespmem:$0x1C200] =	vst v63  }
.Ltmp3:
0xac: {  	_ =	swait.ge [sflag:s7], $0x2000;
	(pc) =	sbr.rel @!p0 .LBB2_4-.Ltmp3, $4  }
0xad: {  	[sflag:s7] =	ssyncset.done $0x0  }
0xae: {  	[sflag:s7] =	ssyncadd.s32 $0xFFFFE000  }
0xaf: {  	[bflag:$0x0] =	sbarrier.arrive $0xFFFF  }
0xb0: {  	s30 =	simm.s32 $0x0  }
0xb1: {  	s29 =	sshra.s32 s30, $0x2;
	s30 =	sadd.s32 $0x200, s30  }
.LBB2_8:
0xb2: {  	p1 =	sne.s32 s30, $0xFE00;
	[tilespmem:s29+$0x18070] =	vst v1  }
0xb3: {  	[tilespmem:s29+$0x14000] =	vst v1  }
0xb4: {  	[tilespmem:s29+$0x18000] =	vst v1  }
0xb5: {  	[tilespmem:s29+$0x14010] =	vst v1  }
0xb6: {  	[tilespmem:s29+$0x18010] =	vst v1  }
0xb7: {  	[tilespmem:s29+$0x14020] =	vst v1  }
0xb8: {  	[tilespmem:s29+$0x18020] =	vst v1  }
0xb9: {  	[tilespmem:s29+$0x14030] =	vst v1  }
0xba: {  	[tilespmem:s29+$0x18030] =	vst v1  }
0xbb: {  	[tilespmem:s29+$0x14040] =	vst v1  }
0xbc: {  	[tilespmem:s29+$0x18040] =	vst v1  }
.Ltmp4:
0xbd: {  	[tilespmem:s29+$0x14050] =	vst v1;
	(pc) =	sbr.rel @p1 .LBB2_8-.Ltmp4, $4  }
0xbe: {  	[tilespmem:s29+$0x18050] =	vst v1  }
0xbf: {  	[tilespmem:s29+$0x14060] =	vst v1  }
0xc0: {  	[tilespmem:s29+$0x18060] =	vst v1  }
0xc1: {  	[tilespmem:s29+$0x14070] =	vst v1;
	s29 =	sshra.s32 s30, $0x2;
	s30 =	sadd.s32 $0x200, s30  }
0xc2: {  	[tilespmem:s29+$0x18070] =	vst v1  }
0xc3: {  	[tilespmem:s29+$0x14000] =	vst v1  }
0xc4: {  	[tilespmem:s29+$0x18000] =	vst v1  }
0xc5: {  	[tilespmem:s29+$0x14010] =	vst v1  }
0xc6: {  	[tilespmem:s29+$0x18010] =	vst v1  }
0xc7: {  	[tilespmem:s29+$0x14020] =	vst v1  }
0xc8: {  	[tilespmem:s29+$0x18020] =	vst v1  }
0xc9: {  	[tilespmem:s29+$0x14030] =	vst v1  }
0xca: {  	[tilespmem:s29+$0x18030] =	vst v1  }
0xcb: {  	[tilespmem:s29+$0x14040] =	vst v1  }
0xcc: {  	[tilespmem:s29+$0x18040] =	vst v1  }
0xcd: {  	[tilespmem:s29+$0x14050] =	vst v1  }
0xce: {  	[tilespmem:s29+$0x18050] =	vst v1  }
0xcf: {  	[tilespmem:s29+$0x14060] =	vst v1  }
0xd0: {  	[tilespmem:s29+$0x18060] =	vst v1  }
0xd1: {  	[tilespmem:s29+$0x14070] =	vst v1;
	s29 =	sadd.s32 $0x0, s15  }
0xd2: {  	[tilespmem:s8], [sflag:$0x5] =	stream.linear.gather [hbm4b:s29+s1], $0x80, $0x38;
	[tilespmem:$0x1C200] =	vst v63  }
0xd3: {  	_ =	swait.ge [sflag:s7], $0x80  }
0xd4: {  	[sflag:s7] =	ssyncset.done $0x0  }
0xd5: {  	s29 =	sadd.s32 $0x10, s29;
	[sflag:s7] =	ssyncadd.s32 $0xFFFFFF80  }
0xd6: {  	[tilespmem:s9], [sflag:$0x5] =	stream.linear.gather [hbm4b:s29+s1], $0x80, $0x38;
	[tilespmem:$0x1C200] =	vst v63  }
0xd7: {  	_ =	swait.ge [sflag:s7], $0x80  }
0xd8: {  	[sflag:s7] =	ssyncset.done $0x0  }
0xd9: {  	[sflag:s7] =	ssyncadd.s32 $0xFFFFFF80  }
0xda: {  	[spmem:s14] =	stream.indirect.scatter.add.f32 [tilespmem:s6], [sflag:$0x3], $0x80, s8, s10, $0xb8;
	[tilespmem:$0x1C200] =	vst v63  }
0xdb: {  	_ = 	snop  }
0xdc: {  	[spmem:s14] =	stream.indirect.scatter.add.f32 [tilespmem:s11], [sflag:$0x4], $0x80, s9, s10, $0xb8;
	[tilespmem:$0x1C200] =	vst v63  }
0xdd: {  	_ =	swait.ge [sflag:s19], $0x4000  }
0xde: {  	[sflag:s19] =	ssyncset.done $0x0  }
0xdf: {  	[sflag:s19] =	ssyncadd.s32 $0xFFFFC000  }
0xe0: {  	_ =	swait.ge [sflag:s22], $0x4000  }
0xe1: {  	s30 =	simm.s32 $0x40;
	s29 =	simm.s32 $0x20;
	[sflag:s22] =	ssyncset.done $0x0  }
.LBB2_10:
0xe2: {  	s31 =	sadd.s32 s29, s15  }
0xe3: {  	[sflag:s22] =	ssyncadd.s32 $0xFFFFC000;
	s29 =	smov.u32 s30;
	s0 =	sadd.s32 $0x20, s30  }
0xe4: {  	[tilespmem:s8], [sflag:$0x5] =	stream.linear.gather [hbm4b:s31+s1], $0x80, $0x38;
	[tilespmem:$0x1C200] =	vst v63  }
0xe5: {  	p1 =	seq.s32 s30, $0x9E0;
	_ =	swait.ge [sflag:s7], $0x80  }
0xe6: {  	[sflag:s7] =	ssyncset.done $0x0  }
0xe7: {  	s30 =	sadd.s32 $0x10, s31;
	[sflag:s7] =	ssyncadd.s32 $0xFFFFFF80  }
0xe8: {  	[tilespmem:s9], [sflag:$0x5] =	stream.linear.gather [hbm4b:s30+s1], $0x80, $0x38;
	[tilespmem:$0x1C200] =	vst v63  }
0xe9: {  	_ =	swait.ge [sflag:s7], $0x80  }
0xea: {  	[sflag:s7] =	ssyncset.done $0x0  }
0xeb: {  	[sflag:s7] =	ssyncadd.s32 $0xFFFFFF80  }
0xec: {  	[spmem:s14] =	stream.indirect.scatter.add.f32 [tilespmem:s6], [sflag:$0x3], $0x80, s8, s10, $0xb8;
	[tilespmem:$0x1C200] =	vst v63  }
0xed: {  	_ = 	snop  }
0xee: {  	[spmem:s14] =	stream.indirect.scatter.add.f32 [tilespmem:s11], [sflag:$0x4], $0x80, s9, s10, $0xb8;
	[tilespmem:$0x1C200] =	vst v63  }
.Ltmp5:
0xef: {  	_ =	swait.ge [sflag:s19], $0x4000;
	(pc) =	sbr.rel @!p1 .LBB2_10-.Ltmp5, $4  }
0xf0: {  	[sflag:s19] =	ssyncset.done $0x0  }
0xf1: {  	[sflag:s19] =	ssyncadd.s32 $0xFFFFC000  }
0xf2: {  	_ =	swait.ge [sflag:s22], $0x4000  }
0xf3: {  	s30 =	smov.u32 s0;
	[sflag:s22] =	ssyncset.done $0x0  }
0xf4: {  	s0 =	sadd.s32 s29, s15;
	[sflag:s22] =	ssyncadd.s32 $0xFFFFC000  }
0xf5: {  	[tilespmem:s8], [sflag:$0x5] =	stream.linear.gather [hbm4b:s0+s1], $0x80, $0x38;
	[tilespmem:$0x1C200] =	vst v63  }
0xf6: {  	_ =	swait.ge [sflag:s7], $0x80  }
0xf7: {  	[sflag:s7] =	ssyncset.done $0x0  }
0xf8: {  	s0 =	sadd.s32 $0x10, s0;
	[sflag:s7] =	ssyncadd.s32 $0xFFFFFF80  }
0xf9: {  	[tilespmem:s9], [sflag:$0x5] =	stream.linear.gather [hbm4b:s0+s1], $0x80, $0x38;
	[tilespmem:$0x1C200] =	vst v63  }
0xfa: {  	_ =	swait.ge [sflag:s7], $0x80  }
0xfb: {  	[sflag:s7] =	ssyncset.done $0x0  }
0xfc: {  	[sflag:s7] =	ssyncadd.s32 $0xFFFFFF80  }
0xfd: {  	[spmem:s14] =	stream.indirect.scatter.add.f32 [tilespmem:s6], [sflag:$0x3], $0x80, s8, s10, $0xb8;
	[tilespmem:$0x1C200] =	vst v63  }
0xfe: {  	_ = 	snop  }
0xff: {  	[spmem:s14] =	stream.indirect.scatter.add.f32 [tilespmem:s11], [sflag:$0x4], $0x80, s9, s10, $0xb8;
	[tilespmem:$0x1C200] =	vst v63  }
0x100: {  	_ =	swait.ge [sflag:s19], $0x4000  }
.Ltmp6:
0x101: {  	[sflag:s19] =	ssyncset.done $0x0;
	(pc) =	sbr.rel .LBB2_12-.Ltmp6, $4  }
0x102: {  	[sflag:s19] =	ssyncadd.s32 $0xFFFFC000  }
0x103: {  	_ =	swait.ge [sflag:s22], $0x4000  }
0x104: {  	[sflag:s22] =	ssyncset.done $0x0  }
0x105: {  	[sflag:s22] =	ssyncadd.s32 $0xFFFFC000  }
.LBB2_4:
0x106: {  	s29 =	simm.s32 $0x0;
	s0 =	rddreg [dreg:$0xe]  }
0x107: {  	[tilespmem:s23], [sflag:$0x5] =	stream.linear.gather [hbm4b:s0+s29], $0x80, $0x38;
	[tilespmem:$0x1C200] =	vst v63  }
0x108: {  	_ =	swait.ge [sflag:s7], $0x80  }
0x109: {  	[sflag:s7] =	ssyncset.done $0x0  }
0x10a: {  	[sflag:s7] =	ssyncadd.s32 $0xFFFFFF80  }
0x10b: {  	[tilespmem:s6], [sflag:$0x1] =	stream.indirect.gather [hbm4b:s17+s10], $0x80, s23, s10, $0xb8;
	[tilespmem:$0x1C200] =	vst v63  }
0x10c: {  	s31 =	rddreg [dreg:$0x1b]  }
0x10d: {  	[tilespmem:s24], [sflag:$0x5] =	stream.linear.gather [hbm4b:s31+s29], $0x80, $0x38;
	[tilespmem:$0x1C200] =	vst v63  }
0x10e: {  	_ =	swait.ge [sflag:s7], $0x80  }
0x10f: {  	[sflag:s7] =	ssyncset.done $0x0  }
0x110: {  	[sflag:s7] =	ssyncadd.s32 $0xFFFFFF80  }
0x111: {  	[tilespmem:s11], [sflag:$0x2] =	stream.indirect.gather [hbm4b:s17+s10], $0x80, s24, s10, $0xb8;
	[tilespmem:$0x1C200] =	vst v63  }
0x112: {  	s29 =	sadd.s32 $0x0, s15  }
0x113: {  	[tilespmem:s8], [sflag:$0x5] =	stream.linear.gather [hbm4b:s29+s1], $0x80, $0x38;
	[tilespmem:$0x1C200] =	vst v63  }
0x114: {  	_ =	swait.ge [sflag:s7], $0x80  }
0x115: {  	[sflag:s7] =	ssyncset.done $0x0  }
0x116: {  	s29 =	sadd.s32 $0x10, s29;
	[sflag:s7] =	ssyncadd.s32 $0xFFFFFF80  }
0x117: {  	[tilespmem:s9], [sflag:$0x5] =	stream.linear.gather [hbm4b:s29+s1], $0x80, $0x38;
	[tilespmem:$0x1C200] =	vst v63  }
0x118: {  	_ =	swait.ge [sflag:s7], $0x80  }
0x119: {  	[sflag:s7] =	ssyncset.done $0x0  }
0x11a: {  	[sflag:s7] =	ssyncadd.s32 $0xFFFFFF80  }
0x11b: {  	_ =	swait.ge [sflag:s25], $0x4000  }
0x11c: {  	[sflag:s25] =	ssyncset.done $0x0  }
0x11d: {  	[sflag:s25] =	ssyncadd.s32 $0xFFFFC000  }
0x11e: {  	[spmem:s14] =	stream.indirect.scatter.add.f32 [tilespmem:s6], [sflag:$0x3], $0x80, s8, s10, $0xb8;
	[tilespmem:$0x1C200] =	vst v63  }
0x11f: {  	_ =	swait.ge [sflag:s26], $0x4000  }
0x120: {  	[sflag:s26] =	ssyncset.done $0x0  }
0x121: {  	[sflag:s26] =	ssyncadd.s32 $0xFFFFC000  }
0x122: {  	[spmem:s14] =	stream.indirect.scatter.add.f32 [tilespmem:s11], [sflag:$0x4], $0x80, s9, s10, $0xb8;
	[tilespmem:$0x1C200] =	vst v63  }
0x123: {  	_ =	swait.ge [sflag:s19], $0x4000  }
0x124: {  	[sflag:s19] =	ssyncset.done $0x0  }
0x125: {  	[sflag:s19] =	ssyncadd.s32 $0xFFFFC000  }
0x126: {  	_ =	swait.ge [sflag:s22], $0x4000  }
0x127: {  	s29 =	sadd.s32 $0x0, s16;
	[sflag:s22] =	ssyncset.done $0x0  }
0x128: {  	s30 =	sadd.s32 $0x20, s29;
	[sflag:s22] =	ssyncadd.s32 $0xFFFFC000  }
0x129: {  	[tilespmem:s23], [sflag:$0x5] =	stream.linear.gather [hbm4b:s30+s1], $0x80, $0x38;
	[tilespmem:$0x1C200] =	vst v63  }
0x12a: {  	_ =	swait.ge [sflag:s7], $0x80  }
0x12b: {  	[sflag:s7] =	ssyncset.done $0x0  }
0x12c: {  	[sflag:s7] =	ssyncadd.s32 $0xFFFFFF80  }
0x12d: {  	[tilespmem:s6], [sflag:$0x1] =	stream.indirect.gather [hbm4b:s17+s10], $0x80, s23, s10, $0xb8;
	[tilespmem:$0x1C200] =	vst v63  }
0x12e: {  	s29 =	sadd.s32 $0x30, s29  }
0x12f: {  	[tilespmem:s24], [sflag:$0x5] =	stream.linear.gather [hbm4b:s29+s1], $0x80, $0x38;
	[tilespmem:$0x1C200] =	vst v63  }
0x130: {  	_ =	swait.ge [sflag:s7], $0x80  }
0x131: {  	[sflag:s7] =	ssyncset.done $0x0  }
0x132: {  	s29 =	simm.s32 $0x20;
	[sflag:s7] =	ssyncadd.s32 $0xFFFFFF80  }
.LBB2_5:
0x133: {  	[tilespmem:s11], [sflag:$0x2] =	stream.indirect.gather [hbm4b:s17+s10], $0x80, s24, s10, $0xb8;
	[tilespmem:$0x1C200] =	vst v63  }
0x134: {  	s30 =	smov.u32 s29  }
0x135: {  	p1 =	seq.s32 s29, $0x9C0;
	s29 =	sadd.s32 $0x20, s29;
	s31 =	sadd.s32 s30, s15  }
0x136: {  	[tilespmem:s8], [sflag:$0x5] =	stream.linear.gather [hbm4b:s31+s1], $0x80, $0x38;
	[tilespmem:$0x1C200] =	vst v63  }
0x137: {  	_ =	swait.ge [sflag:s7], $0x80  }
0x138: {  	[sflag:s7] =	ssyncset.done $0x0  }
0x139: {  	s31 =	sadd.s32 $0x10, s31;
	[sflag:s7] =	ssyncadd.s32 $0xFFFFFF80  }
0x13a: {  	[tilespmem:s9], [sflag:$0x5] =	stream.linear.gather [hbm4b:s31+s1], $0x80, $0x38;
	[tilespmem:$0x1C200] =	vst v63  }
0x13b: {  	_ =	swait.ge [sflag:s7], $0x80  }
0x13c: {  	[sflag:s7] =	ssyncset.done $0x0  }
0x13d: {  	[sflag:s7] =	ssyncadd.s32 $0xFFFFFF80  }
0x13e: {  	_ =	swait.ge [sflag:s25], $0x4000  }
0x13f: {  	[sflag:s25] =	ssyncset.done $0x0  }
0x140: {  	[sflag:s25] =	ssyncadd.s32 $0xFFFFC000  }
0x141: {  	[spmem:s14] =	stream.indirect.scatter.add.f32 [tilespmem:s6], [sflag:$0x3], $0x80, s8, s10, $0xb8;
	[tilespmem:$0x1C200] =	vst v63  }
0x142: {  	_ =	swait.ge [sflag:s26], $0x4000  }
0x143: {  	[sflag:s26] =	ssyncset.done $0x0  }
0x144: {  	[sflag:s26] =	ssyncadd.s32 $0xFFFFC000  }
0x145: {  	[spmem:s14] =	stream.indirect.scatter.add.f32 [tilespmem:s11], [sflag:$0x4], $0x80, s9, s10, $0xb8;
	[tilespmem:$0x1C200] =	vst v63  }
0x146: {  	_ =	swait.ge [sflag:s19], $0x4000  }
0x147: {  	[sflag:s19] =	ssyncset.done $0x0  }
0x148: {  	[sflag:s19] =	ssyncadd.s32 $0xFFFFC000  }
0x149: {  	_ =	swait.ge [sflag:s22], $0x4000  }
0x14a: {  	s30 =	sadd.s32 s30, s16;
	[sflag:s22] =	ssyncset.done $0x0  }
0x14b: {  	s31 =	sadd.s32 $0x20, s30;
	[sflag:s22] =	ssyncadd.s32 $0xFFFFC000  }
0x14c: {  	[tilespmem:s23], [sflag:$0x5] =	stream.linear.gather [hbm4b:s31+s1], $0x80, $0x38;
	[tilespmem:$0x1C200] =	vst v63  }
0x14d: {  	_ =	swait.ge [sflag:s7], $0x80  }
0x14e: {  	[sflag:s7] =	ssyncset.done $0x0  }
0x14f: {  	[sflag:s7] =	ssyncadd.s32 $0xFFFFFF80  }
0x150: {  	[tilespmem:s6], [sflag:$0x1] =	stream.indirect.gather [hbm4b:s17+s10], $0x80, s23, s10, $0xb8;
	[tilespmem:$0x1C200] =	vst v63  }
.Ltmp7:
0x151: {  	s30 =	sadd.s32 $0x30, s30;
	(pc) =	sbr.rel @!p1 .LBB2_5-.Ltmp7, $4  }
0x152: {  	[tilespmem:s24], [sflag:$0x5] =	stream.linear.gather [hbm4b:s30+s1], $0x80, $0x38;
	[tilespmem:$0x1C200] =	vst v63  }
0x153: {  	_ =	swait.ge [sflag:s7], $0x80  }
0x154: {  	[sflag:s7] =	ssyncset.done $0x0  }
0x155: {  	[sflag:s7] =	ssyncadd.s32 $0xFFFFFF80  }
.Ltmp8:
0x156: {  	_ = 	snop;
	(pc) =	sbr.rel .LBB2_6-.Ltmp8, $1  }
0x157: {  	_ =	sdelay $0x3  }
.LBB2_13:
0x158: {  	_ =	sfence.sel $0x180000  }
0x159: {  	[bflag:$0x0] =	sbarrier.arrive $0xFFFF  }
0x15a: {  	_ =	strace $0x90000047  }
0x15b: {  	s0 =	stileid.u32;
	[bflag:$0x2] =	sbarrier.arrive $0xFFFF  }
0x15c: {  	p0 =	sne.s32 s0, $0x0;
	s0 =	rddreg [dreg:$0x3]  }
0x15d: {  	s0 =	sadd.s32 @!p0 $0x100000, s0  }
0x15e: {  	[sflag:s0] =	ssyncadd.tile.s32 @!p0 $0x1;
	_ =	shalt  }
.Lfunc_end2:
_tile_overlayer_lowered:
.L_overlay_start_2:
0x15f: {  	(tag) =	ssettag $0x2  }
0x160: {  	s0 =	rddreg [dreg:$0x0];
	s2 =	stileid.u32  }
0x161: {  	s1 =	rddreg [dreg:$0x1];
	p0 =	sne.s32 s2, $0x0  }
0x162: {  	s3 =	rddreg [dreg:$0x2];
	[bflag:$0x3] =	sbarrier.arrive $0xFFFF;
	s2 =	simm.s32 @!p0 $0x1C05  }
0x163: {  	[timem:s3], [sflag:s2] =	dma.local @!p0 [hbm:s0], s1  }
0x164: {  	s0 =	simm.s32 @!p0 $0x5  }
0x165: {  	_ =	swait.ge @!p0 [sflag:s0], s1  }
0x166: {  	s1 =	ssub.s32 @!p0 $0x0, s1;
	[sflag:s0] =	ssyncset.done @!p0 $0x0  }
0x167: {  	[sflag:s0] =	ssyncadd.s32 @!p0 s1  }
0x168: {  	[bflag:$0x3] =	sbarrier.arrive $0xFFFF  }
0x169: {  	_ =	shalt  }

// kernel: kernel.13.cloned.1.call-start
scs
__scs_entry_jumppad:
0x0: {  	(pc) =	sbr.rel $0x88, $3  }
0x1: {  	(tag) =	ssettag $0x0;
	lr =	simm.s32 $0x1  }
0x2: {  	[smem:$0x3F92] =	sst lr;
	_ =	strace $0xD0000000  }
0x3: {  	_ = 	snop  }
0x4: {  	_ = 	snop  }
0x5: {  	_ = 	snop  }
0x6: {  	_ = 	snop  }
0x7: {  	_ = 	snop  }
__scs_overlays_trampoline_lowered:
0x8: {  	[smem:$0x3FA1] =	sst s0  }
0x9: {  	[smem:$0x3FA2] =	sst s1  }
0xa: {  	[smem:$0x3FA3] =	sst s2  }
0xb: {  	[smem:$0x3FA4] =	sst s3  }
0xc: {  	[smem:$0x3FA5] =	sst s4  }
0xd: {  	[smem:$0x3FA6] =	sst s5  }
0xe: {  	[smem:$0x3FA7] =	sst s6  }
0xf: {  	[smem:$0x3FA8] =	sst s7  }
0x10: {  	[smem:$0x3FA9] =	sst s8  }
0x11: {  	[smem:$0x3FAA] =	sst s9;
	s0 =	simm.s32 @!p0 $0x0  }
0x12: {  	s1 =	sld [smem:$0x3F90];
	s0 =	simm.s32 @p0 $0x1  }
0x13: {  	[smem:$0x3FAB] =	sst s0;
	s0 =	simm.s32 @!p1 $0x0  }
0x14: {  	s2 =	sld [smem:$0x3F8F];
	s0 =	simm.s32 @p1 $0x1  }
0x15: {  	[smem:$0x3FAC] =	sst s0;
	s0 =	simm.s32 @!p2 $0x0  }
0x16: {  	s3 =	sld [smem:$0x3FDB];
	s0 =	simm.s32 @p2 $0x1  }
0x17: {  	s4 =	simm.s32 $0x1BF5;
	[smem:$0x3FAE] =	sst s0  }
0x18: {  	s0 =	sld [smem:$0x3F91];
	_ =	swait.ge [sflag:s4], $0x0  }
0x19: {  	s7 =	sld [smem:$0x3F92]  }
0x1a: {  	s8 =	sadd.s32 $0xFFFFE003, lr  }
0x1b: {  	s9 =	sadd.s32 $0xFFFFFEF7, lr;
	s5 =	simm.s32 $0xFFFFFFFF;
	p2 =	slt.u32 s8, $0xFFFFF086  }
0x1c: {  	p1 =	slt.u32 s9, $0xF7A;
	s5 =	simm.s32 @!p2 $0x0  }
0x1d: {  	s5 =	simm.s32 @p1 $0x1;
	p0 =	seq.s32 s7, s2  }
0x1e: {  	s7 =	smul.u32 @!p0 $0xF7A, s2;
	p2 =	seq.s32 @!p0 s5, $0x0  }
0x1f: {  	s9 =	smul.u32 $0xF7A, s1;
	s8 =	simm.s32 @!p0 $0x1BF5;
	p2 =	por !p2, p0  }
0x20: {  	[sflag:s8] =	ssyncset.s32 @!p0 $0xFFFFF086;
	s6 =	sadd.s32 @!p0 s3, s7;
	s7 =	simm.s32 @!p0 $0x108  }
0x21: {  	s3 =	sadd.s32 s3, s9;
	s6 =	sadd.s32 @!p0 $0x88, s6;
	s7 =	simm.s32 @p2 $0x1082  }
0x22: {  	[simem:s7], [sflag:s8] =	dma.local @!p0 [hbm:s6], $0xF7A  }
0x23: {  	s9 =	sor.u32 $0xD0000000, s2;
	s6 =	simm.s32 $0x108;
	_ =	swait.ge @!p0 [sflag:s8], $0x0  }
0x24: {  	s3 =	sadd.s32 $0x88, s3;
	s6 =	simm.s32 @!p1 $0x1082;
	[sflag:s4] =	ssyncset.s32 $0xFFFFF086  }
0x25: {  	[simem:s6], [sflag:s4] =	dma.local [hbm:s3], $0xF7A  }
0x26: {  	[smem:$0x3F92] =	sst s1;
	(tag) =	ssettag s2;
	_ =	strace s9  }
0x27: {  	s1 =	sld [smem:$0x3FA2]  }
0x28: {  	s2 =	sld [smem:$0x3FA3]  }
0x29: {  	s4 =	sld [smem:$0x3FA5]  }
0x2a: {  	p0 =	seq.s32 s5, $0x0;
	s5 =	sld [smem:$0x3FA6]  }
0x2b: {  	s6 =	sld [smem:$0x3FA7]  }
0x2c: {  	s7 =	sld [smem:$0x3FA8]  }
0x2d: {  	s3 =	simm.s32 $0x108;
	s8 =	sld [smem:$0x3FA9]  }
0x2e: {  	s3 =	simm.s32 @!p0 $0x1082;
	s9 =	sld [smem:$0x3FAA]  }
0x2f: {  	lr =	sadd.s32 s0, s3;
	s0 =	sld [smem:$0x3FA1]  }
0x30: {  	s3 =	sld [smem:$0x3FA4]  }
0x31: {  	[smem:$0x3FAD] =	sst s10  }
0x32: {  	s10 =	sld [smem:$0x3FAB];
	_ =	sdelay $0x3  }
0x33: {  	p0 =	seq.s32 s10, $0x1;
	s10 =	sld [smem:$0x3FAD];
	_ =	sdelay $0x3  }
0x34: {  	[smem:$0x3FAD] =	sst s10  }
0x35: {  	s10 =	sld [smem:$0x3FAC];
	_ =	sdelay $0x3  }
0x36: {  	p1 =	seq.s32 s10, $0x1;
	s10 =	sld [smem:$0x3FAD];
	_ =	sdelay $0x3  }
0x37: {  	[smem:$0x3FAD] =	sst s10  }
0x38: {  	s10 =	sld [smem:$0x3FAE]  }
0x39: {  	_ = 	snop;
	(pc) =	sbr.ind lr, $3  }
0x3a: {  	_ = 	snop  }
0x3b: {  	_ = 	snop  }
0x3c: {  	p2 =	seq.s32 s10, $0x1;
	s10 =	sld [smem:$0x3FAD]  }
0x3d: {  	_ =	shalt  }
0x3e: {  	_ =	shalt  }
0x3f: {  	_ =	shalt  }
0x40: {  	_ =	shalt  }
0x41: {  	_ =	shalt  }
0x42: {  	_ =	shalt  }
0x43: {  	_ =	shalt  }
0x44: {  	_ =	shalt  }
0x45: {  	_ =	shalt  }
0x46: {  	_ =	shalt  }
0x47: {  	_ =	shalt  }
0x48: {  	_ =	shalt  }
0x49: {  	_ =	shalt  }
0x4a: {  	_ =	shalt  }
0x4b: {  	_ =	shalt  }
0x4c: {  	_ =	shalt  }
0x4d: {  	_ =	shalt  }
0x4e: {  	_ =	shalt  }
0x4f: {  	_ =	shalt  }
0x50: {  	_ =	shalt  }
0x51: {  	_ =	shalt  }
0x52: {  	_ =	shalt  }
0x53: {  	_ =	shalt  }
0x54: {  	_ =	shalt  }
0x55: {  	_ =	shalt  }
0x56: {  	_ =	shalt  }
0x57: {  	_ =	shalt  }
0x58: {  	_ =	shalt  }
0x59: {  	_ =	shalt  }
0x5a: {  	_ =	shalt  }
0x5b: {  	_ =	shalt  }
0x5c: {  	_ =	shalt  }
0x5d: {  	_ =	shalt  }
0x5e: {  	_ =	shalt  }
0x5f: {  	_ =	shalt  }
0x60: {  	_ =	shalt  }
0x61: {  	_ =	shalt  }
0x62: {  	_ =	shalt  }
0x63: {  	_ =	shalt  }
0x64: {  	_ =	shalt  }
0x65: {  	_ =	shalt  }
0x66: {  	_ =	shalt  }
0x67: {  	_ =	shalt  }
0x68: {  	_ =	shalt  }
0x69: {  	_ =	shalt  }
0x6a: {  	_ =	shalt  }
0x6b: {  	_ =	shalt  }
0x6c: {  	_ =	shalt  }
0x6d: {  	_ =	shalt  }
0x6e: {  	_ =	shalt  }
0x6f: {  	_ =	shalt  }
0x70: {  	_ =	shalt  }
0x71: {  	_ =	shalt  }
0x72: {  	_ =	shalt  }
0x73: {  	_ =	shalt  }
0x74: {  	_ =	shalt  }
0x75: {  	_ =	shalt  }
0x76: {  	_ =	shalt  }
0x77: {  	_ =	shalt  }
0x78: {  	_ =	shalt  }
0x79: {  	_ =	shalt  }
0x7a: {  	_ =	shalt  }
0x7b: {  	_ =	shalt  }
0x7c: {  	_ =	shalt  }
0x7d: {  	_ =	shalt  }
0x7e: {  	_ =	shalt  }
0x7f: {  	_ =	shalt  }
0x80: {  	_ =	shalt  }
0x81: {  	_ =	shalt  }
0x82: {  	_ =	shalt  }
0x83: {  	_ =	shalt  }
0x84: {  	_ =	shalt  }
0x85: {  	_ =	shalt  }
0x86: {  	_ =	shalt  }
0x87: {  	_ =	shalt  }
.Lfunc_end0:
.L_simem_size_0:
called_computation.1_lowered:
.L_overlay_start_0:
0x88: {  	s2 =	sld [smem:$0x3FD9]  }
0x89: {  	s3 =	sld [smem:$0x3FFE];
	_ =	sdelay $0x1  }
0x8a: {  	s1 =	srdreg.scid  }
0x8b: {  	s0 =	sand.u32 $0x1, s1  }
0x8c: {  	s17 =	sshll.u32 s0, $0xA;
	s2 =	sadd.s32 s3, s2  }
0x8d: {  	s2 =	sadd.s32 s2, s17  }
0x8e: {  	[smem:$0x3FB9] =	sst s2  }
0x8f: {  	_ = 	snop  }
0x90: {  	s2 =	sld [smem:$0x3FD0];
	(tm) =	ssettm $0x1  }
0x91: {  	s18 =	sld [smem:$0x3FFB];
	_ =	sdelay $0x3  }
0x92: {  	_ =	strace s18  }
0x93: {  	s3 =	sld [smem:$0x3FFC];
	_ =	sdelay $0x3  }
0x94: {  	_ =	strace s3  }
0x95: {  	s3 =	sld [smem:$0x3FFD];
	_ =	sdelay $0x3  }
0x96: {  	_ =	strace s3  }
0x97: {  	_ =	strace $0x8FFFFFFF  }
0x98: {  	s19 =	sld [smem:$0x3FDB];
	_ =	sdelay $0x1  }
0x99: {  	s4 =	simm.s32 $_scs_section_size  }
0x9a: {  	s5 =	simm.s32 $_size__tile_overlayer_lowered;
	s6 =	simm.s32 $_tile_overlayer_lowered  }
0x9b: {  	s22 =	simm.s32 $0x1BFF;
	s21 =	sshll.u32 s6, $0x1;
	s3 =	sadd.s32 s4, s19  }
0x9c: {  	s7 =	simm.s32 $0x0;
	s20 =	sshll.u32 s5, $0x1;
	s5 =	sadd.s32 s21, s3  }
0x9d: {  	[timem:s7], [sflag:s22] =	dma.local [hbm:s5], s20  }
0x9e: {  	_ =	swait.ge [sflag:s22], s20  }
0x9f: {  	s4 =	ssub.s32 $0x0, s20;
	[sflag:s22] =	ssyncset.done $0x0  }
0xa0: {  	[sflag:s22] =	ssyncadd.s32 s4;
	_ =	sdelay $0x1  }
0xa1: {  	s23 =	simm.s32 $0x1B8B  }
0xa2: {  	_ =	swait.ge [sflag:s23], $0x1  }
0xa3: {  	[sflag:s23] =	ssyncset.done $0x0  }
0xa4: {  	s25 =	simm.s32 $0x1B8E;
	s24 =	sld [smem:$0x3FFE];
	[sflag:s23] =	ssyncadd.s32 $0xFFFFFFFF  }
0xa5: {  	s26 =	simm.s32 $execute0_lowered;
	[smem:$0x3FD2] =	sst s25  }
0xa6: {  	s5 =	sshll.u32 s26, $0x1;
	_ =	strace $0x80000049;
	[dreg:$0x1] =	wrdreg $0xFFFFFFFF  }
0xa7: {  	s28 =	simm.s32 $_size_execute0_lowered;
	s3 =	sadd.s32 s3, s5;
	[dreg:$0x0] =	wrdreg $0x0  }
0xa8: {  	s5 =	sshll.u32 s28, $0x1;
	[dreg:$0x2] =	wrdreg s3  }
0xa9: {  	[dreg:$0x3] =	wrdreg s5  }
0xaa: {  	[dreg:$0x4] =	wrdreg $0xC0  }
0xab: {  	_ =	task [dreg:s7], $0x5FFFF  }
0xac: {  	[dreg:$0x1] =	wrdreg $0xFFFFFFFF  }
0xad: {  	[dreg:$0x0] =	wrdreg $0x60  }
0xae: {  	[dreg:$0x2] =	wrdreg s24  }
0xaf: {  	[dreg:$0x3] =	wrdreg s2  }
0xb0: {  	[dreg:$0x4] =	wrdreg $0x0  }
0xb1: {  	[dreg:$0x5] =	wrdreg $0x9  }
0xb2: {  	_ =	task.clear_ibuf [dreg:s7], $0x6FFFF;
	_ =	strace $0x90000049  }
0xb3: {  	s29 =	simm.s32 $0x9;
	_ =	strace $0x8000004B  }
0xb4: {  	_ =	swait.ge [sflag:s29], $0x1  }
0xb5: {  	[sflag:s29] =	ssyncadd.s32 $0xFFFFFFFF  }
0xb6: {  	_ =	strace $0x9000004B  }
0xb7: {  	_ =	sfence  }
0xb8: {  	s30 =	sld [smem:$0x0];
	_ =	sdelay $0x2  }
0xb9: {  	s31 =	sshll.u32 s1, $0xD;
	s1 =	sshrl.u32 s1, $0x2  }
0xba: {  	s3 =	sand.u32 $0x4000, s31;
	s1 =	sadd.s32 s1, s30  }
0xbb: {  	s0 =	sor.u32 s3, s0;
	s1 =	sshll.u32 s1, $0x11  }
0xbc: {  	s0 =	sor.u32 s1, s0  }
0xbd: {  	s0 =	sadd.s32 $0x8F2B, s0  }
0xbe: {  	[sflag:s0] =	ssyncadd.remote.s32 $0x1  }
0xbf: {  	_ =	sfence.sel $0xFFFF  }
0xc0: {  	[dreg:$0x0] =	wrdreg $0xFFFFFFFF;
	(pc) =	sbr.abs _section_cstart, $3  }
0xc1: {  	[dreg:$0x1] =	wrdreg $0xFFFFFFFF  }
0xc2: {  	_ =	task.clear_ibuf [dreg:s7], $0x2FFFF;
	_ =	strace $0x9FFFFFFF  }
0xc3: {  	(tm) =	ssettm $0x7FFFFFFF  }
tec
execute0_lowered:
.L_overlay_start_1:
0x0: {  	(tag) =	ssettag $0x1  }
0x1: {  	s0 =	srdreg.scid  }
0x2: {  	s16 =	stileid.u32;
	s3 =	rddreg [dreg:$0x0]  }
0x3: {  	s5 =	rddreg [dreg:$0x1];
	s2 =	smul.u32 $0x14000, s16  }
0x4: {  	s0 =	sand.u32 $0x1, s0;
	s8 =	sadd.s32 $0x85A00, s3;
	s31 =	smul.u32 $0x5000, s16  }
0x5: {  	s28 =	smul.u32 $0xA00, s16;
	s29 =	sadd.s32 $0x2BA00, s3;
	s4 =	ssub.s32 $0x2, s0  }
0x6: {  	s1 =	smul.u32 $0x140000, s0;
	s6 =	sshrl.u32 s4, $0x1;
	s10 =	sadd.s32 $0x4000, s2  }
0x7: {  	s12 =	sadd.s32 $0x6000, s2;
	s19 =	sadd.s32 $0xC000, s2;
	s26 =	sshrl.u32 s31, $0x3  }
0x8: {  	s7 =	sadd.s32 s1, s2;
	s4 =	ssub.s32 s4, s6;
	s11 =	sadd.s32 s1, s10  }
0x9: {  	s13 =	sadd.s32 s1, s12;
	s30 =	sshrl.u32 s7, $0x3;
	s11 =	sshrl.u32 s11, $0x3  }
0xa: {  	s14 =	sshrl.u32 s13, $0x3;
	s13 =	rddreg [dreg:$0x2];
	s31 =	smax.u32 s4, $0x1  }
0xb: {  	s6 =	sadd.s32 s8, s30;
	s15 =	sadd.s32 s8, s14;
	s14 =	sadd.s32 $0xA000, s2  }
0xc: {  	s4 =	sadd.s32 s12, s13;
	[dreg:$0x4] =	wrdreg s6;
	s6 =	sor.u32 $0x2000, s2  }
0xd: {  	s7 =	sadd.s32 s19, s13;
	[dreg:$0x7] =	wrdreg s15;
	s9 =	sadd.s32 s1, s6  }
0xe: {  	s18 =	sadd.s32 s1, s14;
	s15 =	sadd.s32 s1, s19;
	s9 =	sshrl.u32 s9, $0x3  }
0xf: {  	s12 =	sshrl.u32 s4, $0x3;
	s20 =	sshrl.u32 s18, $0x3;
	s9 =	sadd.s32 s8, s9  }
0x10: {  	s21 =	sshrl.u32 s15, $0x3;
	[dreg:$0x5] =	wrdreg s9;
	s9 =	sadd.s32 s8, s11  }
0x11: {  	s15 =	sadd.s32 s28, s5;
	[dreg:$0x6] =	wrdreg s9;
	s9 =	sadd.s32 $0x8000, s2  }
0x12: {  	s22 =	sadd.s32 s8, s21;
	s21 =	sadd.s32 $0x10000, s2;
	s17 =	sadd.s32 s1, s9  }
0x13: {  	[dreg:$0xa] =	wrdreg s22;
	s24 =	sadd.s32 s1, s21;
	s11 =	sshrl.u32 s17, $0x3  }
0x14: {  	s22 =	sadd.s32 s29, s26;
	s25 =	sshrl.u32 s24, $0x3;
	s11 =	sadd.s32 s8, s11  }
0x15: {  	[dreg:$0x8] =	wrdreg s11;
	s11 =	sadd.s32 s8, s20;
	s20 =	sadd.s32 $0xE000, s2  }
0x16: {  	s24 =	smul.u32 $0x2800, s0;
	s2 =	sadd.s32 $0x12000, s2;
	s23 =	sadd.s32 s1, s20  }
0x17: {  	[dreg:$0x9] =	wrdreg s11;
	s1 =	sadd.s32 s1, s2;
	s11 =	sshrl.u32 s23, $0x3  }
0x18: {  	s17 =	smul.u32 $0x50000, s16;
	s1 =	sshrl.u32 s1, $0x3;
	s11 =	sadd.s32 s8, s11  }
0x19: {  	s26 =	sadd.s32 $0x10, s22;
	s1 =	sadd.s32 s8, s1;
	[dreg:$0xb] =	wrdreg s11  }
0x1a: {  	s30 =	sshrl.u32 s17, $0x2;
	s11 =	sadd.s32 s8, s25;
	[dreg:$0xd] =	wrdreg s1  }
0x1b: {  	s17 =	sadd.s32 $0x35A00, s3;
	[dreg:$0xc] =	wrdreg s11;
	s11 =	simm.s32 $0x0  }
0x1c: {  	s3 =	sadd.s32 s10, s13;
	s1 =	sadd.s32 s6, s13;
	[smem:$0x7FF] =	sst s11  }
0x1d: {  	s0 =	sshrl.u32 s1, $0x3;
	_ =	strace $0x8000004A;
	[dreg:$0xf] =	wrdreg s31  }
0x1e: {  	s5 =	sadd.s32 s9, s13;
	s10 =	sshrl.u32 s3, $0x3;
	[dreg:$0x10] =	wrdreg s0  }
0x1f: {  	s9 =	sadd.s32 s21, s13;
	v0 =	vmov s24;
	s24 =	simm.s32 $0x3;
	[dreg:$0x11] =	wrdreg s10  }
0x20: {  	s6 =	sadd.s32 s14, s13;
	s14 =	sshrl.u32 s5, $0x3;
	[dreg:$0x12] =	wrdreg s12  }
0x21: {  	s16 =	sadd.s32 s28, s29;
	s19 =	sshrl.u32 s6, $0x3;
	[dreg:$0x13] =	wrdreg s14  }
0x22: {  	s8 =	sadd.s32 s20, s13;
	s20 =	sshrl.u32 s7, $0x3;
	[dreg:$0x14] =	wrdreg s19  }
0x23: {  	s18 =	sadd.s32 s30, s13;
	s21 =	sshrl.u32 s8, $0x3;
	[dreg:$0x15] =	wrdreg s20  }
0x24: {  	s2 =	sadd.s32 s2, s13;
	s23 =	sshrl.u32 s9, $0x3;
	[dreg:$0x16] =	wrdreg s21  }
0x25: {  	s28 =	sadd.s32 $0x2000, s18;
	s25 =	sshrl.u32 s2, $0x3;
	[dreg:$0x17] =	wrdreg s23  }
0x26: {  	s29 =	sadd.s32 $0x4000, s18;
	s30 =	sadd.s32 $0x6000, s18;
	[dreg:$0x18] =	wrdreg s25  }
0x27: {  	s3 =	sadd.s32 $0xC000, s18;
	s4 =	sadd.s32 $0xE000, s18;
	[dreg:$0xe] =	wrdreg s22  }
0x28: {  	s9 =	simm.s32 $0x1C000;
	s2 =	sadd.s32 $0xA000, s18;
	[dreg:$0x19] =	wrdreg s26  }
0x29: {  	s5 =	sadd.s32 $0x10000, s18;
	s7 =	simm.s32 $0x14000;
	[dreg:$0x1a] =	wrdreg s28  }
0x2a: {  	s6 =	sadd.s32 $0x12000, s18;
	s8 =	simm.s32 $0x5;
	[dreg:$0x1b] =	wrdreg s29  }
0x2b: {  	[dreg:$0x1c] =	wrdreg s30;
	s31 =	sadd.s32 $0x8000, s18;
	s10 =	simm.s32 $0x80  }
0x2c: {  	s19 =	simm.s32 $0x1C080;
	s14 =	simm.s32 $0x18000;
	s20 =	simm.s32 $0x1C100  }
0x2d: {  	s21 =	simm.s32 $0x1C180;
	s22 =	simm.s32 $0x1;
	s23 =	simm.s32 $0x2  }
0x2e: {  	v1 =	vimm.f32 $0.0e+00;
	s25 =	simm.s32 $0x4;
	s26 =	simm.s32 $0x0;
	[dreg:$0x1d] =	wrdreg s31  }
.LBB2_1:
0x2f: {  	s28 =	simm.s32 $0x0;
	s29 =	simm.s32 $0x200  }
.LBB2_2:
0x30: {  	p0 =	sne.s32 s29, $0xFE00;
	[tilespmem:s28+$0x14070] =	vst v1  }
0x31: {  	[tilespmem:s28+$0x14000] =	vst v1  }
0x32: {  	[tilespmem:s28+$0x14010] =	vst v1  }
.Ltmp0:
0x33: {  	[tilespmem:s28+$0x14020] =	vst v1;
	(pc) =	sbr.rel @p0 .LBB2_2-.Ltmp0, $4  }
0x34: {  	[tilespmem:s28+$0x14030] =	vst v1  }
0x35: {  	[tilespmem:s28+$0x14040] =	vst v1  }
0x36: {  	[tilespmem:s28+$0x14050] =	vst v1  }
0x37: {  	[tilespmem:s28+$0x14060] =	vst v1;
	s28 =	sshra.s32 s29, $0x2;
	s29 =	sadd.s32 $0x200, s29  }
0x38: {  	[tilespmem:s28+$0x14070] =	vst v1  }
0x39: {  	[tilespmem:s28+$0x14000] =	vst v1  }
0x3a: {  	[tilespmem:s28+$0x14010] =	vst v1  }
0x3b: {  	[tilespmem:s28+$0x14020] =	vst v1  }
0x3c: {  	[tilespmem:s28+$0x14030] =	vst v1  }
0x3d: {  	[tilespmem:s28+$0x14040] =	vst v1  }
0x3e: {  	[tilespmem:s28+$0x14050] =	vst v1  }
0x3f: {  	[tilespmem:s28+$0x14060] =	vst v1  }
0x40: {  	[spmem:s18] =	stream.linear.scatter [tilespmem:s7], [sflag:$0x5], $0x2000, $0x38;
	[tilespmem:$0x1C200] =	vst v63  }
0x41: {  	_ =	swait.ge [sflag:s8], $0x2000  }
0x42: {  	[sflag:s8] =	ssyncset.done $0x0  }
0x43: {  	s0 =	rddreg [dreg:$0x1a];
	[sflag:s8] =	ssyncadd.s32 $0xFFFFE000  }
0x44: {  	[spmem:s0] =	stream.linear.scatter [tilespmem:s7], [sflag:$0x5], $0x2000, $0x38;
	[tilespmem:$0x1C200] =	vst v63  }
0x45: {  	_ =	swait.ge [sflag:s8], $0x2000  }
0x46: {  	[sflag:s8] =	ssyncset.done $0x0  }
0x47: {  	s1 =	rddreg [dreg:$0x1b];
	[sflag:s8] =	ssyncadd.s32 $0xFFFFE000  }
0x48: {  	[spmem:s1] =	stream.linear.scatter [tilespmem:s7], [sflag:$0x5], $0x2000, $0x38;
	[tilespmem:$0x1C200] =	vst v63  }
0x49: {  	_ =	swait.ge [sflag:s8], $0x2000  }
0x4a: {  	[sflag:s8] =	ssyncset.done $0x0  }
0x4b: {  	s12 =	rddreg [dreg:$0x1c];
	[sflag:s8] =	ssyncadd.s32 $0xFFFFE000  }
0x4c: {  	[spmem:s12] =	stream.linear.scatter [tilespmem:s7], [sflag:$0x5], $0x2000, $0x38;
	[tilespmem:$0x1C200] =	vst v63  }
0x4d: {  	_ =	swait.ge [sflag:s8], $0x2000  }
0x4e: {  	[sflag:s8] =	ssyncset.done $0x0  }
0x4f: {  	s29 =	rddreg [dreg:$0x1d];
	[sflag:s8] =	ssyncadd.s32 $0xFFFFE000  }
0x50: {  	[spmem:s29] =	stream.linear.scatter [tilespmem:s7], [sflag:$0x5], $0x2000, $0x38;
	[tilespmem:$0x1C200] =	vst v63  }
0x51: {  	_ =	swait.ge [sflag:s8], $0x2000  }
0x52: {  	[sflag:s8] =	ssyncset.done $0x0  }
0x53: {  	[sflag:s8] =	ssyncadd.s32 $0xFFFFE000  }
0x54: {  	[spmem:s2] =	stream.linear.scatter [tilespmem:s7], [sflag:$0x5], $0x2000, $0x38;
	[tilespmem:$0x1C200] =	vst v63  }
0x55: {  	_ =	swait.ge [sflag:s8], $0x2000  }
0x56: {  	[sflag:s8] =	ssyncset.done $0x0  }
0x57: {  	[sflag:s8] =	ssyncadd.s32 $0xFFFFE000  }
0x58: {  	[spmem:s3] =	stream.linear.scatter [tilespmem:s7], [sflag:$0x5], $0x2000, $0x38;
	[tilespmem:$0x1C200] =	vst v63  }
0x59: {  	_ =	swait.ge [sflag:s8], $0x2000  }
0x5a: {  	[sflag:s8] =	ssyncset.done $0x0  }
0x5b: {  	[sflag:s8] =	ssyncadd.s32 $0xFFFFE000  }
0x5c: {  	[spmem:s4] =	stream.linear.scatter [tilespmem:s7], [sflag:$0x5], $0x2000, $0x38;
	[tilespmem:$0x1C200] =	vst v63  }
0x5d: {  	_ =	swait.ge [sflag:s8], $0x2000  }
0x5e: {  	[sflag:s8] =	ssyncset.done $0x0  }
0x5f: {  	[sflag:s8] =	ssyncadd.s32 $0xFFFFE000  }
0x60: {  	[spmem:s5] =	stream.linear.scatter [tilespmem:s7], [sflag:$0x5], $0x2000, $0x38;
	[tilespmem:$0x1C200] =	vst v63  }
0x61: {  	_ =	swait.ge [sflag:s8], $0x2000  }
0x62: {  	[sflag:s8] =	ssyncset.done $0x0  }
0x63: {  	[sflag:s8] =	ssyncadd.s32 $0xFFFFE000  }
0x64: {  	[spmem:s6] =	stream.linear.scatter [tilespmem:s7], [sflag:$0x5], $0x2000, $0x38;
	[tilespmem:$0x1C200] =	vst v63  }
0x65: {  	_ =	swait.ge [sflag:s8], $0x2000  }
0x66: {  	[sflag:s8] =	ssyncset.done $0x0  }
0x67: {  	[sflag:s8] =	ssyncadd.s32 $0xFFFFE000  }
0x68: {  	[bflag:$0x0] =	sbarrier.arrive $0xFFFF  }
0x69: {  	s28 =	simm.s32 $0x0;
	s30 =	rddreg [dreg:$0xe]  }
0x6a: {  	[tilespmem:s9], [sflag:$0x5] =	stream.linear.gather [hbm4b:s30+s28], $0x80, $0x38;
	[tilespmem:$0x1C200] =	vst v63  }
0x6b: {  	_ =	swait.ge [sflag:s8], $0x80  }
0x6c: {  	[sflag:s8] =	ssyncset.done $0x0  }
0x6d: {  	[sflag:s8] =	ssyncadd.s32 $0xFFFFFF80  }
0x6e: {  	v2 =	vld [tilespmem:$0x1C000]  }
0x6f: {  	v3 =	vld [tilespmem:$0x1C010]  }
0x70: {  	v4 =	vld [tilespmem:$0x1C020]  }
0x71: {  	v5 =	vld [tilespmem:$0x1C030]  }
0x72: {  	v6 =	vld [tilespmem:$0x1C040]  }
0x73: {  	v7 =	vld [tilespmem:$0x1C050];
	v2 =	vadd.s32 v0, v2  }
0x74: {  	[tilespmem:$0x1C000] =	vst v2;
	v2 =	vadd.s32 v0, v3;
	v3 =	vld [tilespmem:$0x1C060]  }
0x75: {  	v58 =	vld [tilespmem:$0x1C070];
	[tilespmem:$0x1C010] =	vst v2;
	v2 =	vadd.s32 v0, v4  }
0x76: {  	[tilespmem:$0x1C020] =	vst v2;
	v2 =	vadd.s32 v0, v5  }
0x77: {  	[tilespmem:$0x1C030] =	vst v2;
	v2 =	vadd.s32 v0, v6  }
0x78: {  	[tilespmem:$0x1C040] =	vst v2;
	v2 =	vadd.s32 v0, v7  }
0x79: {  	[tilespmem:$0x1C050] =	vst v2;
	v2 =	vadd.s32 v0, v3  }
0x7a: {  	[tilespmem:$0x1C060] =	vst v2;
	v2 =	vadd.s32 v0, v58  }
0x7b: {  	[tilespmem:$0x1C070] =	vst v2  }
0x7c: {  	[tilespmem:s7], [sflag:$0x1] =	stream.indirect.gather [hbm4b:s17+s10], $0x80, s9, s10, $0xb8;
	[tilespmem:$0x1C200] =	vst v63  }
0x7d: {  	s31 =	rddreg [dreg:$0x19]  }
0x7e: {  	[tilespmem:s19], [sflag:$0x5] =	stream.linear.gather [hbm4b:s31+s28], $0x80, $0x38;
	[tilespmem:$0x1C200] =	vst v63  }
0x7f: {  	_ =	swait.ge [sflag:s8], $0x80  }
0x80: {  	[sflag:s8] =	ssyncset.done $0x0  }
0x81: {  	[sflag:s8] =	ssyncadd.s32 $0xFFFFFF80  }
0x82: {  	v2 =	vld [tilespmem:$0x1C080]  }
0x83: {  	v3 =	vld [tilespmem:$0x1C090]  }
0x84: {  	v59 =	vld [tilespmem:$0x1C0A0]  }
0x85: {  	v60 =	vld [tilespmem:$0x1C0B0]  }
0x86: {  	v61 =	vld [tilespmem:$0x1C0C0]  }
0x87: {  	v62 =	vld [tilespmem:$0x1C0D0];
	v2 =	vadd.s32 v0, v2  }
0x88: {  	[tilespmem:$0x1C080] =	vst v2;
	v2 =	vadd.s32 v0, v3;
	v3 =	vld [tilespmem:$0x1C0E0]  }
0x89: {  	v63 =	vld [tilespmem:$0x1C0F0];
	[tilespmem:$0x1C090] =	vst v2;
	v2 =	vadd.s32 v0, v59  }
0x8a: {  	[tilespmem:$0x1C0A0] =	vst v2;
	v2 =	vadd.s32 v0, v60  }
0x8b: {  	[tilespmem:$0x1C0B0] =	vst v2;
	v2 =	vadd.s32 v0, v61  }
0x8c: {  	[tilespmem:$0x1C0C0] =	vst v2;
	v2 =	vadd.s32 v0, v62  }
0x8d: {  	[tilespmem:$0x1C0D0] =	vst v2;
	v2 =	vadd.s32 v0, v3  }
0x8e: {  	[tilespmem:$0x1C0E0] =	vst v2;
	v2 =	vadd.s32 v0, v63  }
0x8f: {  	[tilespmem:$0x1C0F0] =	vst v2  }
0x90: {  	[tilespmem:s14], [sflag:$0x2] =	stream.indirect.gather [hbm4b:s17+s10], $0x80, s19, s10, $0xb8;
	[tilespmem:$0x1C200] =	vst v63  }
.LBB2_4:
0x91: {  	s29 =	sadd.s32 s28, s15  }
0x92: {  	[tilespmem:s20], [sflag:$0x5] =	stream.linear.gather [hbm4b:s29+s11], $0x80, $0x38;
	[tilespmem:$0x1C200] =	vst v63  }
0x93: {  	_ =	swait.ge [sflag:s8], $0x80  }
0x94: {  	[sflag:s8] =	ssyncset.done $0x0  }
0x95: {  	s29 =	sadd.s32 $0x10, s29;
	[sflag:s8] =	ssyncadd.s32 $0xFFFFFF80  }
0x96: {  	[tilespmem:s21], [sflag:$0x5] =	stream.linear.gather [hbm4b:s29+s11], $0x80, $0x38;
	[tilespmem:$0x1C200] =	vst v63  }
0x97: {  	_ =	swait.ge [sflag:s8], $0x80  }
0x98: {  	[sflag:s8] =	ssyncset.done $0x0  }
0x99: {  	[sflag:s8] =	ssyncadd.s32 $0xFFFFFF80  }
0x9a: {  	_ =	swait.ge [sflag:s22], $0x4000  }
0x9b: {  	[sflag:s22] =	ssyncset.done $0x0  }
0x9c: {  	[sflag:s22] =	ssyncadd.s32 $0xFFFFC000  }
0x9d: {  	[spmem:s13] =	stream.indirect.scatter.add.f32 [tilespmem:s7], [sflag:$0x3], $0x80, s20, s10, $0xb8;
	[tilespmem:$0x1C200] =	vst v63  }
0x9e: {  	_ =	swait.ge [sflag:s23], $0x4000  }
0x9f: {  	[sflag:s23] =	ssyncset.done $0x0  }
0xa0: {  	[sflag:s23] =	ssyncadd.s32 $0xFFFFC000  }
0xa1: {  	[spmem:s13] =	stream.indirect.scatter.add.f32 [tilespmem:s14], [sflag:$0x4], $0x80, s21, s10, $0xb8;
	[tilespmem:$0x1C200] =	vst v63  }
0xa2: {  	_ =	swait.ge [sflag:s24], $0x4000  }
0xa3: {  	[sflag:s24] =	ssyncset.done $0x0  }
0xa4: {  	[sflag:s24] =	ssyncadd.s32 $0xFFFFC000  }
0xa5: {  	p0 =	seq.s32 s28, $0x9E0;
	_ =	swait.ge [sflag:s25], $0x4000  }
0xa6: {  	s31 =	simm.s32 @!p0 $0x0;
	s29 =	sadd.s32 @!p0 s28, s16;
	[sflag:s25] =	ssyncset.done $0x0  }
0xa7: {  	s12 =	simm.s32 @!p0 $0x1C000;
	s30 =	sadd.s32 @!p0 $0x20, s29;
	[sflag:s25] =	ssyncadd.s32 $0xFFFFC000  }
0xa8: {  	[tilespmem:s12], [sflag:$0x5] =	stream.linear.gather @!p0 [hbm4b:s30+s31], $0x80, $0x38;
	[tilespmem:$0x1C200] =	vst v63  }
0xa9: {  	s30 =	simm.s32 @!p0 $0x5  }
0xaa: {  	_ =	swait.ge @!p0 [sflag:s30], $0x80  }
0xab: {  	[sflag:s30] =	ssyncset.done @!p0 $0x0  }
0xac: {  	[sflag:s30] =	ssyncadd.s32 @!p0 $0xFFFFFF80  }
0xad: {  	v2 =	vld @!p0 [tilespmem:$0x1C000]  }
0xae: {  	v3 =	vld @!p0 [tilespmem:$0x1C010]  }
0xaf: {  	v4 =	vld @!p0 [tilespmem:$0x1C020]  }
0xb0: {  	v5 =	vld @!p0 [tilespmem:$0x1C030]  }
0xb1: {  	v6 =	vld @!p0 [tilespmem:$0x1C040]  }
0xb2: {  	v7 =	vld @!p0 [tilespmem:$0x1C050];
	v2 =	vadd.s32 @!p0 v0, v2  }
0xb3: {  	[tilespmem:$0x1C000] =	vst @!p0 v2;
	v2 =	vadd.s32 @!p0 v0, v3;
	v3 =	vld @!p0 [tilespmem:$0x1C060]  }
0xb4: {  	[tilespmem:$0x1C010] =	vst @!p0 v2;
	v2 =	vadd.s32 @!p0 v0, v4;
	v4 =	vld @!p0 [tilespmem:$0x1C070]  }
0xb5: {  	[tilespmem:$0x1C020] =	vst @!p0 v2;
	v2 =	vadd.s32 @!p0 v0, v5  }
0xb6: {  	[tilespmem:$0x1C030] =	vst @!p0 v2;
	v2 =	vadd.s32 @!p0 v0, v6  }
0xb7: {  	[tilespmem:$0x1C040] =	vst @!p0 v2;
	v2 =	vadd.s32 @!p0 v0, v7  }
0xb8: {  	[tilespmem:$0x1C050] =	vst @!p0 v2;
	v2 =	vadd.s32 @!p0 v0, v3  }
0xb9: {  	[tilespmem:$0x1C060] =	vst @!p0 v2;
	v2 =	vadd.s32 @!p0 v0, v4  }
0xba: {  	s0 =	simm.s32 @!p0 $0x80;
	s1 =	simm.s32 @!p0 $0x14000;
	[tilespmem:$0x1C070] =	vst @!p0 v2  }
0xbb: {  	[tilespmem:s1], [sflag:$0x1] =	stream.indirect.gather @!p0 [hbm4b:s17+s0], $0x80, s12, s0, $0xb8;
	[tilespmem:$0x1C200] =	vst v63  }
0xbc: {  	s1 =	sadd.s32 @!p0 $0x30, s29;
	s12 =	simm.s32 @!p0 $0x1C080  }
0xbd: {  	[tilespmem:s12], [sflag:$0x5] =	stream.linear.gather @!p0 [hbm4b:s1+s31], $0x80, $0x38;
	[tilespmem:$0x1C200] =	vst v63  }
0xbe: {  	_ =	swait.ge @!p0 [sflag:s30], $0x80  }
0xbf: {  	[sflag:s30] =	ssyncset.done @!p0 $0x0  }
0xc0: {  	[sflag:s30] =	ssyncadd.s32 @!p0 $0xFFFFFF80  }
0xc1: {  	v2 =	vld @!p0 [tilespmem:$0x1C080]  }
0xc2: {  	v3 =	vld @!p0 [tilespmem:$0x1C090]  }
0xc3: {  	v4 =	vld @!p0 [tilespmem:$0x1C0A0]  }
0xc4: {  	v5 =	vld @!p0 [tilespmem:$0x1C0B0]  }
0xc5: {  	v6 =	vld @!p0 [tilespmem:$0x1C0C0]  }
0xc6: {  	v7 =	vld @!p0 [tilespmem:$0x1C0D0];
	v2 =	vadd.s32 @!p0 v0, v2  }
0xc7: {  	[tilespmem:$0x1C080] =	vst @!p0 v2;
	v2 =	vadd.s32 @!p0 v0, v3;
	v3 =	vld @!p0 [tilespmem:$0x1C0E0]  }
0xc8: {  	[tilespmem:$0x1C090] =	vst @!p0 v2;
	v2 =	vadd.s32 @!p0 v0, v4;
	v4 =	vld @!p0 [tilespmem:$0x1C0F0]  }
0xc9: {  	[tilespmem:$0x1C0A0] =	vst @!p0 v2;
	v2 =	vadd.s32 @!p0 v0, v5  }
0xca: {  	[tilespmem:$0x1C0B0] =	vst @!p0 v2;
	v2 =	vadd.s32 @!p0 v0, v6  }
0xcb: {  	[tilespmem:$0x1C0C0] =	vst @!p0 v2;
	v2 =	vadd.s32 @!p0 v0, v7  }
0xcc: {  	[tilespmem:$0x1C0D0] =	vst @!p0 v2;
	v2 =	vadd.s32 @!p0 v0, v3  }
0xcd: {  	s28 =	sadd.s32 @!p0 $0x20, s28;
	[tilespmem:$0x1C0E0] =	vst @!p0 v2;
	v2 =	vadd.s32 @!p0 v0, v4  }
0xce: {  	p1 =	sne.s32 @!p0 s28, $0xA00;
	s1 =	simm.s32 @!p0 $0x18000;
	[tilespmem:$0x1C0F0] =	vst @!p0 v2  }
0xcf: {  	[tilespmem:s1], [sflag:$0x2] =	stream.indirect.gather @!p0 [hbm4b:s17+s0], $0x80, s12, s0, $0xb8;
	[tilespmem:$0x1C200] =	vst v63  }
0xd0: {  	p0 =	por p0, !p1  }
.Ltmp1:
0xd1: {  	_ = 	snop;
	(pc) =	sbr.rel @!p0 .LBB2_4-.Ltmp1, $1  }
0xd2: {  	_ =	sdelay $0x3  }
0xd3: {  	s0 =	stileid.u32  }
0xd4: {  	[bflag:$0x0] =	sbarrier.arrive $0xFFFF;
	s0 =	sshll.u32 s0, $0x6  }
0xd5: {  	s1 =	sshrl.u32 s18, $0x3;
	s12 =	rddreg [dreg:$0x4];
	s0 =	sor.u32 $0x1C05, s0  }
0xd6: {  	[hbm:s12], [sflag:s0] =	dma.local [spmem:s1], $0x400  }
0xd7: {  	_ =	swait.ge [sflag:s8], $0x400  }
0xd8: {  	[sflag:s8] =	ssyncset.done $0x0;
	s30 =	rddreg [dreg:$0x5]  }
0xd9: {  	s31 =	rddreg [dreg:$0x10];
	[sflag:s8] =	ssyncadd.s32 $0xFFFFFC00  }
0xda: {  	[hbm:s30], [sflag:s0] =	dma.local [spmem:s31], $0x400  }
0xdb: {  	_ =	swait.ge [sflag:s8], $0x400  }
0xdc: {  	[sflag:s8] =	ssyncset.done $0x0;
	s28 =	rddreg [dreg:$0x6]  }
0xdd: {  	s29 =	rddreg [dreg:$0x11];
	[sflag:s8] =	ssyncadd.s32 $0xFFFFFC00  }
0xde: {  	[hbm:s28], [sflag:s0] =	dma.local [spmem:s29], $0x400  }
0xdf: {  	_ =	swait.ge [sflag:s8], $0x400  }
0xe0: {  	[sflag:s8] =	ssyncset.done $0x0;
	s30 =	rddreg [dreg:$0x7]  }
0xe1: {  	s31 =	rddreg [dreg:$0x12];
	[sflag:s8] =	ssyncadd.s32 $0xFFFFFC00  }
0xe2: {  	[hbm:s30], [sflag:s0] =	dma.local [spmem:s31], $0x400  }
0xe3: {  	_ =	swait.ge [sflag:s8], $0x400  }
0xe4: {  	[sflag:s8] =	ssyncset.done $0x0;
	s28 =	rddreg [dreg:$0x8]  }
0xe5: {  	s29 =	rddreg [dreg:$0x13];
	[sflag:s8] =	ssyncadd.s32 $0xFFFFFC00  }
0xe6: {  	[hbm:s28], [sflag:s0] =	dma.local [spmem:s29], $0x400  }
0xe7: {  	_ =	swait.ge [sflag:s8], $0x400  }
0xe8: {  	[sflag:s8] =	ssyncset.done $0x0;
	s30 =	rddreg [dreg:$0x9]  }
0xe9: {  	s31 =	rddreg [dreg:$0x14];
	[sflag:s8] =	ssyncadd.s32 $0xFFFFFC00  }
0xea: {  	[hbm:s30], [sflag:s0] =	dma.local [spmem:s31], $0x400  }
0xeb: {  	_ =	swait.ge [sflag:s8], $0x400  }
0xec: {  	[sflag:s8] =	ssyncset.done $0x0;
	s28 =	rddreg [dreg:$0xa]  }
0xed: {  	s29 =	rddreg [dreg:$0x15];
	[sflag:s8] =	ssyncadd.s32 $0xFFFFFC00  }
0xee: {  	[hbm:s28], [sflag:s0] =	dma.local [spmem:s29], $0x400  }
0xef: {  	_ =	swait.ge [sflag:s8], $0x400  }
0xf0: {  	[sflag:s8] =	ssyncset.done $0x0;
	s30 =	rddreg [dreg:$0xb]  }
0xf1: {  	s31 =	rddreg [dreg:$0x16];
	[sflag:s8] =	ssyncadd.s32 $0xFFFFFC00  }
0xf2: {  	[hbm:s30], [sflag:s0] =	dma.local [spmem:s31], $0x400  }
0xf3: {  	_ =	swait.ge [sflag:s8], $0x400  }
0xf4: {  	[sflag:s8] =	ssyncset.done $0x0;
	s12 =	rddreg [dreg:$0xc]  }
0xf5: {  	s28 =	rddreg [dreg:$0x17];
	[sflag:s8] =	ssyncadd.s32 $0xFFFFFC00  }
0xf6: {  	[hbm:s12], [sflag:s0] =	dma.local [spmem:s28], $0x400  }
0xf7: {  	_ =	swait.ge [sflag:s8], $0x400  }
0xf8: {  	[sflag:s8] =	ssyncset.done $0x0;
	s29 =	rddreg [dreg:$0xd]  }
0xf9: {  	s30 =	rddreg [dreg:$0x18];
	[sflag:s8] =	ssyncadd.s32 $0xFFFFFC00  }
0xfa: {  	[hbm:s29], [sflag:s0] =	dma.local [spmem:s30], $0x400  }
0xfb: {  	_ =	swait.ge [sflag:s8], $0x400  }
0xfc: {  	s26 =	sadd.s32 $0x1, s26;
	s31 =	rddreg [dreg:$0xf]  }
0xfd: {  	p0 =	sne.s32 s26, s31  }
.Ltmp2:
0xfe: {  	_ = 	snop;
	(pc) =	sbr.rel @p0 .LBB2_1-.Ltmp2, $3  }
0xff: {  	_ =	sdelay $0x1  }
0x100: {  	[sflag:s8] =	ssyncset.done $0x0  }
0x101: {  	[sflag:s8] =	ssyncadd.s32 $0xFFFFFC00  }
0x102: {  	_ =	sfence.sel $0x180000  }
0x103: {  	[bflag:$0x0] =	sbarrier.arrive $0xFFFF  }
0x104: {  	_ =	strace $0x9000004A  }
0x105: {  	s0 =	stileid.u32;
	[bflag:$0x2] =	sbarrier.arrive $0xFFFF  }
0x106: {  	p0 =	sne.s32 s0, $0x0;
	s0 =	rddreg [dreg:$0x3]  }
0x107: {  	s0 =	sadd.s32 @!p0 $0x100000, s0  }
0x108: {  	[sflag:s0] =	ssyncadd.tile.s32 @!p0 $0x1;
	_ =	shalt  }
.Lfunc_end2:
_tile_overlayer_lowered:
.L_overlay_start_2:
0x109: {  	(tag) =	ssettag $0x2  }
0x10a: {  	s0 =	rddreg [dreg:$0x0];
	s2 =	stileid.u32  }
0x10b: {  	s1 =	rddreg [dreg:$0x1];
	p0 =	sne.s32 s2, $0x0  }
0x10c: {  	s3 =	rddreg [dreg:$0x2];
	[bflag:$0x3] =	sbarrier.arrive $0xFFFF;
	s2 =	simm.s32 @!p0 $0x1C05  }
0x10d: {  	[timem:s3], [sflag:s2] =	dma.local @!p0 [hbm:s0], s1  }
0x10e: {  	s0 =	simm.s32 @!p0 $0x5  }
0x10f: {  	_ =	swait.ge @!p0 [sflag:s0], s1  }
0x110: {  	s1 =	ssub.s32 @!p0 $0x0, s1;
	[sflag:s0] =	ssyncset.done @!p0 $0x0  }
0x111: {  	[sflag:s0] =	ssyncadd.s32 @!p0 s1  }
0x112: {  	[bflag:$0x3] =	sbarrier.arrive $0xFFFF  }
0x113: {  	_ =	shalt  }

// kernel: kernel.16.cloned.1.call-start
scs
__scs_entry_jumppad:
0x0: {  	(pc) =	sbr.rel $0x88, $3  }
0x1: {  	(tag) =	ssettag $0x0;
	lr =	simm.s32 $0x1  }
0x2: {  	[smem:$0x3F92] =	sst lr;
	_ =	strace $0xD0000000  }
0x3: {  	_ = 	snop  }
0x4: {  	_ = 	snop  }
0x5: {  	_ = 	snop  }
0x6: {  	_ = 	snop  }
0x7: {  	_ = 	snop  }
__scs_overlays_trampoline_lowered:
0x8: {  	[smem:$0x3FA1] =	sst s0  }
0x9: {  	[smem:$0x3FA2] =	sst s1  }
0xa: {  	[smem:$0x3FA3] =	sst s2  }
0xb: {  	[smem:$0x3FA4] =	sst s3  }
0xc: {  	[smem:$0x3FA5] =	sst s4  }
0xd: {  	[smem:$0x3FA6] =	sst s5  }
0xe: {  	[smem:$0x3FA7] =	sst s6  }
0xf: {  	[smem:$0x3FA8] =	sst s7  }
0x10: {  	[smem:$0x3FA9] =	sst s8  }
0x11: {  	[smem:$0x3FAA] =	sst s9;
	s0 =	simm.s32 @!p0 $0x0  }
0x12: {  	s1 =	sld [smem:$0x3F90];
	s0 =	simm.s32 @p0 $0x1  }
0x13: {  	[smem:$0x3FAB] =	sst s0;
	s0 =	simm.s32 @!p1 $0x0  }
0x14: {  	s2 =	sld [smem:$0x3F8F];
	s0 =	simm.s32 @p1 $0x1  }
0x15: {  	[smem:$0x3FAC] =	sst s0;
	s0 =	simm.s32 @!p2 $0x0  }
0x16: {  	s3 =	sld [smem:$0x3FDB];
	s0 =	simm.s32 @p2 $0x1  }
0x17: {  	s4 =	simm.s32 $0x1BF5;
	[smem:$0x3FAE] =	sst s0  }
0x18: {  	s0 =	sld [smem:$0x3F91];
	_ =	swait.ge [sflag:s4], $0x0  }
0x19: {  	s7 =	sld [smem:$0x3F92]  }
0x1a: {  	s8 =	sadd.s32 $0xFFFFE003, lr  }
0x1b: {  	s9 =	sadd.s32 $0xFFFFFEF7, lr;
	s5 =	simm.s32 $0xFFFFFFFF;
	p2 =	slt.u32 s8, $0xFFFFF086  }
0x1c: {  	p1 =	slt.u32 s9, $0xF7A;
	s5 =	simm.s32 @!p2 $0x0  }
0x1d: {  	s5 =	simm.s32 @p1 $0x1;
	p0 =	seq.s32 s7, s2  }
0x1e: {  	s7 =	smul.u32 @!p0 $0xF7A, s2;
	p2 =	seq.s32 @!p0 s5, $0x0  }
0x1f: {  	s9 =	smul.u32 $0xF7A, s1;
	s8 =	simm.s32 @!p0 $0x1BF5;
	p2 =	por !p2, p0  }
0x20: {  	[sflag:s8] =	ssyncset.s32 @!p0 $0xFFFFF086;
	s6 =	sadd.s32 @!p0 s3, s7;
	s7 =	simm.s32 @!p0 $0x108  }
0x21: {  	s3 =	sadd.s32 s3, s9;
	s6 =	sadd.s32 @!p0 $0x88, s6;
	s7 =	simm.s32 @p2 $0x1082  }
0x22: {  	[simem:s7], [sflag:s8] =	dma.local @!p0 [hbm:s6], $0xF7A  }
0x23: {  	s9 =	sor.u32 $0xD0000000, s2;
	s6 =	simm.s32 $0x108;
	_ =	swait.ge @!p0 [sflag:s8], $0x0  }
0x24: {  	s3 =	sadd.s32 $0x88, s3;
	s6 =	simm.s32 @!p1 $0x1082;
	[sflag:s4] =	ssyncset.s32 $0xFFFFF086  }
0x25: {  	[simem:s6], [sflag:s4] =	dma.local [hbm:s3], $0xF7A  }
0x26: {  	[smem:$0x3F92] =	sst s1;
	(tag) =	ssettag s2;
	_ =	strace s9  }
0x27: {  	s1 =	sld [smem:$0x3FA2]  }
0x28: {  	s2 =	sld [smem:$0x3FA3]  }
0x29: {  	s4 =	sld [smem:$0x3FA5]  }
0x2a: {  	p0 =	seq.s32 s5, $0x0;
	s5 =	sld [smem:$0x3FA6]  }
0x2b: {  	s6 =	sld [smem:$0x3FA7]  }
0x2c: {  	s7 =	sld [smem:$0x3FA8]  }
0x2d: {  	s3 =	simm.s32 $0x108;
	s8 =	sld [smem:$0x3FA9]  }
0x2e: {  	s3 =	simm.s32 @!p0 $0x1082;
	s9 =	sld [smem:$0x3FAA]  }
0x2f: {  	lr =	sadd.s32 s0, s3;
	s0 =	sld [smem:$0x3FA1]  }
0x30: {  	s3 =	sld [smem:$0x3FA4]  }
0x31: {  	[smem:$0x3FAD] =	sst s10  }
0x32: {  	s10 =	sld [smem:$0x3FAB];
	_ =	sdelay $0x3  }
0x33: {  	p0 =	seq.s32 s10, $0x1;
	s10 =	sld [smem:$0x3FAD];
	_ =	sdelay $0x3  }
0x34: {  	[smem:$0x3FAD] =	sst s10  }
0x35: {  	s10 =	sld [smem:$0x3FAC];
	_ =	sdelay $0x3  }
0x36: {  	p1 =	seq.s32 s10, $0x1;
	s10 =	sld [smem:$0x3FAD];
	_ =	sdelay $0x3  }
0x37: {  	[smem:$0x3FAD] =	sst s10  }
0x38: {  	s10 =	sld [smem:$0x3FAE]  }
0x39: {  	_ = 	snop;
	(pc) =	sbr.ind lr, $3  }
0x3a: {  	_ = 	snop  }
0x3b: {  	_ = 	snop  }
0x3c: {  	p2 =	seq.s32 s10, $0x1;
	s10 =	sld [smem:$0x3FAD]  }
0x3d: {  	_ =	shalt  }
0x3e: {  	_ =	shalt  }
0x3f: {  	_ =	shalt  }
0x40: {  	_ =	shalt  }
0x41: {  	_ =	shalt  }
0x42: {  	_ =	shalt  }
0x43: {  	_ =	shalt  }
0x44: {  	_ =	shalt  }
0x45: {  	_ =	shalt  }
0x46: {  	_ =	shalt  }
0x47: {  	_ =	shalt  }
0x48: {  	_ =	shalt  }
0x49: {  	_ =	shalt  }
0x4a: {  	_ =	shalt  }
0x4b: {  	_ =	shalt  }
0x4c: {  	_ =	shalt  }
0x4d: {  	_ =	shalt  }
0x4e: {  	_ =	shalt  }
0x4f: {  	_ =	shalt  }
0x50: {  	_ =	shalt  }
0x51: {  	_ =	shalt  }
0x52: {  	_ =	shalt  }
0x53: {  	_ =	shalt  }
0x54: {  	_ =	shalt  }
0x55: {  	_ =	shalt  }
0x56: {  	_ =	shalt  }
0x57: {  	_ =	shalt  }
0x58: {  	_ =	shalt  }
0x59: {  	_ =	shalt  }
0x5a: {  	_ =	shalt  }
0x5b: {  	_ =	shalt  }
0x5c: {  	_ =	shalt  }
0x5d: {  	_ =	shalt  }
0x5e: {  	_ =	shalt  }
0x5f: {  	_ =	shalt  }
0x60: {  	_ =	shalt  }
0x61: {  	_ =	shalt  }
0x62: {  	_ =	shalt  }
0x63: {  	_ =	shalt  }
0x64: {  	_ =	shalt  }
0x65: {  	_ =	shalt  }
0x66: {  	_ =	shalt  }
0x67: {  	_ =	shalt  }
0x68: {  	_ =	shalt  }
0x69: {  	_ =	shalt  }
0x6a: {  	_ =	shalt  }
0x6b: {  	_ =	shalt  }
0x6c: {  	_ =	shalt  }
0x6d: {  	_ =	shalt  }
0x6e: {  	_ =	shalt  }
0x6f: {  	_ =	shalt  }
0x70: {  	_ =	shalt  }
0x71: {  	_ =	shalt  }
0x72: {  	_ =	shalt  }
0x73: {  	_ =	shalt  }
0x74: {  	_ =	shalt  }
0x75: {  	_ =	shalt  }
0x76: {  	_ =	shalt  }
0x77: {  	_ =	shalt  }
0x78: {  	_ =	shalt  }
0x79: {  	_ =	shalt  }
0x7a: {  	_ =	shalt  }
0x7b: {  	_ =	shalt  }
0x7c: {  	_ =	shalt  }
0x7d: {  	_ =	shalt  }
0x7e: {  	_ =	shalt  }
0x7f: {  	_ =	shalt  }
0x80: {  	_ =	shalt  }
0x81: {  	_ =	shalt  }
0x82: {  	_ =	shalt  }
0x83: {  	_ =	shalt  }
0x84: {  	_ =	shalt  }
0x85: {  	_ =	shalt  }
0x86: {  	_ =	shalt  }
0x87: {  	_ =	shalt  }
.Lfunc_end0:
.L_simem_size_0:
called_computation.2_lowered:
.L_overlay_start_0:
0x88: {  	s2 =	sld [smem:$0x3FD9]  }
0x89: {  	s3 =	sld [smem:$0x3FFE];
	_ =	sdelay $0x1  }
0x8a: {  	s1 =	srdreg.scid  }
0x8b: {  	s0 =	sand.u32 $0x1, s1  }
0x8c: {  	s17 =	sshll.u32 s0, $0xA;
	s2 =	sadd.s32 s3, s2  }
0x8d: {  	s2 =	sadd.s32 s2, s17  }
0x8e: {  	[smem:$0x3FB9] =	sst s2  }
0x8f: {  	_ = 	snop  }
0x90: {  	s2 =	sld [smem:$0x3FD0];
	(tm) =	ssettm $0x1  }
0x91: {  	s18 =	sld [smem:$0x3FFB];
	_ =	sdelay $0x3  }
0x92: {  	_ =	strace s18  }
0x93: {  	s3 =	sld [smem:$0x3FFC];
	_ =	sdelay $0x3  }
0x94: {  	_ =	strace s3  }
0x95: {  	s3 =	sld [smem:$0x3FFD];
	_ =	sdelay $0x3  }
0x96: {  	_ =	strace s3  }
0x97: {  	_ =	strace $0x8FFFFFFF  }
0x98: {  	s19 =	sld [smem:$0x3FDB];
	_ =	sdelay $0x1  }
0x99: {  	s4 =	simm.s32 $_scs_section_size  }
0x9a: {  	s5 =	simm.s32 $_size__tile_overlayer_lowered;
	s6 =	simm.s32 $_tile_overlayer_lowered  }
0x9b: {  	s22 =	simm.s32 $0x1BFF;
	s21 =	sshll.u32 s6, $0x1;
	s3 =	sadd.s32 s4, s19  }
0x9c: {  	s7 =	simm.s32 $0x0;
	s20 =	sshll.u32 s5, $0x1;
	s5 =	sadd.s32 s21, s3  }
0x9d: {  	[timem:s7], [sflag:s22] =	dma.local [hbm:s5], s20  }
0x9e: {  	_ =	swait.ge [sflag:s22], s20  }
0x9f: {  	s4 =	ssub.s32 $0x0, s20;
	[sflag:s22] =	ssyncset.done $0x0  }
0xa0: {  	[sflag:s22] =	ssyncadd.s32 s4;
	_ =	sdelay $0x1  }
0xa1: {  	s23 =	simm.s32 $0x1B8B  }
0xa2: {  	_ =	swait.ge [sflag:s23], $0x1  }
0xa3: {  	[sflag:s23] =	ssyncset.done $0x0  }
0xa4: {  	s25 =	simm.s32 $0x1B8E;
	s24 =	sld [smem:$0x3FFE];
	[sflag:s23] =	ssyncadd.s32 $0xFFFFFFFF  }
0xa5: {  	s26 =	simm.s32 $execute0_lowered;
	[smem:$0x3FD2] =	sst s25  }
0xa6: {  	s5 =	sshll.u32 s26, $0x1;
	_ =	strace $0x8000004C;
	[dreg:$0x1] =	wrdreg $0xFFFFFFFF  }
0xa7: {  	s28 =	simm.s32 $_size_execute0_lowered;
	s3 =	sadd.s32 s3, s5;
	[dreg:$0x0] =	wrdreg $0x0  }
0xa8: {  	s5 =	sshll.u32 s28, $0x1;
	[dreg:$0x2] =	wrdreg s3  }
0xa9: {  	[dreg:$0x3] =	wrdreg s5  }
0xaa: {  	[dreg:$0x4] =	wrdreg $0xC0  }
0xab: {  	_ =	task [dreg:s7], $0x5FFFF  }
0xac: {  	[dreg:$0x1] =	wrdreg $0xFFFFFFFF  }
0xad: {  	[dreg:$0x0] =	wrdreg $0x60  }
0xae: {  	[dreg:$0x2] =	wrdreg s24  }
0xaf: {  	[dreg:$0x3] =	wrdreg s2  }
0xb0: {  	[dreg:$0x4] =	wrdreg $0x0  }
0xb1: {  	[dreg:$0x5] =	wrdreg $0x9  }
0xb2: {  	_ =	task.clear_ibuf [dreg:s7], $0x6FFFF;
	_ =	strace $0x9000004C  }
0xb3: {  	s29 =	simm.s32 $0x9;
	_ =	strace $0x8000004E  }
0xb4: {  	_ =	swait.ge [sflag:s29], $0x1  }
0xb5: {  	[sflag:s29] =	ssyncadd.s32 $0xFFFFFFFF  }
0xb6: {  	_ =	strace $0x9000004E  }
0xb7: {  	_ =	sfence  }
0xb8: {  	s30 =	sld [smem:$0x0];
	_ =	sdelay $0x2  }
0xb9: {  	s31 =	sshll.u32 s1, $0xD;
	s1 =	sshrl.u32 s1, $0x2  }
0xba: {  	s3 =	sand.u32 $0x4000, s31;
	s1 =	sadd.s32 s1, s30  }
0xbb: {  	s0 =	sor.u32 s3, s0;
	s1 =	sshll.u32 s1, $0x11  }
0xbc: {  	s0 =	sor.u32 s1, s0  }
0xbd: {  	s0 =	sadd.s32 $0x8F2B, s0  }
0xbe: {  	[sflag:s0] =	ssyncadd.remote.s32 $0x1  }
0xbf: {  	_ =	sfence.sel $0xFFFF  }
0xc0: {  	[dreg:$0x0] =	wrdreg $0xFFFFFFFF;
	(pc) =	sbr.abs _section_cstart, $3  }
0xc1: {  	[dreg:$0x1] =	wrdreg $0xFFFFFFFF  }
0xc2: {  	_ =	task.clear_ibuf [dreg:s7], $0x2FFFF;
	_ =	strace $0x9FFFFFFF  }
0xc3: {  	(tm) =	ssettm $0x7FFFFFFF  }
tec
execute0_lowered:
.L_overlay_start_1:
0x0: {  	(tag) =	ssettag $0x1  }
0x1: {  	s0 =	rddreg [dreg:$0x0];
	s1 =	srdreg.scid  }
0x2: {  	s4 =	rddreg [dreg:$0x1];
	s16 =	stileid.u32;
	s28 =	simm.s32 $0x2  }
0x3: {  	s29 =	simm.s32 $0x3;
	s30 =	simm.s32 $0x4;
	s7 =	smul.u32 $0x14000, s16  }
0x4: {  	s31 =	simm.s32 $0x0;
	s5 =	sand.u32 $0x1, s1;
	s24 =	smul.u32 $0x2800, s16  }
0x5: {  	s8 =	sadd.s32 $0x85A00, s0;
	s1 =	ssub.s32 $0x2, s5;
	s6 =	smul.u32 $0x140000, s5  }
0x6: {  	s3 =	sshll.u32 s5, $0x4;
	s5 =	smul.u32 $0x28000, s5;
	s2 =	sshrl.u32 s1, $0x1  }
0x7: {  	s11 =	sor.u32 s16, s3;
	s3 =	sadd.s32 $0x4000, s7;
	s20 =	sadd.s32 $0xA000, s7  }
0x8: {  	s1 =	ssub.s32 s1, s2;
	s9 =	smul.u32 $0x2800, s11;
	s12 =	sadd.s32 s6, s7  }
0x9: {  	s2 =	sor.u32 $0x2000, s7;
	s14 =	sadd.s32 s6, s3;
	s21 =	sadd.s32 s6, s20  }
0xa: {  	s5 =	sadd.s32 s24, s5;
	s10 =	sshrl.u32 s12, $0x3;
	s11 =	sadd.s32 s6, s2  }
0xb: {  	s15 =	sshrl.u32 s14, $0x3;
	s14 =	sadd.s32 $0x8000, s7;
	s22 =	sshrl.u32 s21, $0x3  }
0xc: {  	s21 =	sadd.s32 $0xC000, s7;
	s1 =	smax.u32 s1, $0x1;
	s10 =	sadd.s32 s8, s10  }
0xd: {  	s13 =	sshrl.u32 s11, $0x3;
	s18 =	sadd.s32 s6, s14;
	s23 =	sadd.s32 s6, s21  }
0xe: {  	[dreg:$0x4] =	wrdreg s10;
	s10 =	sadd.s32 s8, s13;
	s13 =	sadd.s32 $0x6000, s7  }
0xf: {  	[dreg:$0x5] =	wrdreg s10;
	s10 =	sadd.s32 s8, s15;
	s17 =	sadd.s32 s6, s13  }
0x10: {  	s19 =	sshrl.u32 s18, $0x3;
	[dreg:$0x6] =	wrdreg s10;
	s10 =	sshrl.u32 s17, $0x3  }
0x11: {  	s18 =	sadd.s32 $0x2BA00, s0;
	s15 =	sshrl.u32 s5, $0x3;
	s10 =	sadd.s32 s8, s10  }
0x12: {  	s17 =	sshrl.u32 s9, $0x3;
	[dreg:$0x7] =	wrdreg s10;
	s10 =	sadd.s32 s8, s19  }
0x13: {  	s19 =	sor.u32 $0x180, s5;
	s5 =	sor.u32 $0x100, s5;
	[dreg:$0x8] =	wrdreg s10  }
0x14: {  	s10 =	sadd.s32 s8, s22;
	s22 =	sadd.s32 $0xE000, s7;
	s24 =	sshrl.u32 s19, $0x3  }
0x15: {  	[dreg:$0x9] =	wrdreg s10;
	s10 =	sshrl.u32 s23, $0x3;
	s25 =	sadd.s32 s6, s22  }
0x16: {  	s23 =	sadd.s32 $0x10000, s7;
	s7 =	sadd.s32 $0x12000, s7;
	s10 =	sadd.s32 s8, s10  }
0x17: {  	s26 =	sadd.s32 s6, s23;
	[dreg:$0xa] =	wrdreg s10;
	s10 =	sshrl.u32 s25, $0x3  }
0x18: {  	s6 =	sadd.s32 s6, s7;
	s11 =	sshrl.u32 s26, $0x3;
	s10 =	sadd.s32 s8, s10  }
0x19: {  	s6 =	sshrl.u32 s6, $0x3;
	s12 =	sadd.s32 s8, s11;
	[dreg:$0xb] =	wrdreg s10  }
0x1a: {  	s5 =	sshrl.u32 s5, $0x3;
	s6 =	sadd.s32 s8, s6;
	[dreg:$0xc] =	wrdreg s12  }
0x1b: {  	s25 =	smul.u32 $0x50000, s16;
	s11 =	simm.s32 $0x0;
	[dreg:$0xd] =	wrdreg s6  }
0x1c: {  	s16 =	sadd.s32 s24, s18;
	[smem:$0x7FF] =	sst s11;
	s12 =	sadd.s32 s15, s4  }
0x1d: {  	s4 =	sadd.s32 s4, s17;
	s10 =	sadd.s32 s18, s17;
	s15 =	rddreg [dreg:$0x2]  }
0x1e: {  	s17 =	sadd.s32 s5, s18;
	s18 =	sadd.s32 $0x3A00, s0;
	s26 =	sshrl.u32 s25, $0x2  }
0x1f: {  	_ =	strace $0x8000004D;
	s19 =	sadd.s32 s26, s15;
	[dreg:$0xe] =	wrdreg s1  }
0x20: {  	s5 =	sadd.s32 $0x4E0, s4;
	s6 =	sadd.s32 $0x4F0, s4;
	s8 =	sadd.s32 s2, s15  }
0x21: {  	s9 =	sadd.s32 s3, s15;
	s13 =	sadd.s32 s13, s15;
	[dreg:$0xf] =	wrdreg s5  }
0x22: {  	s14 =	sadd.s32 s14, s15;
	[dreg:$0x10] =	wrdreg s6;
	s0 =	sshrl.u32 s8, $0x3  }
0x23: {  	s20 =	sadd.s32 s20, s15;
	s1 =	sshrl.u32 s9, $0x3;
	[dreg:$0x11] =	wrdreg s0  }
0x24: {  	s24 =	sadd.s32 s21, s15;
	s9 =	sshrl.u32 s13, $0x3;
	[dreg:$0x12] =	wrdreg s1  }
0x25: {  	s25 =	sadd.s32 s22, s15;
	s13 =	sshrl.u32 s14, $0x3;
	[dreg:$0x13] =	wrdreg s9  }
0x26: {  	s26 =	sadd.s32 s23, s15;
	s14 =	sshrl.u32 s20, $0x3;
	[dreg:$0x14] =	wrdreg s13  }
0x27: {  	s7 =	sadd.s32 s7, s15;
	s20 =	sshrl.u32 s24, $0x3;
	[dreg:$0x15] =	wrdreg s14  }
0x28: {  	s2 =	smov.u32 s10;
	s21 =	sshrl.u32 s25, $0x3;
	[dreg:$0x16] =	wrdreg s20  }
0x29: {  	s22 =	sshrl.u32 s26, $0x3;
	s23 =	sshrl.u32 s7, $0x3;
	[dreg:$0x17] =	wrdreg s21  }
0x2a: {  	s24 =	sadd.s32 $0x10, s10;
	s25 =	sadd.s32 $0x2000, s19;
	[dreg:$0x18] =	wrdreg s22  }
0x2b: {  	s26 =	sadd.s32 $0x4000, s19;
	s3 =	sadd.s32 $0x6000, s19;
	[dreg:$0x19] =	wrdreg s23  }
0x2c: {  	s4 =	sadd.s32 $0x8000, s19;
	s5 =	sadd.s32 $0xA000, s19;
	[dreg:$0x1a] =	wrdreg s24  }
0x2d: {  	s6 =	sadd.s32 $0xC000, s19;
	s7 =	sadd.s32 $0xE000, s19;
	[dreg:$0x1b] =	wrdreg s25  }
0x2e: {  	s8 =	sadd.s32 $0x10000, s19;
	s10 =	simm.s32 $0x14000;
	[dreg:$0x1c] =	wrdreg s26  }
0x2f: {  	s9 =	sadd.s32 $0x12000, s19;
	s13 =	simm.s32 $0x5;
	s20 =	simm.s32 $0x1C000  }
0x30: {  	s21 =	simm.s32 $0x80;
	s22 =	simm.s32 $0x1C080;
	s23 =	simm.s32 $0x18000  }
0x31: {  	v0 =	vimm.f32 $0.0e+00;
	s24 =	simm.s32 $0x1C100;
	s25 =	simm.s32 $0x1C180;
	s26 =	simm.s32 $0x1  }
.LBB2_1:
0x32: {  	s14 =	simm.s32 $0x0;
	s0 =	simm.s32 $0x200  }
.LBB2_2:
0x33: {  	p0 =	sne.s32 s0, $0xFE00;
	[tilespmem:s14+$0x14070] =	vst v0  }
0x34: {  	[tilespmem:s14+$0x14000] =	vst v0  }
0x35: {  	[tilespmem:s14+$0x14010] =	vst v0  }
.Ltmp0:
0x36: {  	[tilespmem:s14+$0x14020] =	vst v0;
	(pc) =	sbr.rel @p0 .LBB2_2-.Ltmp0, $4  }
0x37: {  	[tilespmem:s14+$0x14030] =	vst v0  }
0x38: {  	[tilespmem:s14+$0x14040] =	vst v0  }
0x39: {  	[tilespmem:s14+$0x14050] =	vst v0  }
0x3a: {  	[tilespmem:s14+$0x14060] =	vst v0;
	s14 =	sshra.s32 s0, $0x2;
	s0 =	sadd.s32 $0x200, s0  }
0x3b: {  	[tilespmem:s14+$0x14070] =	vst v0  }
0x3c: {  	[tilespmem:s14+$0x14000] =	vst v0  }
0x3d: {  	[tilespmem:s14+$0x14010] =	vst v0  }
0x3e: {  	[tilespmem:s14+$0x14020] =	vst v0  }
0x3f: {  	[tilespmem:s14+$0x14030] =	vst v0  }
0x40: {  	[tilespmem:s14+$0x14040] =	vst v0  }
0x41: {  	[tilespmem:s14+$0x14050] =	vst v0  }
0x42: {  	[tilespmem:s14+$0x14060] =	vst v0  }
0x43: {  	[spmem:s19] =	stream.linear.scatter [tilespmem:s10], [sflag:$0x5], $0x2000, $0x38;
	[tilespmem:$0x1C200] =	vst v63  }
0x44: {  	_ =	swait.ge [sflag:s13], $0x2000  }
0x45: {  	[sflag:s13] =	ssyncset.done $0x0  }
0x46: {  	s0 =	rddreg [dreg:$0x1b];
	[sflag:s13] =	ssyncadd.s32 $0xFFFFE000  }
0x47: {  	[spmem:s0] =	stream.linear.scatter [tilespmem:s10], [sflag:$0x5], $0x2000, $0x38;
	[tilespmem:$0x1C200] =	vst v63  }
0x48: {  	_ =	swait.ge [sflag:s13], $0x2000  }
0x49: {  	[sflag:s13] =	ssyncset.done $0x0  }
0x4a: {  	s1 =	rddreg [dreg:$0x1c];
	[sflag:s13] =	ssyncadd.s32 $0xFFFFE000  }
0x4b: {  	[spmem:s1] =	stream.linear.scatter [tilespmem:s10], [sflag:$0x5], $0x2000, $0x38;
	[tilespmem:$0x1C200] =	vst v63  }
0x4c: {  	_ =	swait.ge [sflag:s13], $0x2000  }
0x4d: {  	[sflag:s13] =	ssyncset.done $0x0  }
0x4e: {  	[sflag:s13] =	ssyncadd.s32 $0xFFFFE000  }
0x4f: {  	[spmem:s3] =	stream.linear.scatter [tilespmem:s10], [sflag:$0x5], $0x2000, $0x38;
	[tilespmem:$0x1C200] =	vst v63  }
0x50: {  	_ =	swait.ge [sflag:s13], $0x2000  }
0x51: {  	[sflag:s13] =	ssyncset.done $0x0  }
0x52: {  	[sflag:s13] =	ssyncadd.s32 $0xFFFFE000  }
0x53: {  	[spmem:s4] =	stream.linear.scatter [tilespmem:s10], [sflag:$0x5], $0x2000, $0x38;
	[tilespmem:$0x1C200] =	vst v63  }
0x54: {  	_ =	swait.ge [sflag:s13], $0x2000  }
0x55: {  	[sflag:s13] =	ssyncset.done $0x0  }
0x56: {  	[sflag:s13] =	ssyncadd.s32 $0xFFFFE000  }
0x57: {  	[spmem:s5] =	stream.linear.scatter [tilespmem:s10], [sflag:$0x5], $0x2000, $0x38;
	[tilespmem:$0x1C200] =	vst v63  }
0x58: {  	_ =	swait.ge [sflag:s13], $0x2000  }
0x59: {  	[sflag:s13] =	ssyncset.done $0x0  }
0x5a: {  	[sflag:s13] =	ssyncadd.s32 $0xFFFFE000  }
0x5b: {  	[spmem:s6] =	stream.linear.scatter [tilespmem:s10], [sflag:$0x5], $0x2000, $0x38;
	[tilespmem:$0x1C200] =	vst v63  }
0x5c: {  	_ =	swait.ge [sflag:s13], $0x2000  }
0x5d: {  	[sflag:s13] =	ssyncset.done $0x0  }
0x5e: {  	[sflag:s13] =	ssyncadd.s32 $0xFFFFE000  }
0x5f: {  	[spmem:s7] =	stream.linear.scatter [tilespmem:s10], [sflag:$0x5], $0x2000, $0x38;
	[tilespmem:$0x1C200] =	vst v63  }
0x60: {  	_ =	swait.ge [sflag:s13], $0x2000  }
0x61: {  	[sflag:s13] =	ssyncset.done $0x0  }
0x62: {  	[sflag:s13] =	ssyncadd.s32 $0xFFFFE000  }
0x63: {  	[spmem:s8] =	stream.linear.scatter [tilespmem:s10], [sflag:$0x5], $0x2000, $0x38;
	[tilespmem:$0x1C200] =	vst v63  }
0x64: {  	_ =	swait.ge [sflag:s13], $0x2000  }
0x65: {  	[sflag:s13] =	ssyncset.done $0x0  }
0x66: {  	[sflag:s13] =	ssyncadd.s32 $0xFFFFE000  }
0x67: {  	[spmem:s9] =	stream.linear.scatter [tilespmem:s10], [sflag:$0x5], $0x2000, $0x38;
	[tilespmem:$0x1C200] =	vst v63  }
0x68: {  	_ =	swait.ge [sflag:s13], $0x2000  }
0x69: {  	[sflag:s13] =	ssyncset.done $0x0  }
0x6a: {  	[sflag:s13] =	ssyncadd.s32 $0xFFFFE000  }
0x6b: {  	s14 =	simm.s32 $0x0;
	[bflag:$0x0] =	sbarrier.arrive $0xFFFF  }
0x6c: {  	[tilespmem:s20], [sflag:$0x5] =	stream.linear.gather [hbm4b:s2+s14], $0x80, $0x38;
	[tilespmem:$0x1C200] =	vst v63  }
0x6d: {  	_ =	swait.ge [sflag:s13], $0x80  }
0x6e: {  	[sflag:s13] =	ssyncset.done $0x0  }
0x6f: {  	[sflag:s13] =	ssyncadd.s32 $0xFFFFFF80  }
0x70: {  	[tilespmem:s10], [sflag:$0x1] =	stream.indirect.gather [hbm4b:s18+s21], $0x80, s20, s21, $0xb8;
	[tilespmem:$0x1C200] =	vst v63  }
0x71: {  	s1 =	rddreg [dreg:$0x1a]  }
0x72: {  	[tilespmem:s22], [sflag:$0x5] =	stream.linear.gather [hbm4b:s1+s14], $0x80, $0x38;
	[tilespmem:$0x1C200] =	vst v63  }
0x73: {  	_ =	swait.ge [sflag:s13], $0x80  }
0x74: {  	[sflag:s13] =	ssyncset.done $0x0  }
0x75: {  	[sflag:s13] =	ssyncadd.s32 $0xFFFFFF80  }
0x76: {  	[tilespmem:s23], [sflag:$0x2] =	stream.indirect.gather [hbm4b:s18+s21], $0x80, s22, s21, $0xb8;
	[tilespmem:$0x1C200] =	vst v63  }
0x77: {  	s14 =	sadd.s32 $0x0, s12  }
0x78: {  	[tilespmem:s24], [sflag:$0x5] =	stream.linear.gather [hbm4b:s14+s11], $0x80, $0x38;
	[tilespmem:$0x1C200] =	vst v63  }
0x79: {  	_ =	swait.ge [sflag:s13], $0x80  }
0x7a: {  	[sflag:s13] =	ssyncset.done $0x0  }
0x7b: {  	s0 =	sadd.s32 $0x10, s14;
	[sflag:s13] =	ssyncadd.s32 $0xFFFFFF80  }
0x7c: {  	[tilespmem:s25], [sflag:$0x5] =	stream.linear.gather [hbm4b:s0+s11], $0x80, $0x38;
	[tilespmem:$0x1C200] =	vst v63  }
0x7d: {  	_ =	swait.ge [sflag:s13], $0x80  }
0x7e: {  	[sflag:s13] =	ssyncset.done $0x0  }
0x7f: {  	[sflag:s13] =	ssyncadd.s32 $0xFFFFFF80  }
0x80: {  	_ =	swait.ge [sflag:s26], $0x4000  }
0x81: {  	[sflag:s26] =	ssyncset.done $0x0  }
0x82: {  	[sflag:s26] =	ssyncadd.s32 $0xFFFFC000  }
0x83: {  	[spmem:s15] =	stream.indirect.scatter.add.f32 [tilespmem:s10], [sflag:$0x3], $0x80, s24, s21, $0xb8;
	[tilespmem:$0x1C200] =	vst v63  }
0x84: {  	_ =	swait.ge [sflag:s28], $0x4000  }
0x85: {  	[sflag:s28] =	ssyncset.done $0x0  }
0x86: {  	[sflag:s28] =	ssyncadd.s32 $0xFFFFC000  }
0x87: {  	[spmem:s15] =	stream.indirect.scatter.add.f32 [tilespmem:s23], [sflag:$0x4], $0x80, s25, s21, $0xb8;
	[tilespmem:$0x1C200] =	vst v63  }
0x88: {  	_ =	swait.ge [sflag:s29], $0x4000  }
0x89: {  	[sflag:s29] =	ssyncset.done $0x0  }
0x8a: {  	[sflag:s29] =	ssyncadd.s32 $0xFFFFC000  }
0x8b: {  	_ =	swait.ge [sflag:s30], $0x4000  }
0x8c: {  	[sflag:s30] =	ssyncset.done $0x0  }
0x8d: {  	s1 =	sadd.s32 $0x0, s17;
	[sflag:s30] =	ssyncadd.s32 $0xFFFFC000  }
0x8e: {  	[tilespmem:s20], [sflag:$0x5] =	stream.linear.gather [hbm4b:s1+s11], $0x80, $0x38;
	[tilespmem:$0x1C200] =	vst v63  }
0x8f: {  	_ =	swait.ge [sflag:s13], $0x80  }
0x90: {  	[sflag:s13] =	ssyncset.done $0x0  }
0x91: {  	[sflag:s13] =	ssyncadd.s32 $0xFFFFFF80  }
0x92: {  	[tilespmem:s10], [sflag:$0x1] =	stream.indirect.gather [hbm4b:s18+s21], $0x80, s20, s21, $0xb8;
	[tilespmem:$0x1C200] =	vst v63  }
0x93: {  	s14 =	sadd.s32 $0x0, s16  }
0x94: {  	[tilespmem:s22], [sflag:$0x5] =	stream.linear.gather [hbm4b:s14+s11], $0x80, $0x38;
	[tilespmem:$0x1C200] =	vst v63  }
0x95: {  	_ =	swait.ge [sflag:s13], $0x80  }
0x96: {  	[sflag:s13] =	ssyncset.done $0x0  }
0x97: {  	s14 =	simm.s32 $0x20;
	[sflag:s13] =	ssyncadd.s32 $0xFFFFFF80  }
.LBB2_4:
0x98: {  	[tilespmem:s23], [sflag:$0x2] =	stream.indirect.gather [hbm4b:s18+s21], $0x80, s22, s21, $0xb8;
	[tilespmem:$0x1C200] =	vst v63  }
0x99: {  	s0 =	smov.u32 s14  }
0x9a: {  	p0 =	sne.s32 s14, $0x4C0;
	s14 =	sadd.s32 $0x20, s14;
	s1 =	sadd.s32 s0, s12  }
0x9b: {  	[tilespmem:s24], [sflag:$0x5] =	stream.linear.gather [hbm4b:s1+s11], $0x80, $0x38;
	[tilespmem:$0x1C200] =	vst v63  }
0x9c: {  	_ =	swait.ge [sflag:s13], $0x80  }
0x9d: {  	[sflag:s13] =	ssyncset.done $0x0  }
0x9e: {  	s1 =	sadd.s32 $0x10, s1;
	[sflag:s13] =	ssyncadd.s32 $0xFFFFFF80  }
0x9f: {  	[tilespmem:s25], [sflag:$0x5] =	stream.linear.gather [hbm4b:s1+s11], $0x80, $0x38;
	[tilespmem:$0x1C200] =	vst v63  }
0xa0: {  	_ =	swait.ge [sflag:s13], $0x80  }
0xa1: {  	[sflag:s13] =	ssyncset.done $0x0  }
0xa2: {  	[sflag:s13] =	ssyncadd.s32 $0xFFFFFF80  }
0xa3: {  	_ =	swait.ge [sflag:s26], $0x4000  }
0xa4: {  	[sflag:s26] =	ssyncset.done $0x0  }
0xa5: {  	[sflag:s26] =	ssyncadd.s32 $0xFFFFC000  }
0xa6: {  	[spmem:s15] =	stream.indirect.scatter.add.f32 [tilespmem:s10], [sflag:$0x3], $0x80, s24, s21, $0xb8;
	[tilespmem:$0x1C200] =	vst v63  }
0xa7: {  	_ =	swait.ge [sflag:s28], $0x4000  }
0xa8: {  	[sflag:s28] =	ssyncset.done $0x0  }
0xa9: {  	[sflag:s28] =	ssyncadd.s32 $0xFFFFC000  }
0xaa: {  	[spmem:s15] =	stream.indirect.scatter.add.f32 [tilespmem:s23], [sflag:$0x4], $0x80, s25, s21, $0xb8;
	[tilespmem:$0x1C200] =	vst v63  }
0xab: {  	_ =	swait.ge [sflag:s29], $0x4000  }
0xac: {  	[sflag:s29] =	ssyncset.done $0x0  }
0xad: {  	[sflag:s29] =	ssyncadd.s32 $0xFFFFC000  }
0xae: {  	_ =	swait.ge [sflag:s30], $0x4000  }
0xaf: {  	[sflag:s30] =	ssyncset.done $0x0  }
0xb0: {  	s1 =	sadd.s32 s0, s17;
	[sflag:s30] =	ssyncadd.s32 $0xFFFFC000  }
0xb1: {  	[tilespmem:s20], [sflag:$0x5] =	stream.linear.gather [hbm4b:s1+s11], $0x80, $0x38;
	[tilespmem:$0x1C200] =	vst v63  }
0xb2: {  	_ =	swait.ge [sflag:s13], $0x80  }
0xb3: {  	[sflag:s13] =	ssyncset.done $0x0  }
0xb4: {  	[sflag:s13] =	ssyncadd.s32 $0xFFFFFF80  }
0xb5: {  	[tilespmem:s10], [sflag:$0x1] =	stream.indirect.gather [hbm4b:s18+s21], $0x80, s20, s21, $0xb8;
	[tilespmem:$0x1C200] =	vst v63  }
.Ltmp1:
0xb6: {  	s0 =	sadd.s32 s0, s16;
	(pc) =	sbr.rel @p0 .LBB2_4-.Ltmp1, $4  }
0xb7: {  	[tilespmem:s22], [sflag:$0x5] =	stream.linear.gather [hbm4b:s0+s11], $0x80, $0x38;
	[tilespmem:$0x1C200] =	vst v63  }
0xb8: {  	_ =	swait.ge [sflag:s13], $0x80  }
0xb9: {  	[sflag:s13] =	ssyncset.done $0x0  }
0xba: {  	[sflag:s13] =	ssyncadd.s32 $0xFFFFFF80  }
0xbb: {  	[tilespmem:s23], [sflag:$0x2] =	stream.indirect.gather [hbm4b:s18+s21], $0x80, s22, s21, $0xb8;
	[tilespmem:$0x1C200] =	vst v63  }
0xbc: {  	s0 =	rddreg [dreg:$0xf]  }
0xbd: {  	[tilespmem:s24], [sflag:$0x5] =	stream.linear.gather [hbm4b:s0+s11], $0x80, $0x38;
	[tilespmem:$0x1C200] =	vst v63  }
0xbe: {  	_ =	swait.ge [sflag:s13], $0x80  }
0xbf: {  	[sflag:s13] =	ssyncset.done $0x0  }
0xc0: {  	s14 =	rddreg [dreg:$0x10];
	[sflag:s13] =	ssyncadd.s32 $0xFFFFFF80  }
0xc1: {  	[tilespmem:s25], [sflag:$0x5] =	stream.linear.gather [hbm4b:s14+s11], $0x80, $0x38;
	[tilespmem:$0x1C200] =	vst v63  }
0xc2: {  	_ =	swait.ge [sflag:s13], $0x80  }
0xc3: {  	[sflag:s13] =	ssyncset.done $0x0  }
0xc4: {  	[sflag:s13] =	ssyncadd.s32 $0xFFFFFF80  }
0xc5: {  	_ =	swait.ge [sflag:s26], $0x4000  }
0xc6: {  	[sflag:s26] =	ssyncset.done $0x0  }
0xc7: {  	[sflag:s26] =	ssyncadd.s32 $0xFFFFC000  }
0xc8: {  	[spmem:s15] =	stream.indirect.scatter.add.f32 [tilespmem:s10], [sflag:$0x3], $0x80, s24, s21, $0xb8;
	[tilespmem:$0x1C200] =	vst v63  }
0xc9: {  	_ =	swait.ge [sflag:s28], $0x4000  }
0xca: {  	[sflag:s28] =	ssyncset.done $0x0  }
0xcb: {  	[sflag:s28] =	ssyncadd.s32 $0xFFFFC000  }
0xcc: {  	[spmem:s15] =	stream.indirect.scatter.add.f32 [tilespmem:s23], [sflag:$0x4], $0x80, s25, s21, $0xb8;
	[tilespmem:$0x1C200] =	vst v63  }
0xcd: {  	_ =	swait.ge [sflag:s29], $0x4000  }
0xce: {  	[sflag:s29] =	ssyncset.done $0x0  }
0xcf: {  	[sflag:s29] =	ssyncadd.s32 $0xFFFFC000  }
0xd0: {  	_ =	swait.ge [sflag:s30], $0x4000  }
0xd1: {  	[sflag:s30] =	ssyncset.done $0x0  }
0xd2: {  	s1 =	stileid.u32;
	[sflag:s30] =	ssyncadd.s32 $0xFFFFC000  }
0xd3: {  	s0 =	sshll.u32 s1, $0x6;
	[bflag:$0x0] =	sbarrier.arrive $0xFFFF  }
0xd4: {  	s1 =	sshrl.u32 s19, $0x3;
	s0 =	sor.u32 $0x1C05, s0;
	s14 =	rddreg [dreg:$0x4]  }
0xd5: {  	[hbm:s14], [sflag:s0] =	dma.local [spmem:s1], $0x400  }
0xd6: {  	_ =	swait.ge [sflag:s13], $0x400  }
0xd7: {  	[sflag:s13] =	ssyncset.done $0x0;
	s1 =	rddreg [dreg:$0x5]  }
0xd8: {  	s14 =	rddreg [dreg:$0x11];
	[sflag:s13] =	ssyncadd.s32 $0xFFFFFC00  }
0xd9: {  	[hbm:s1], [sflag:s0] =	dma.local [spmem:s14], $0x400  }
0xda: {  	_ =	swait.ge [sflag:s13], $0x400  }
0xdb: {  	[sflag:s13] =	ssyncset.done $0x0;
	s1 =	rddreg [dreg:$0x6]  }
0xdc: {  	s14 =	rddreg [dreg:$0x12];
	[sflag:s13] =	ssyncadd.s32 $0xFFFFFC00  }
0xdd: {  	[hbm:s1], [sflag:s0] =	dma.local [spmem:s14], $0x400  }
0xde: {  	_ =	swait.ge [sflag:s13], $0x400  }
0xdf: {  	[sflag:s13] =	ssyncset.done $0x0;
	s1 =	rddreg [dreg:$0x7]  }
0xe0: {  	s14 =	rddreg [dreg:$0x13];
	[sflag:s13] =	ssyncadd.s32 $0xFFFFFC00  }
0xe1: {  	[hbm:s1], [sflag:s0] =	dma.local [spmem:s14], $0x400  }
0xe2: {  	_ =	swait.ge [sflag:s13], $0x400  }
0xe3: {  	[sflag:s13] =	ssyncset.done $0x0;
	s1 =	rddreg [dreg:$0x8]  }
0xe4: {  	s14 =	rddreg [dreg:$0x14];
	[sflag:s13] =	ssyncadd.s32 $0xFFFFFC00  }
0xe5: {  	[hbm:s1], [sflag:s0] =	dma.local [spmem:s14], $0x400  }
0xe6: {  	_ =	swait.ge [sflag:s13], $0x400  }
0xe7: {  	[sflag:s13] =	ssyncset.done $0x0;
	s1 =	rddreg [dreg:$0x9]  }
0xe8: {  	s14 =	rddreg [dreg:$0x15];
	[sflag:s13] =	ssyncadd.s32 $0xFFFFFC00  }
0xe9: {  	[hbm:s1], [sflag:s0] =	dma.local [spmem:s14], $0x400  }
0xea: {  	_ =	swait.ge [sflag:s13], $0x400  }
0xeb: {  	[sflag:s13] =	ssyncset.done $0x0;
	s1 =	rddreg [dreg:$0xa]  }
0xec: {  	s14 =	rddreg [dreg:$0x16];
	[sflag:s13] =	ssyncadd.s32 $0xFFFFFC00  }
0xed: {  	[hbm:s1], [sflag:s0] =	dma.local [spmem:s14], $0x400  }
0xee: {  	_ =	swait.ge [sflag:s13], $0x400  }
0xef: {  	[sflag:s13] =	ssyncset.done $0x0;
	s1 =	rddreg [dreg:$0xb]  }
0xf0: {  	s14 =	rddreg [dreg:$0x17];
	[sflag:s13] =	ssyncadd.s32 $0xFFFFFC00  }
0xf1: {  	[hbm:s1], [sflag:s0] =	dma.local [spmem:s14], $0x400  }
0xf2: {  	_ =	swait.ge [sflag:s13], $0x400  }
0xf3: {  	[sflag:s13] =	ssyncset.done $0x0;
	s1 =	rddreg [dreg:$0xc]  }
0xf4: {  	s14 =	rddreg [dreg:$0x18];
	[sflag:s13] =	ssyncadd.s32 $0xFFFFFC00  }
0xf5: {  	[hbm:s1], [sflag:s0] =	dma.local [spmem:s14], $0x400  }
0xf6: {  	_ =	swait.ge [sflag:s13], $0x400  }
0xf7: {  	[sflag:s13] =	ssyncset.done $0x0;
	s1 =	rddreg [dreg:$0xd]  }
0xf8: {  	s14 =	rddreg [dreg:$0x19];
	[sflag:s13] =	ssyncadd.s32 $0xFFFFFC00  }
0xf9: {  	[hbm:s1], [sflag:s0] =	dma.local [spmem:s14], $0x400  }
0xfa: {  	_ =	swait.ge [sflag:s13], $0x400  }
0xfb: {  	s31 =	sadd.s32 $0x1, s31;
	s14 =	rddreg [dreg:$0xe]  }
0xfc: {  	p0 =	sne.s32 s31, s14  }
.Ltmp2:
0xfd: {  	_ = 	snop;
	(pc) =	sbr.rel @p0 .LBB2_1-.Ltmp2, $3  }
0xfe: {  	_ =	sdelay $0x1  }
0xff: {  	[sflag:s13] =	ssyncset.done $0x0  }
0x100: {  	[sflag:s13] =	ssyncadd.s32 $0xFFFFFC00  }
0x101: {  	_ =	sfence.sel $0x180000  }
0x102: {  	[bflag:$0x0] =	sbarrier.arrive $0xFFFF  }
0x103: {  	_ =	strace $0x9000004D  }
0x104: {  	s0 =	stileid.u32;
	[bflag:$0x2] =	sbarrier.arrive $0xFFFF  }
0x105: {  	p0 =	sne.s32 s0, $0x0;
	s0 =	rddreg [dreg:$0x3]  }
0x106: {  	s0 =	sadd.s32 @!p0 $0x100000, s0  }
0x107: {  	[sflag:s0] =	ssyncadd.tile.s32 @!p0 $0x1;
	_ =	shalt  }
.Lfunc_end2:
_tile_overlayer_lowered:
.L_overlay_start_2:
0x108: {  	(tag) =	ssettag $0x2  }
0x109: {  	s0 =	rddreg [dreg:$0x0];
	s2 =	stileid.u32  }
0x10a: {  	s1 =	rddreg [dreg:$0x1];
	p0 =	sne.s32 s2, $0x0  }
0x10b: {  	s3 =	rddreg [dreg:$0x2];
	[bflag:$0x3] =	sbarrier.arrive $0xFFFF;
	s2 =	simm.s32 @!p0 $0x1C05  }
0x10c: {  	[timem:s3], [sflag:s2] =	dma.local @!p0 [hbm:s0], s1  }
0x10d: {  	s0 =	simm.s32 @!p0 $0x5  }
0x10e: {  	_ =	swait.ge @!p0 [sflag:s0], s1  }
0x10f: {  	s1 =	ssub.s32 @!p0 $0x0, s1;
	[sflag:s0] =	ssyncset.done @!p0 $0x0  }
0x110: {  	[sflag:s0] =	ssyncadd.s32 @!p0 s1  }
0x111: {  	[bflag:$0x3] =	sbarrier.arrive $0xFFFF  }
0x112: {  	_ =	shalt  }

</sc_bundles>
